<compile_context>
chip_gen: v7x
topology: tpu7x:2x2x1
jax: 0.10.2.dev20260603
libtpu: 0.0.44.dev20260713+nightly
codegen_flags: <defaults>
</compile_context>

<pallas_src>
import functools

import jax
import jax.numpy as jnp
from jax import lax
from jax.experimental import pallas as pl
from jax.experimental.pallas import tpu as pltpu
from jax.experimental.pallas import tpu_sc as plsc

_NW = 32
_CH = 32
_NBUF = 2


def _make_sc_main(b, d, sw):
    nch = sw // _CH
    mesh = plsc.VectorSubcoreMesh(core_axis_name="c", subcore_axis_name="s")

    @functools.partial(
        pl.kernel,
        mesh=mesh,
        out_type=jax.ShapeDtypeStruct((b, 64), jnp.float32),
        scratch_types=[
            pltpu.VMEM((7, sw), jnp.int32),
            pltpu.VMEM((_NBUF, 7, _CH, d), jnp.float32),
            pltpu.VMEM((2, _CH, 64), jnp.float32),
            pltpu.SemaphoreType.DMA,
            pltpu.SemaphoreType.DMA,
            pltpu.SemaphoreType.DMA,
            pltpu.SemaphoreType.DMA,
        ],
    )
    def sc_main(table, idx_hbm, pb_out,
                idx_v, rows_v, pbuf, sem0, sem1, semw0, semw1):
        info = plsc.get_sparse_core_info()
        nc = info.num_cores
        wid = lax.axis_index("s") * nc + lax.axis_index("c")
        base = pl.multiple_of(wid * sw, sw)
        sems = (sem0, sem1)
        semws = (semw0, semw1)

        pltpu.sync_copy(idx_hbm.at[:, pl.ds(base, sw)], idx_v)

        def issue(c, slot):
            off = pl.multiple_of(c * _CH, _CH)
            for q in range(7):
                pltpu.async_copy(
                    table.at[idx_v.at[q, pl.ds(off, _CH)]],
                    rows_v.at[slot, q],
                    sems[slot],
                )

        def wait_slot(slot):
            for q in range(7):
                pltpu.make_async_copy(
                    table.at[idx_v.at[q, pl.ds(0, _CH)]],
                    rows_v.at[slot, q],
                    sems[slot],
                ).wait()

        def issue_write(c, slot):
            off = pl.multiple_of(base + c * _CH, _CH)
            pltpu.async_copy(pbuf.at[slot], pb_out.at[pl.ds(off, _CH)],
                             semws[slot])

        def wait_write(slot):
            pltpu.make_async_copy(pbuf.at[slot],
                                  pb_out.at[pl.ds(0, _CH)],
                                  semws[slot]).wait()

        zero16 = jnp.zeros((16,), jnp.float32)

        def compute_chunk(c, slot, wslot):
            wait_slot(slot)

            @pl.when(c >= 2)
            def _():
                wait_write(wslot)

            def sample_body(s, _):
                acc_p = zero16
                acc_n = zero16
                acc_1 = zero16
                acc_2 = zero16
                for k in range(8):
                    sl_ = pl.ds(k * 16, 16)
                    ra = rows_v[slot, 0, s, sl_]
                    rb = rows_v[slot, 1, s, sl_]
                    rc = rows_v[slot, 2, s, sl_]
                    rd = rows_v[slot, 3, s, sl_]
                    ri = rows_v[slot, 4, s, sl_]
                    rj = rows_v[slot, 5, s, sl_]
                    rl = rows_v[slot, 6, s, sl_]
                    dp = ra - rb
                    dn = rc - rd
                    acc_p = acc_p + dp * dp
                    acc_n = acc_n + dn * dn
                    acc_1 = acc_1 + (ri - rj)
                    acc_2 = acc_2 + (ri - rl)
                pbuf[wslot, s, pl.ds(0, 16)] = acc_p
                pbuf[wslot, s, pl.ds(16, 16)] = acc_n
                pbuf[wslot, s, pl.ds(32, 16)] = acc_1
                pbuf[wslot, s, pl.ds(48, 16)] = acc_2
                return 0

            lax.fori_loop(0, _CH, sample_body, 0, unroll=False)
            issue_write(c, wslot)

        for s0 in range(_NBUF):
            issue(s0, s0)

        def steady(c4, _):
            for sl in range(_NBUF):
                c = c4 * _NBUF + sl
                compute_chunk(c, sl, sl % 2)

                @pl.when(c4 < nch // _NBUF - 1)
                def _():
                    issue(c + _NBUF, sl)

            return 0

        lax.fori_loop(0, nch // _NBUF, steady, 0, unroll=False)
        wait_write(0)
        wait_write(1)

    return sc_main


def _lsmooth_body(e_ref, o_ref):
    i = pl.program_id(0)
    d = e_ref[1:, :, :] - e_ref[:-1, :, :]
    s = jnp.sum(d * d)

    @pl.when(i == 0)
    def _():
        o_ref[:, :] = jnp.zeros((1, 1), jnp.float32)

    o_ref[:, :] += jnp.reshape(s, (1, 1))


def _combine_body(b, d, t, v, pb_ref, w_ref, c0_ref, c1_ref, c2_ref,
                  th_ref, be_ref, lsm_ref, o_ref):
    i = pl.program_id(0)
    pbb = pb_ref[0]
    row = lax.broadcasted_iota(jnp.int32, (4, 64), 0)
    col = lax.broadcasted_iota(jnp.int32, (4, 64), 1)
    mt = jnp.where(col // 16 == row, 1.0, 0.0).astype(jnp.float32)
    fold = lax.dot_general(mt, pbb, (((1,), (1,)), ((), ())),
                           preferred_element_type=jnp.float32)
    dist_p = fold[0]
    dist_n = fold[1]
    t1 = fold[2]
    t2 = fold[3]

    m = jnp.maximum(dist_p - dist_n + 1.0, 0.0)
    lprox_part = jnp.sum(m * w_ref[0, 0])

    s = c1_ref[0, 0] * t1 + c2_ref[0, 0] * t2
    ip = th_ref[:, :] * s[None, :] + be_ref[0, 0]
    ip = jnp.clip(ip, -50.0, 50.0)
    lp = jnp.log(1.0 + jnp.exp(-ip))
    lt_part = jnp.sum(c0_ref[0, 0][None, :] * ip + lp)

    @pl.when(i == 0)
    def _():
        o_ref[:, :] = lsm_ref[:, :] / ((t - 1) * v)

    o_ref[:, :] += jnp.reshape(lprox_part / b + lt_part / (b * d), (1, 1))


def kernel(data, weight, triag_int, triag_float, embedding, theta, beta):
    t, v, d = embedding.shape
    b = data.shape[0]
    sw = b // _NW

    data = data.astype(jnp.int32)
    triag_int = triag_int.astype(jnp.int32)

    ia = data[:, 0] * v + data[:, 1]
    ib = data[:, 0] * v + data[:, 2]
    ic = data[:, 0] * v + data[:, 3]
    idd = data[:, 0] * v + data[:, 4]
    ti = triag_int[:, 0] * v + triag_int[:, 1]
    tj = triag_int[:, 0] * v + triag_int[:, 2]
    tl = triag_int[:, 0] * v + triag_int[:, 3]
    idxs = jnp.stack([ia, ib, ic, idd, ti, tj, tl])

    table = embedding.reshape(t * v, d)
    pb = _make_sc_main(b, d, sw)(table, idxs)

    vb = 2000
    lsm = pl.pallas_call(
        _lsmooth_body,
        grid=(v // vb,),
        in_specs=[pl.BlockSpec((t, vb, d), lambda i: (0, i, 0))],
        out_specs=pl.BlockSpec((1, 1), lambda i: (0, 0)),
        out_shape=jax.ShapeDtypeStruct((1, 1), jnp.float32),
    )(embedding)

    bb = 8192
    nb = b // bb
    pb3 = pb.reshape(nb, bb, 64)
    w3 = weight.reshape(nb, 1, bb)
    c0 = triag_float[:, 0].reshape(nb, 1, bb)
    c1 = triag_float[:, 1].reshape(nb, 1, bb)
    c2 = triag_float[:, 2].reshape(nb, 1, bb)
    th2 = theta.reshape(d, 1)
    be2 = beta.reshape(1, 1)

    col_spec = pl.BlockSpec((1, 1, bb), lambda i: (i, 0, 0))
    loss = pl.pallas_call(
        functools.partial(_combine_body, b, d, t, v),
        grid=(nb,),
        in_specs=[
            pl.BlockSpec((1, bb, 64), lambda i: (i, 0, 0)),
            col_spec,
            col_spec,
            col_spec,
            col_spec,
            pl.BlockSpec((d, 1), lambda i: (0, 0)),
            pl.BlockSpec((1, 1), lambda i: (0, 0)),
            pl.BlockSpec((1, 1), lambda i: (0, 0)),
        ],
        out_specs=pl.BlockSpec((1, 1), lambda i: (0, 0)),
        out_shape=jax.ShapeDtypeStruct((1, 1), jnp.float32),
    )(pb3, w3, c0, c1, c2, th2, be2, lsm)

    return jnp.reshape(loss, ())

# --- scband reference (transcript-rebuilt; emitter-appended) ---
"""Pipeline reference for scband-model-28166395527526 (READ-ONLY COPY).

The authoritative reference and input builder live on the scoring server;
editing this copy changes nothing except your own understanding.
"""

import jax, jax.numpy as jnp
import numpy as np

T, V, D, B = 12, 10000, 128, 16384

def setup_inputs(seed: int = 0) -> dict:
    key = jax.random.key(seed)
    ks = jax.random.split(key, 10)
    k_col = jax.random.randint(ks[0], (B,), 0, T)
    verts = jax.random.randint(ks[1], (B, 4), 0, V)
    data = jnp.concatenate([k_col[:, None], verts], axis=1).astype(jnp.int64)
    weight = jax.random.uniform(ks[2], (B,), dtype=jnp.float32)
    tk = jax.random.randint(ks[3], (B,), 0, T)
    tverts = jax.random.randint(ks[4], (B, 3), 0, V)
    triag_int = jnp.concatenate([tk[:, None], tverts], axis=1).astype(jnp.int64)
    triag_float = jax.random.uniform(ks[5], (B, 3), dtype=jnp.float32)
    embedding = jax.random.normal(ks[6], (T, V, D), dtype=jnp.float32)
    theta = jax.random.normal(ks[7], (D,), dtype=jnp.float32)
    beta = jax.random.normal(ks[8], (1,), dtype=jnp.float32)
    return {"data": data, "weight": weight, "triag_int": triag_int, "triag_float": triag_float, "embedding": embedding, "theta": theta, "beta": beta}

def reference(data, weight, triag_int, triag_float, embedding, theta, beta):
    beta_triad = 1.0
    beta_smooth = 1.0
    dp = embedding[data[:, 0], data[:, 1]] - embedding[data[:, 0], data[:, 2]]
    dist_pos = jnp.sum(dp * dp, axis=-1)
    dn = embedding[data[:, 0], data[:, 3]] - embedding[data[:, 0], data[:, 4]]
    dist_neg = jnp.sum(dn * dn, axis=-1)
    diff = dist_pos - dist_neg + 1.0
    zero = dist_pos - dist_pos
    maximum = jnp.maximum(diff, zero)
    lprox = jnp.mean(maximum * weight)
    ls = embedding[1:] - embedding[:-1]
    lsmooth = jnp.mean(jnp.sum(jnp.square(ls), axis=-1))
    e1 = embedding[triag_int[:, 0], triag_int[:, 1]] - embedding[triag_int[:, 0], triag_int[:, 2]]
    e2 = embedding[triag_int[:, 0], triag_int[:, 1]] - embedding[triag_int[:, 0], triag_int[:, 3]]
    x = e1 * triag_float[:, 1, None] + e2 * triag_float[:, 2, None]
    repeated = jnp.tile(theta[None, :], (theta.shape[0], 1))
    iprod = jnp.matmul(x, repeated)
    iprod = iprod + beta
    iprod = jnp.clip(iprod, -50.0, 50.0)
    logprob = jnp.log(1.0 + jnp.exp(-iprod))
    C = triag_float[:, 0].reshape((-1, 1))
    ltriag = jnp.mean(C * iprod + logprob)
    loss = lprox + beta_smooth * lsmooth + beta_triad * ltriag
    return loss

if __name__ == "__main__":
    import jax
    _d = setup_inputs()
    print(jax.jit(kernel)(*tuple(_d.values())))

</pallas_src>

<mosaic_0001>
#map = affine_map<(d0, d1) -> (0, 0)>
module attributes {stable_mosaic.version = 14 : i64} {
  func.func @sc_main(%arg0: i32, %arg1: i32, %arg2: memref<120000x128xf32, #tpu.memory_space<hbm>>, %arg3: memref<7x16384xi32, #tpu.memory_space<hbm>>, %arg4: memref<16384x64xf32, #tpu.memory_space<hbm>>, %arg5: memref<7x512xi32, #tpu.memory_space<vmem>>, %arg6: memref<2x7x32x128xf32, #tpu.memory_space<vmem>>, %arg7: memref<2x32x64xf32, #tpu.memory_space<vmem>>, %arg8: memref<!tpu.dma_semaphore, #tpu.memory_space<semaphore_mem>>, %arg9: memref<!tpu.dma_semaphore, #tpu.memory_space<semaphore_mem>>, %arg10: memref<!tpu.dma_semaphore, #tpu.memory_space<semaphore_mem>>, %arg11: memref<!tpu.dma_semaphore, #tpu.memory_space<semaphore_mem>>) attributes {dimension_semantics = [#tpu.dimension_semantics<core_parallel>, #tpu.dimension_semantics<subcore_parallel>], iteration_bounds = array<i64: 2, 16>, scalar_prefetch = 0 : i64, scratch_operands = 7 : i64, tpu.core_type = #tpu.core_type<sc_vector_subcore>, window_params = [{transform_indices = #map}, {transform_indices = #map}, {transform_indices = #map}]} {
    %mul3A = arith.constant 2 : i32
    %mul3A_0 = arith.muli %arg1, %mul3A : i32
    %add3A = arith.addi %mul3A_0, %arg0 : i32
    %mul3A_1 = arith.constant 512 : i32
    %mul3A_2 = arith.muli %add3A, %mul3A_1 : i32
    %multiple_of3A = tpu.assume_multiple %mul3A_2, 512 : i32
    "tpu.region"() ({
      %run_scoped3A = tpu.sem_alloc : memref<!tpu.dma_semaphore, #tpu.memory_space<semaphore_mem>>
      %dma_start3A_210 = arith.constant 0 : i32
      %dma_start3A_211 = tpu.memref_slice %arg3[%dma_start3A_210, %multiple_of3A] : memref<7x16384xi32, #tpu.memory_space<hbm>> -> memref<7x512xi32, #tpu.memory_space<hbm>>
      %dma_start3A_212 = arith.constant 0 : i32
      %dma_start3A_213 = tpu.memref_slice %arg3[%dma_start3A_212, %multiple_of3A] : memref<7x16384xi32, #tpu.memory_space<hbm>> -> memref<7x512xi32, #tpu.memory_space<hbm>>
      tpu.enqueue_dma source(%dma_start3A_213 : memref<7x512xi32, #tpu.memory_space<hbm>>) target(%arg5 : memref<7x512xi32, #tpu.memory_space<vmem>>) target_semaphore(%run_scoped3A : memref<!tpu.dma_semaphore, #tpu.memory_space<semaphore_mem>>)
      %dma_wait3A_214 = arith.constant 0 : i32
      %dma_wait3A_215 = tpu.memref_slice %arg3[%dma_wait3A_214, %multiple_of3A] : memref<7x16384xi32, #tpu.memory_space<hbm>> -> memref<7x512xi32, #tpu.memory_space<hbm>>
      %dma_wait3A_216 = arith.constant 0 : i32
      %dma_wait3A_217 = tpu.memref_slice %arg3[%dma_wait3A_216, %multiple_of3A] : memref<7x16384xi32, #tpu.memory_space<hbm>> -> memref<7x512xi32, #tpu.memory_space<hbm>>
      tpu.wait_dma2 semaphore(%run_scoped3A : memref<!tpu.dma_semaphore, #tpu.memory_space<semaphore_mem>>) src(%dma_wait3A_217 : memref<7x512xi32, #tpu.memory_space<hbm>>) dst(%arg5 : memref<7x512xi32, #tpu.memory_space<vmem>>)
      tpu.yield
    }) : () -> ()
    %broadcast_in_dim3A = arith.constant 0.000000e+00 : f32
    %broadcast_in_dim3A_3 = vector.broadcast %broadcast_in_dim3A : f32 to vector<16xf32>
    %multiple_of3A_4 = arith.constant 0 : i32
    %multiple_of3A_5 = tpu.assume_multiple %multiple_of3A_4, 32 : i32
    %dma_start3A = arith.constant 0 : i32
    %dma_start3A_6 = arith.constant 0 : i32
    %dma_start3A_7 = arith.constant 0 : i32
    %dma_start3A_8 = arith.constant 0 : i32
    %dma_start3A_9 = arith.constant 0 : i32
    %dma_start3A_10 = tpu.memref_slice %arg6[%dma_start3A_6, %dma_start3A_7, %dma_start3A_8, %dma_start3A_9] : memref<2x7x32x128xf32, #tpu.memory_space<vmem>> -> memref<1x1x32x128xf32, #tpu.memory_space<vmem>>
    %dma_start3A_11 = tpu.memref_squeeze %dma_start3A_10 : memref<1x1x32x128xf32, #tpu.memory_space<vmem>> -> memref<32x128xf32, #tpu.memory_space<vmem>>
    %dma_start3A_12 = tpu.memref_slice %arg5[%dma_start3A, %multiple_of3A_5] : memref<7x512xi32, #tpu.memory_space<vmem>> -> memref<1x32xi32, #tpu.memory_space<vmem>>
    %dma_start3A_13 = tpu.memref_squeeze %dma_start3A_12 : memref<1x32xi32, #tpu.memory_space<vmem>> -> memref<32xi32, #tpu.memory_space<vmem>>
    %dma_start3A_14 = arith.constant 0 : i32
    %dma_start3A_15 = arith.constant 0 : i32
    %dma_start3A_16 = tpu.memref_slice %arg2[%dma_start3A_14, %dma_start3A_15] : memref<120000x128xf32, #tpu.memory_space<hbm>> -> memref<120000x128xf32, #tpu.memory_space<hbm>>
    tpu.enqueue_indirect_dma source(%dma_start3A_16 : memref<120000x128xf32, #tpu.memory_space<hbm>>) target(%dma_start3A_11 : memref<32x128xf32, #tpu.memory_space<vmem>>) offsets(%dma_start3A_13 : memref<32xi32, #tpu.memory_space<vmem>>) semaphore(%arg8 : memref<!tpu.dma_semaphore, #tpu.memory_space<semaphore_mem>>)
    %dma_start3A_17 = arith.constant 1 : i32
    %dma_start3A_18 = arith.constant 0 : i32
    %dma_start3A_19 = arith.constant 1 : i32
    %dma_start3A_20 = arith.constant 0 : i32
    %dma_start3A_21 = arith.constant 0 : i32
    %dma_start3A_22 = tpu.memref_slice %arg6[%dma_start3A_18, %dma_start3A_19, %dma_start3A_20, %dma_start3A_21] : memref<2x7x32x128xf32, #tpu.memory_space<vmem>> -> memref<1x1x32x128xf32, #tpu.memory_space<vmem>>
    %dma_start3A_23 = tpu.memref_squeeze %dma_start3A_22 : memref<1x1x32x128xf32, #tpu.memory_space<vmem>> -> memref<32x128xf32, #tpu.memory_space<vmem>>
    %dma_start3A_24 = tpu.memref_slice %arg5[%dma_start3A_17, %multiple_of3A_5] : memref<7x512xi32, #tpu.memory_space<vmem>> -> memref<1x32xi32, #tpu.memory_space<vmem>>
    %dma_start3A_25 = tpu.memref_squeeze %dma_start3A_24 : memref<1x32xi32, #tpu.memory_space<vmem>> -> memref<32xi32, #tpu.memory_space<vmem>>
    %dma_start3A_26 = arith.constant 0 : i32
    %dma_start3A_27 = arith.constant 0 : i32
    %dma_start3A_28 = tpu.memref_slice %arg2[%dma_start3A_26, %dma_start3A_27] : memref<120000x128xf32, #tpu.memory_space<hbm>> -> memref<120000x128xf32, #tpu.memory_space<hbm>>
    tpu.enqueue_indirect_dma source(%dma_start3A_28 : memref<120000x128xf32, #tpu.memory_space<hbm>>) target(%dma_start3A_23 : memref<32x128xf32, #tpu.memory_space<vmem>>) offsets(%dma_start3A_25 : memref<32xi32, #tpu.memory_space<vmem>>) semaphore(%arg8 : memref<!tpu.dma_semaphore, #tpu.memory_space<semaphore_mem>>)
    %dma_start3A_29 = arith.constant 2 : i32
    %dma_start3A_30 = arith.constant 0 : i32
    %dma_start3A_31 = arith.constant 2 : i32
    %dma_start3A_32 = arith.constant 0 : i32
    %dma_start3A_33 = arith.constant 0 : i32
    %dma_start3A_34 = tpu.memref_slice %arg6[%dma_start3A_30, %dma_start3A_31, %dma_start3A_32, %dma_start3A_33] : memref<2x7x32x128xf32, #tpu.memory_space<vmem>> -> memref<1x1x32x128xf32, #tpu.memory_space<vmem>>
    %dma_start3A_35 = tpu.memref_squeeze %dma_start3A_34 : memref<1x1x32x128xf32, #tpu.memory_space<vmem>> -> memref<32x128xf32, #tpu.memory_space<vmem>>
    %dma_start3A_36 = tpu.memref_slice %arg5[%dma_start3A_29, %multiple_of3A_5] : memref<7x512xi32, #tpu.memory_space<vmem>> -> memref<1x32xi32, #tpu.memory_space<vmem>>
    %dma_start3A_37 = tpu.memref_squeeze %dma_start3A_36 : memref<1x32xi32, #tpu.memory_space<vmem>> -> memref<32xi32, #tpu.memory_space<vmem>>
    %dma_start3A_38 = arith.constant 0 : i32
    %dma_start3A_39 = arith.constant 0 : i32
    %dma_start3A_40 = tpu.memref_slice %arg2[%dma_start3A_38, %dma_start3A_39] : memref<120000x128xf32, #tpu.memory_space<hbm>> -> memref<120000x128xf32, #tpu.memory_space<hbm>>
    tpu.enqueue_indirect_dma source(%dma_start3A_40 : memref<120000x128xf32, #tpu.memory_space<hbm>>) target(%dma_start3A_35 : memref<32x128xf32, #tpu.memory_space<vmem>>) offsets(%dma_start3A_37 : memref<32xi32, #tpu.memory_space<vmem>>) semaphore(%arg8 : memref<!tpu.dma_semaphore, #tpu.memory_space<semaphore_mem>>)
    %dma_start3A_41 = arith.constant 3 : i32
    %dma_start3A_42 = arith.constant 0 : i32
    %dma_start3A_43 = arith.constant 3 : i32
    %dma_start3A_44 = arith.constant 0 : i32
    %dma_start3A_45 = arith.constant 0 : i32
    %dma_start3A_46 = tpu.memref_slice %arg6[%dma_start3A_42, %dma_start3A_43, %dma_start3A_44, %dma_start3A_45] : memref<2x7x32x128xf32, #tpu.memory_space<vmem>> -> memref<1x1x32x128xf32, #tpu.memory_space<vmem>>
    %dma_start3A_47 = tpu.memref_squeeze %dma_start3A_46 : memref<1x1x32x128xf32, #tpu.memory_space<vmem>> -> memref<32x128xf32, #tpu.memory_space<vmem>>
    %dma_start3A_48 = tpu.memref_slice %arg5[%dma_start3A_41, %multiple_of3A_5] : memref<7x512xi32, #tpu.memory_space<vmem>> -> memref<1x32xi32, #tpu.memory_space<vmem>>
    %dma_start3A_49 = tpu.memref_squeeze %dma_start3A_48 : memref<1x32xi32, #tpu.memory_space<vmem>> -> memref<32xi32, #tpu.memory_space<vmem>>
    %dma_start3A_50 = arith.constant 0 : i32
    %dma_start3A_51 = arith.constant 0 : i32
    %dma_start3A_52 = tpu.memref_slice %arg2[%dma_start3A_50, %dma_start3A_51] : memref<120000x128xf32, #tpu.memory_space<hbm>> -> memref<120000x128xf32, #tpu.memory_space<hbm>>
    tpu.enqueue_indirect_dma source(%dma_start3A_52 : memref<120000x128xf32, #tpu.memory_space<hbm>>) target(%dma_start3A_47 : memref<32x128xf32, #tpu.memory_space<vmem>>) offsets(%dma_start3A_49 : memref<32xi32, #tpu.memory_space<vmem>>) semaphore(%arg8 : memref<!tpu.dma_semaphore, #tpu.memory_space<semaphore_mem>>)
    %dma_start3A_53 = arith.constant 4 : i32
    %dma_start3A_54 = arith.constant 0 : i32
    %dma_start3A_55 = arith.constant 4 : i32
    %dma_start3A_56 = arith.constant 0 : i32
    %dma_start3A_57 = arith.constant 0 : i32
    %dma_start3A_58 = tpu.memref_slice %arg6[%dma_start3A_54, %dma_start3A_55, %dma_start3A_56, %dma_start3A_57] : memref<2x7x32x128xf32, #tpu.memory_space<vmem>> -> memref<1x1x32x128xf32, #tpu.memory_space<vmem>>
    %dma_start3A_59 = tpu.memref_squeeze %dma_start3A_58 : memref<1x1x32x128xf32, #tpu.memory_space<vmem>> -> memref<32x128xf32, #tpu.memory_space<vmem>>
    %dma_start3A_60 = tpu.memref_slice %arg5[%dma_start3A_53, %multiple_of3A_5] : memref<7x512xi32, #tpu.memory_space<vmem>> -> memref<1x32xi32, #tpu.memory_space<vmem>>
    %dma_start3A_61 = tpu.memref_squeeze %dma_start3A_60 : memref<1x32xi32, #tpu.memory_space<vmem>> -> memref<32xi32, #tpu.memory_space<vmem>>
    %dma_start3A_62 = arith.constant 0 : i32
    %dma_start3A_63 = arith.constant 0 : i32
    %dma_start3A_64 = tpu.memref_slice %arg2[%dma_start3A_62, %dma_start3A_63] : memref<120000x128xf32, #tpu.memory_space<hbm>> -> memref<120000x128xf32, #tpu.memory_space<hbm>>
    tpu.enqueue_indirect_dma source(%dma_start3A_64 : memref<120000x128xf32, #tpu.memory_space<hbm>>) target(%dma_start3A_59 : memref<32x128xf32, #tpu.memory_space<vmem>>) offsets(%dma_start3A_61 : memref<32xi32, #tpu.memory_space<vmem>>) semaphore(%arg8 : memref<!tpu.dma_semaphore, #tpu.memory_space<semaphore_mem>>)
    %dma_start3A_65 = arith.constant 5 : i32
    %dma_start3A_66 = arith.constant 0 : i32
    %dma_start3A_67 = arith.constant 5 : i32
    %dma_start3A_68 = arith.constant 0 : i32
    %dma_start3A_69 = arith.constant 0 : i32
    %dma_start3A_70 = tpu.memref_slice %arg6[%dma_start3A_66, %dma_start3A_67, %dma_start3A_68, %dma_start3A_69] : memref<2x7x32x128xf32, #tpu.memory_space<vmem>> -> memref<1x1x32x128xf32, #tpu.memory_space<vmem>>
    %dma_start3A_71 = tpu.memref_squeeze %dma_start3A_70 : memref<1x1x32x128xf32, #tpu.memory_space<vmem>> -> memref<32x128xf32, #tpu.memory_space<vmem>>
    %dma_start3A_72 = tpu.memref_slice %arg5[%dma_start3A_65, %multiple_of3A_5] : memref<7x512xi32, #tpu.memory_space<vmem>> -> memref<1x32xi32, #tpu.memory_space<vmem>>
    %dma_start3A_73 = tpu.memref_squeeze %dma_start3A_72 : memref<1x32xi32, #tpu.memory_space<vmem>> -> memref<32xi32, #tpu.memory_space<vmem>>
    %dma_start3A_74 = arith.constant 0 : i32
    %dma_start3A_75 = arith.constant 0 : i32
    %dma_start3A_76 = tpu.memref_slice %arg2[%dma_start3A_74, %dma_start3A_75] : memref<120000x128xf32, #tpu.memory_space<hbm>> -> memref<120000x128xf32, #tpu.memory_space<hbm>>
    tpu.enqueue_indirect_dma source(%dma_start3A_76 : memref<120000x128xf32, #tpu.memory_space<hbm>>) target(%dma_start3A_71 : memref<32x128xf32, #tpu.memory_space<vmem>>) offsets(%dma_start3A_73 : memref<32xi32, #tpu.memory_space<vmem>>) semaphore(%arg8 : memref<!tpu.dma_semaphore, #tpu.memory_space<semaphore_mem>>)
    %dma_start3A_77 = arith.constant 6 : i32
    %dma_start3A_78 = arith.constant 0 : i32
    %dma_start3A_79 = arith.constant 6 : i32
    %dma_start3A_80 = arith.constant 0 : i32
    %dma_start3A_81 = arith.constant 0 : i32
    %dma_start3A_82 = tpu.memref_slice %arg6[%dma_start3A_78, %dma_start3A_79, %dma_start3A_80, %dma_start3A_81] : memref<2x7x32x128xf32, #tpu.memory_space<vmem>> -> memref<1x1x32x128xf32, #tpu.memory_space<vmem>>
    %dma_start3A_83 = tpu.memref_squeeze %dma_start3A_82 : memref<1x1x32x128xf32, #tpu.memory_space<vmem>> -> memref<32x128xf32, #tpu.memory_space<vmem>>
    %dma_start3A_84 = tpu.memref_slice %arg5[%dma_start3A_77, %multiple_of3A_5] : memref<7x512xi32, #tpu.memory_space<vmem>> -> memref<1x32xi32, #tpu.memory_space<vmem>>
    %dma_start3A_85 = tpu.memref_squeeze %dma_start3A_84 : memref<1x32xi32, #tpu.memory_space<vmem>> -> memref<32xi32, #tpu.memory_space<vmem>>
    %dma_start3A_86 = arith.constant 0 : i32
    %dma_start3A_87 = arith.constant 0 : i32
    %dma_start3A_88 = tpu.memref_slice %arg2[%dma_start3A_86, %dma_start3A_87] : memref<120000x128xf32, #tpu.memory_space<hbm>> -> memref<120000x128xf32, #tpu.memory_space<hbm>>
    tpu.enqueue_indirect_dma source(%dma_start3A_88 : memref<120000x128xf32, #tpu.memory_space<hbm>>) target(%dma_start3A_83 : memref<32x128xf32, #tpu.memory_space<vmem>>) offsets(%dma_start3A_85 : memref<32xi32, #tpu.memory_space<vmem>>) semaphore(%arg8 : memref<!tpu.dma_semaphore, #tpu.memory_space<semaphore_mem>>)
    %multiple_of3A_89 = arith.constant 32 : i32
    %multiple_of3A_90 = tpu.assume_multiple %multiple_of3A_89, 32 : i32
    %dma_start3A_91 = arith.constant 0 : i32
    %dma_start3A_92 = arith.constant 1 : i32
    %dma_start3A_93 = arith.constant 0 : i32
    %dma_start3A_94 = arith.constant 0 : i32
    %dma_start3A_95 = arith.constant 0 : i32
    %dma_start3A_96 = tpu.memref_slice %arg6[%dma_start3A_92, %dma_start3A_93, %dma_start3A_94, %dma_start3A_95] : memref<2x7x32x128xf32, #tpu.memory_space<vmem>> -> memref<1x1x32x128xf32, #tpu.memory_space<vmem>>
    %dma_start3A_97 = tpu.memref_squeeze %dma_start3A_96 : memref<1x1x32x128xf32, #tpu.memory_space<vmem>> -> memref<32x128xf32, #tpu.memory_space<vmem>>
    %dma_start3A_98 = tpu.memref_slice %arg5[%dma_start3A_91, %multiple_of3A_90] : memref<7x512xi32, #tpu.memory_space<vmem>> -> memref<1x32xi32, #tpu.memory_space<vmem>>
    %dma_start3A_99 = tpu.memref_squeeze %dma_start3A_98 : memref<1x32xi32, #tpu.memory_space<vmem>> -> memref<32xi32, #tpu.memory_space<vmem>>
    %dma_start3A_100 = arith.constant 0 : i32
    %dma_start3A_101 = arith.constant 0 : i32
    %dma_start3A_102 = tpu.memref_slice %arg2[%dma_start3A_100, %dma_start3A_101] : memref<120000x128xf32, #tpu.memory_space<hbm>> -> memref<120000x128xf32, #tpu.memory_space<hbm>>
    tpu.enqueue_indirect_dma source(%dma_start3A_102 : memref<120000x128xf32, #tpu.memory_space<hbm>>) target(%dma_start3A_97 : memref<32x128xf32, #tpu.memory_space<vmem>>) offsets(%dma_start3A_99 : memref<32xi32, #tpu.memory_space<vmem>>) semaphore(%arg9 : memref<!tpu.dma_semaphore, #tpu.memory_space<semaphore_mem>>)
    %dma_start3A_103 = arith.constant 1 : i32
    %dma_start3A_104 = arith.constant 1 : i32
    %dma_start3A_105 = arith.constant 1 : i32
    %dma_start3A_106 = arith.constant 0 : i32
    %dma_start3A_107 = arith.constant 0 : i32
    %dma_start3A_108 = tpu.memref_slice %arg6[%dma_start3A_104, %dma_start3A_105, %dma_start3A_106, %dma_start3A_107] : memref<2x7x32x128xf32, #tpu.memory_space<vmem>> -> memref<1x1x32x128xf32, #tpu.memory_space<vmem>>
    %dma_start3A_109 = tpu.memref_squeeze %dma_start3A_108 : memref<1x1x32x128xf32, #tpu.memory_space<vmem>> -> memref<32x128xf32, #tpu.memory_space<vmem>>
    %dma_start3A_110 = tpu.memref_slice %arg5[%dma_start3A_103, %multiple_of3A_90] : memref<7x512xi32, #tpu.memory_space<vmem>> -> memref<1x32xi32, #tpu.memory_space<vmem>>
    %dma_start3A_111 = tpu.memref_squeeze %dma_start3A_110 : memref<1x32xi32, #tpu.memory_space<vmem>> -> memref<32xi32, #tpu.memory_space<vmem>>
    %dma_start3A_112 = arith.constant 0 : i32
    %dma_start3A_113 = arith.constant 0 : i32
    %dma_start3A_114 = tpu.memref_slice %arg2[%dma_start3A_112, %dma_start3A_113] : memref<120000x128xf32, #tpu.memory_space<hbm>> -> memref<120000x128xf32, #tpu.memory_space<hbm>>
    tpu.enqueue_indirect_dma source(%dma_start3A_114 : memref<120000x128xf32, #tpu.memory_space<hbm>>) target(%dma_start3A_109 : memref<32x128xf32, #tpu.memory_space<vmem>>) offsets(%dma_start3A_111 : memref<32xi32, #tpu.memory_space<vmem>>) semaphore(%arg9 : memref<!tpu.dma_semaphore, #tpu.memory_space<semaphore_mem>>)
    %dma_start3A_115 = arith.constant 2 : i32
    %dma_start3A_116 = arith.constant 1 : i32
    %dma_start3A_117 = arith.constant 2 : i32
    %dma_start3A_118 = arith.constant 0 : i32
    %dma_start3A_119 = arith.constant 0 : i32
    %dma_start3A_120 = tpu.memref_slice %arg6[%dma_start3A_116, %dma_start3A_117, %dma_start3A_118, %dma_start3A_119] : memref<2x7x32x128xf32, #tpu.memory_space<vmem>> -> memref<1x1x32x128xf32, #tpu.memory_space<vmem>>
    %dma_start3A_121 = tpu.memref_squeeze %dma_start3A_120 : memref<1x1x32x128xf32, #tpu.memory_space<vmem>> -> memref<32x128xf32, #tpu.memory_space<vmem>>
    %dma_start3A_122 = tpu.memref_slice %arg5[%dma_start3A_115, %multiple_of3A_90] : memref<7x512xi32, #tpu.memory_space<vmem>> -> memref<1x32xi32, #tpu.memory_space<vmem>>
    %dma_start3A_123 = tpu.memref_squeeze %dma_start3A_122 : memref<1x32xi32, #tpu.memory_space<vmem>> -> memref<32xi32, #tpu.memory_space<vmem>>
    %dma_start3A_124 = arith.constant 0 : i32
    %dma_start3A_125 = arith.constant 0 : i32
    %dma_start3A_126 = tpu.memref_slice %arg2[%dma_start3A_124, %dma_start3A_125] : memref<120000x128xf32, #tpu.memory_space<hbm>> -> memref<120000x128xf32, #tpu.memory_space<hbm>>
    tpu.enqueue_indirect_dma source(%dma_start3A_126 : memref<120000x128xf32, #tpu.memory_space<hbm>>) target(%dma_start3A_121 : memref<32x128xf32, #tpu.memory_space<vmem>>) offsets(%dma_start3A_123 : memref<32xi32, #tpu.memory_space<vmem>>) semaphore(%arg9 : memref<!tpu.dma_semaphore, #tpu.memory_space<semaphore_mem>>)
    %dma_start3A_127 = arith.constant 3 : i32
    %dma_start3A_128 = arith.constant 1 : i32
    %dma_start3A_129 = arith.constant 3 : i32
    %dma_start3A_130 = arith.constant 0 : i32
    %dma_start3A_131 = arith.constant 0 : i32
    %dma_start3A_132 = tpu.memref_slice %arg6[%dma_start3A_128, %dma_start3A_129, %dma_start3A_130, %dma_start3A_131] : memref<2x7x32x128xf32, #tpu.memory_space<vmem>> -> memref<1x1x32x128xf32, #tpu.memory_space<vmem>>
    %dma_start3A_133 = tpu.memref_squeeze %dma_start3A_132 : memref<1x1x32x128xf32, #tpu.memory_space<vmem>> -> memref<32x128xf32, #tpu.memory_space<vmem>>
    %dma_start3A_134 = tpu.memref_slice %arg5[%dma_start3A_127, %multiple_of3A_90] : memref<7x512xi32, #tpu.memory_space<vmem>> -> memref<1x32xi32, #tpu.memory_space<vmem>>
    %dma_start3A_135 = tpu.memref_squeeze %dma_start3A_134 : memref<1x32xi32, #tpu.memory_space<vmem>> -> memref<32xi32, #tpu.memory_space<vmem>>
    %dma_start3A_136 = arith.constant 0 : i32
    %dma_start3A_137 = arith.constant 0 : i32
    %dma_start3A_138 = tpu.memref_slice %arg2[%dma_start3A_136, %dma_start3A_137] : memref<120000x128xf32, #tpu.memory_space<hbm>> -> memref<120000x128xf32, #tpu.memory_space<hbm>>
    tpu.enqueue_indirect_dma source(%dma_start3A_138 : memref<120000x128xf32, #tpu.memory_space<hbm>>) target(%dma_start3A_133 : memref<32x128xf32, #tpu.memory_space<vmem>>) offsets(%dma_start3A_135 : memref<32xi32, #tpu.memory_space<vmem>>) semaphore(%arg9 : memref<!tpu.dma_semaphore, #tpu.memory_space<semaphore_mem>>)
    %dma_start3A_139 = arith.constant 4 : i32
    %dma_start3A_140 = arith.constant 1 : i32
    %dma_start3A_141 = arith.constant 4 : i32
    %dma_start3A_142 = arith.constant 0 : i32
    %dma_start3A_143 = arith.constant 0 : i32
    %dma_start3A_144 = tpu.memref_slice %arg6[%dma_start3A_140, %dma_start3A_141, %dma_start3A_142, %dma_start3A_143] : memref<2x7x32x128xf32, #tpu.memory_space<vmem>> -> memref<1x1x32x128xf32, #tpu.memory_space<vmem>>
    %dma_start3A_145 = tpu.memref_squeeze %dma_start3A_144 : memref<1x1x32x128xf32, #tpu.memory_space<vmem>> -> memref<32x128xf32, #tpu.memory_space<vmem>>
    %dma_start3A_146 = tpu.memref_slice %arg5[%dma_start3A_139, %multiple_of3A_90] : memref<7x512xi32, #tpu.memory_space<vmem>> -> memref<1x32xi32, #tpu.memory_space<vmem>>
    %dma_start3A_147 = tpu.memref_squeeze %dma_start3A_146 : memref<1x32xi32, #tpu.memory_space<vmem>> -> memref<32xi32, #tpu.memory_space<vmem>>
    %dma_start3A_148 = arith.constant 0 : i32
    %dma_start3A_149 = arith.constant 0 : i32
    %dma_start3A_150 = tpu.memref_slice %arg2[%dma_start3A_148, %dma_start3A_149] : memref<120000x128xf32, #tpu.memory_space<hbm>> -> memref<120000x128xf32, #tpu.memory_space<hbm>>
    tpu.enqueue_indirect_dma source(%dma_start3A_150 : memref<120000x128xf32, #tpu.memory_space<hbm>>) target(%dma_start3A_145 : memref<32x128xf32, #tpu.memory_space<vmem>>) offsets(%dma_start3A_147 : memref<32xi32, #tpu.memory_space<vmem>>) semaphore(%arg9 : memref<!tpu.dma_semaphore, #tpu.memory_space<semaphore_mem>>)
    %dma_start3A_151 = arith.constant 5 : i32
    %dma_start3A_152 = arith.constant 1 : i32
    %dma_start3A_153 = arith.constant 5 : i32
    %dma_start3A_154 = arith.constant 0 : i32
    %dma_start3A_155 = arith.constant 0 : i32
    %dma_start3A_156 = tpu.memref_slice %arg6[%dma_start3A_152, %dma_start3A_153, %dma_start3A_154, %dma_start3A_155] : memref<2x7x32x128xf32, #tpu.memory_space<vmem>> -> memref<1x1x32x128xf32, #tpu.memory_space<vmem>>
    %dma_start3A_157 = tpu.memref_squeeze %dma_start3A_156 : memref<1x1x32x128xf32, #tpu.memory_space<vmem>> -> memref<32x128xf32, #tpu.memory_space<vmem>>
    %dma_start3A_158 = tpu.memref_slice %arg5[%dma_start3A_151, %multiple_of3A_90] : memref<7x512xi32, #tpu.memory_space<vmem>> -> memref<1x32xi32, #tpu.memory_space<vmem>>
    %dma_start3A_159 = tpu.memref_squeeze %dma_start3A_158 : memref<1x32xi32, #tpu.memory_space<vmem>> -> memref<32xi32, #tpu.memory_space<vmem>>
    %dma_start3A_160 = arith.constant 0 : i32
    %dma_start3A_161 = arith.constant 0 : i32
    %dma_start3A_162 = tpu.memref_slice %arg2[%dma_start3A_160, %dma_start3A_161] : memref<120000x128xf32, #tpu.memory_space<hbm>> -> memref<120000x128xf32, #tpu.memory_space<hbm>>
    tpu.enqueue_indirect_dma source(%dma_start3A_162 : memref<120000x128xf32, #tpu.memory_space<hbm>>) target(%dma_start3A_157 : memref<32x128xf32, #tpu.memory_space<vmem>>) offsets(%dma_start3A_159 : memref<32xi32, #tpu.memory_space<vmem>>) semaphore(%arg9 : memref<!tpu.dma_semaphore, #tpu.memory_space<semaphore_mem>>)
    %dma_start3A_163 = arith.constant 6 : i32
    %dma_start3A_164 = arith.constant 1 : i32
    %dma_start3A_165 = arith.constant 6 : i32
    %dma_start3A_166 = arith.constant 0 : i32
    %dma_start3A_167 = arith.constant 0 : i32
    %dma_start3A_168 = tpu.memref_slice %arg6[%dma_start3A_164, %dma_start3A_165, %dma_start3A_166, %dma_start3A_167] : memref<2x7x32x128xf32, #tpu.memory_space<vmem>> -> memref<1x1x32x128xf32, #tpu.memory_space<vmem>>
    %dma_start3A_169 = tpu.memref_squeeze %dma_start3A_168 : memref<1x1x32x128xf32, #tpu.memory_space<vmem>> -> memref<32x128xf32, #tpu.memory_space<vmem>>
    %dma_start3A_170 = tpu.memref_slice %arg5[%dma_start3A_163, %multiple_of3A_90] : memref<7x512xi32, #tpu.memory_space<vmem>> -> memref<1x32xi32, #tpu.memory_space<vmem>>
    %dma_start3A_171 = tpu.memref_squeeze %dma_start3A_170 : memref<1x32xi32, #tpu.memory_space<vmem>> -> memref<32xi32, #tpu.memory_space<vmem>>
    %dma_start3A_172 = arith.constant 0 : i32
    %dma_start3A_173 = arith.constant 0 : i32
    %dma_start3A_174 = tpu.memref_slice %arg2[%dma_start3A_172, %dma_start3A_173] : memref<120000x128xf32, #tpu.memory_space<hbm>> -> memref<120000x128xf32, #tpu.memory_space<hbm>>
    tpu.enqueue_indirect_dma source(%dma_start3A_174 : memref<120000x128xf32, #tpu.memory_space<hbm>>) target(%dma_start3A_169 : memref<32x128xf32, #tpu.memory_space<vmem>>) offsets(%dma_start3A_171 : memref<32xi32, #tpu.memory_space<vmem>>) semaphore(%arg9 : memref<!tpu.dma_semaphore, #tpu.memory_space<semaphore_mem>>)
    %scan3A = arith.constant 0 : i32
    %scan3A_175 = arith.constant 0 : i32
    %scan3A_176 = arith.constant 8 : i32
    %scan3A_177 = arith.addi %scan3A_175, %scan3A_176 : i32
    %scan3A_178 = arith.constant 1 : i32
    %scan3A_179 = scf.for %scan3A_210 = %scan3A_175 to %scan3A_177 step %scan3A_178 iter_args(%scan3A_211 = %scan3A) -> (i32)  : i32 {
      %mul3A_212 = arith.constant 2 : i32
      %mul3A_213 = arith.muli %scan3A_210, %mul3A_212 : i32
      %add3A_214 = arith.constant 0 : i32
      %add3A_215 = arith.addi %mul3A_213, %add3A_214 : i32
      %dma_wait3A_216 = arith.constant 0 : i32
      %dma_wait3A_217 = arith.constant 0 : i32
      %dma_wait3A_218 = arith.constant 0 : i32
      %dma_wait3A_219 = arith.constant 0 : i32
      %dma_wait3A_220 = arith.constant 0 : i32
      %dma_wait3A_221 = tpu.memref_slice %arg6[%dma_wait3A_217, %dma_wait3A_218, %dma_wait3A_219, %dma_wait3A_220] : memref<2x7x32x128xf32, #tpu.memory_space<vmem>> -> memref<1x1x32x128xf32, #tpu.memory_space<vmem>>
      %dma_wait3A_222 = tpu.memref_squeeze %dma_wait3A_221 : memref<1x1x32x128xf32, #tpu.memory_space<vmem>> -> memref<32x128xf32, #tpu.memory_space<vmem>>
      %dma_wait3A_223 = arith.constant 0 : i32
      %dma_wait3A_224 = tpu.memref_slice %arg5[%dma_wait3A_216, %dma_wait3A_223] : memref<7x512xi32, #tpu.memory_space<vmem>> -> memref<1x32xi32, #tpu.memory_space<vmem>>
      %dma_wait3A_225 = tpu.memref_squeeze %dma_wait3A_224 : memref<1x32xi32, #tpu.memory_space<vmem>> -> memref<32xi32, #tpu.memory_space<vmem>>
      %dma_wait3A_226 = arith.constant 0 : i32
      %dma_wait3A_227 = arith.constant 0 : i32
      %dma_wait3A_228 = tpu.memref_slice %arg2[%dma_wait3A_226, %dma_wait3A_227] : memref<120000x128xf32, #tpu.memory_space<hbm>> -> memref<120000x128xf32, #tpu.memory_space<hbm>>
      tpu.wait_indirect_dma semaphore(%arg8 : memref<!tpu.dma_semaphore, #tpu.memory_space<semaphore_mem>>) src(%dma_wait3A_228 : memref<120000x128xf32, #tpu.memory_space<hbm>>) dst(%dma_wait3A_222 : memref<32x128xf32, #tpu.memory_space<vmem>>)
      %dma_wait3A_229 = arith.constant 1 : i32
      %dma_wait3A_230 = arith.constant 0 : i32
      %dma_wait3A_231 = arith.constant 1 : i32
      %dma_wait3A_232 = arith.constant 0 : i32
      %dma_wait3A_233 = arith.constant 0 : i32
      %dma_wait3A_234 = tpu.memref_slice %arg6[%dma_wait3A_230, %dma_wait3A_231, %dma_wait3A_232, %dma_wait3A_233] : memref<2x7x32x128xf32, #tpu.memory_space<vmem>> -> memref<1x1x32x128xf32, #tpu.memory_space<vmem>>
      %dma_wait3A_235 = tpu.memref_squeeze %dma_wait3A_234 : memref<1x1x32x128xf32, #tpu.memory_space<vmem>> -> memref<32x128xf32, #tpu.memory_space<vmem>>
      %dma_wait3A_236 = arith.constant 0 : i32
      %dma_wait3A_237 = tpu.memref_slice %arg5[%dma_wait3A_229, %dma_wait3A_236] : memref<7x512xi32, #tpu.memory_space<vmem>> -> memref<1x32xi32, #tpu.memory_space<vmem>>
      %dma_wait3A_238 = tpu.memref_squeeze %dma_wait3A_237 : memref<1x32xi32, #tpu.memory_space<vmem>> -> memref<32xi32, #tpu.memory_space<vmem>>
      %dma_wait3A_239 = arith.constant 0 : i32
      %dma_wait3A_240 = arith.constant 0 : i32
      %dma_wait3A_241 = tpu.memref_slice %arg2[%dma_wait3A_239, %dma_wait3A_240] : memref<120000x128xf32, #tpu.memory_space<hbm>> -> memref<120000x128xf32, #tpu.memory_space<hbm>>
      tpu.wait_indirect_dma semaphore(%arg8 : memref<!tpu.dma_semaphore, #tpu.memory_space<semaphore_mem>>) src(%dma_wait3A_241 : memref<120000x128xf32, #tpu.memory_space<hbm>>) dst(%dma_wait3A_235 : memref<32x128xf32, #tpu.memory_space<vmem>>)
      %dma_wait3A_242 = arith.constant 2 : i32
      %dma_wait3A_243 = arith.constant 0 : i32
      %dma_wait3A_244 = arith.constant 2 : i32
      %dma_wait3A_245 = arith.constant 0 : i32
      %dma_wait3A_246 = arith.constant 0 : i32
      %dma_wait3A_247 = tpu.memref_slice %arg6[%dma_wait3A_243, %dma_wait3A_244, %dma_wait3A_245, %dma_wait3A_246] : memref<2x7x32x128xf32, #tpu.memory_space<vmem>> -> memref<1x1x32x128xf32, #tpu.memory_space<vmem>>
      %dma_wait3A_248 = tpu.memref_squeeze %dma_wait3A_247 : memref<1x1x32x128xf32, #tpu.memory_space<vmem>> -> memref<32x128xf32, #tpu.memory_space<vmem>>
      %dma_wait3A_249 = arith.constant 0 : i32
      %dma_wait3A_250 = tpu.memref_slice %arg5[%dma_wait3A_242, %dma_wait3A_249] : memref<7x512xi32, #tpu.memory_space<vmem>> -> memref<1x32xi32, #tpu.memory_space<vmem>>
      %dma_wait3A_251 = tpu.memref_squeeze %dma_wait3A_250 : memref<1x32xi32, #tpu.memory_space<vmem>> -> memref<32xi32, #tpu.memory_space<vmem>>
      %dma_wait3A_252 = arith.constant 0 : i32
      %dma_wait3A_253 = arith.constant 0 : i32
      %dma_wait3A_254 = tpu.memref_slice %arg2[%dma_wait3A_252, %dma_wait3A_253] : memref<120000x128xf32, #tpu.memory_space<hbm>> -> memref<120000x128xf32, #tpu.memory_space<hbm>>
      tpu.wait_indirect_dma semaphore(%arg8 : memref<!tpu.dma_semaphore, #tpu.memory_space<semaphore_mem>>) src(%dma_wait3A_254 : memref<120000x128xf32, #tpu.memory_space<hbm>>) dst(%dma_wait3A_248 : memref<32x128xf32, #tpu.memory_space<vmem>>)
      %dma_wait3A_255 = arith.constant 3 : i32
      %dma_wait3A_256 = arith.constant 0 : i32
      %dma_wait3A_257 = arith.constant 3 : i32
      %dma_wait3A_258 = arith.constant 0 : i32
      %dma_wait3A_259 = arith.constant 0 : i32
      %dma_wait3A_260 = tpu.memref_slice %arg6[%dma_wait3A_256, %dma_wait3A_257, %dma_wait3A_258, %dma_wait3A_259] : memref<2x7x32x128xf32, #tpu.memory_space<vmem>> -> memref<1x1x32x128xf32, #tpu.memory_space<vmem>>
      %dma_wait3A_261 = tpu.memref_squeeze %dma_wait3A_260 : memref<1x1x32x128xf32, #tpu.memory_space<vmem>> -> memref<32x128xf32, #tpu.memory_space<vmem>>
      %dma_wait3A_262 = arith.constant 0 : i32
      %dma_wait3A_263 = tpu.memref_slice %arg5[%dma_wait3A_255, %dma_wait3A_262] : memref<7x512xi32, #tpu.memory_space<vmem>> -> memref<1x32xi32, #tpu.memory_space<vmem>>
      %dma_wait3A_264 = tpu.memref_squeeze %dma_wait3A_263 : memref<1x32xi32, #tpu.memory_space<vmem>> -> memref<32xi32, #tpu.memory_space<vmem>>
      %dma_wait3A_265 = arith.constant 0 : i32
      %dma_wait3A_266 = arith.constant 0 : i32
      %dma_wait3A_267 = tpu.memref_slice %arg2[%dma_wait3A_265, %dma_wait3A_266] : memref<120000x128xf32, #tpu.memory_space<hbm>> -> memref<120000x128xf32, #tpu.memory_space<hbm>>
      tpu.wait_indirect_dma semaphore(%arg8 : memref<!tpu.dma_semaphore, #tpu.memory_space<semaphore_mem>>) src(%dma_wait3A_267 : memref<120000x128xf32, #tpu.memory_space<hbm>>) dst(%dma_wait3A_261 : memref<32x128xf32, #tpu.memory_space<vmem>>)
      %dma_wait3A_268 = arith.constant 4 : i32
      %dma_wait3A_269 = arith.constant 0 : i32
      %dma_wait3A_270 = arith.constant 4 : i32
      %dma_wait3A_271 = arith.constant 0 : i32
      %dma_wait3A_272 = arith.constant 0 : i32
      %dma_wait3A_273 = tpu.memref_slice %arg6[%dma_wait3A_269, %dma_wait3A_270, %dma_wait3A_271, %dma_wait3A_272] : memref<2x7x32x128xf32, #tpu.memory_space<vmem>> -> memref<1x1x32x128xf32, #tpu.memory_space<vmem>>
      %dma_wait3A_274 = tpu.memref_squeeze %dma_wait3A_273 : memref<1x1x32x128xf32, #tpu.memory_space<vmem>> -> memref<32x128xf32, #tpu.memory_space<vmem>>
      %dma_wait3A_275 = arith.constant 0 : i32
      %dma_wait3A_276 = tpu.memref_slice %arg5[%dma_wait3A_268, %dma_wait3A_275] : memref<7x512xi32, #tpu.memory_space<vmem>> -> memref<1x32xi32, #tpu.memory_space<vmem>>
      %dma_wait3A_277 = tpu.memref_squeeze %dma_wait3A_276 : memref<1x32xi32, #tpu.memory_space<vmem>> -> memref<32xi32, #tpu.memory_space<vmem>>
      %dma_wait3A_278 = arith.constant 0 : i32
      %dma_wait3A_279 = arith.constant 0 : i32
      %dma_wait3A_280 = tpu.memref_slice %arg2[%dma_wait3A_278, %dma_wait3A_279] : memref<120000x128xf32, #tpu.memory_space<hbm>> -> memref<120000x128xf32, #tpu.memory_space<hbm>>
      tpu.wait_indirect_dma semaphore(%arg8 : memref<!tpu.dma_semaphore, #tpu.memory_space<semaphore_mem>>) src(%dma_wait3A_280 : memref<120000x128xf32, #tpu.memory_space<hbm>>) dst(%dma_wait3A_274 : memref<32x128xf32, #tpu.memory_space<vmem>>)
      %dma_wait3A_281 = arith.constant 5 : i32
      %dma_wait3A_282 = arith.constant 0 : i32
      %dma_wait3A_283 = arith.constant 5 : i32
      %dma_wait3A_284 = arith.constant 0 : i32
      %dma_wait3A_285 = arith.constant 0 : i32
      %dma_wait3A_286 = tpu.memref_slice %arg6[%dma_wait3A_282, %dma_wait3A_283, %dma_wait3A_284, %dma_wait3A_285] : memref<2x7x32x128xf32, #tpu.memory_space<vmem>> -> memref<1x1x32x128xf32, #tpu.memory_space<vmem>>
      %dma_wait3A_287 = tpu.memref_squeeze %dma_wait3A_286 : memref<1x1x32x128xf32, #tpu.memory_space<vmem>> -> memref<32x128xf32, #tpu.memory_space<vmem>>
      %dma_wait3A_288 = arith.constant 0 : i32
      %dma_wait3A_289 = tpu.memref_slice %arg5[%dma_wait3A_281, %dma_wait3A_288] : memref<7x512xi32, #tpu.memory_space<vmem>> -> memref<1x32xi32, #tpu.memory_space<vmem>>
      %dma_wait3A_290 = tpu.memref_squeeze %dma_wait3A_289 : memref<1x32xi32, #tpu.memory_space<vmem>> -> memref<32xi32, #tpu.memory_space<vmem>>
      %dma_wait3A_291 = arith.constant 0 : i32
      %dma_wait3A_292 = arith.constant 0 : i32
      %dma_wait3A_293 = tpu.memref_slice %arg2[%dma_wait3A_291, %dma_wait3A_292] : memref<120000x128xf32, #tpu.memory_space<hbm>> -> memref<120000x128xf32, #tpu.memory_space<hbm>>
      tpu.wait_indirect_dma semaphore(%arg8 : memref<!tpu.dma_semaphore, #tpu.memory_space<semaphore_mem>>) src(%dma_wait3A_293 : memref<120000x128xf32, #tpu.memory_space<hbm>>) dst(%dma_wait3A_287 : memref<32x128xf32, #tpu.memory_space<vmem>>)
      %dma_wait3A_294 = arith.constant 6 : i32
      %dma_wait3A_295 = arith.constant 0 : i32
      %dma_wait3A_296 = arith.constant 6 : i32
      %dma_wait3A_297 = arith.constant 0 : i32
      %dma_wait3A_298 = arith.constant 0 : i32
      %dma_wait3A_299 = tpu.memref_slice %arg6[%dma_wait3A_295, %dma_wait3A_296, %dma_wait3A_297, %dma_wait3A_298] : memref<2x7x32x128xf32, #tpu.memory_space<vmem>> -> memref<1x1x32x128xf32, #tpu.memory_space<vmem>>
      %dma_wait3A_300 = tpu.memref_squeeze %dma_wait3A_299 : memref<1x1x32x128xf32, #tpu.memory_space<vmem>> -> memref<32x128xf32, #tpu.memory_space<vmem>>
      %dma_wait3A_301 = arith.constant 0 : i32
      %dma_wait3A_302 = tpu.memref_slice %arg5[%dma_wait3A_294, %dma_wait3A_301] : memref<7x512xi32, #tpu.memory_space<vmem>> -> memref<1x32xi32, #tpu.memory_space<vmem>>
      %dma_wait3A_303 = tpu.memref_squeeze %dma_wait3A_302 : memref<1x32xi32, #tpu.memory_space<vmem>> -> memref<32xi32, #tpu.memory_space<vmem>>
      %dma_wait3A_304 = arith.constant 0 : i32
      %dma_wait3A_305 = arith.constant 0 : i32
      %dma_wait3A_306 = tpu.memref_slice %arg2[%dma_wait3A_304, %dma_wait3A_305] : memref<120000x128xf32, #tpu.memory_space<hbm>> -> memref<120000x128xf32, #tpu.memory_space<hbm>>
      tpu.wait_indirect_dma semaphore(%arg8 : memref<!tpu.dma_semaphore, #tpu.memory_space<semaphore_mem>>) src(%dma_wait3A_306 : memref<120000x128xf32, #tpu.memory_space<hbm>>) dst(%dma_wait3A_300 : memref<32x128xf32, #tpu.memory_space<vmem>>)
      %ge3A = arith.constant 2 : i32
      %ge3A_307 = arith.cmpi sge, %add3A_215, %ge3A : i32
      %convert_element_type3A = arith.extui %ge3A_307 : i1 to i32
      %cond3A = arith.constant 0 : i32
      %cond3A_308 = arith.cmpi ne, %convert_element_type3A, %cond3A : i32
      scf.if %cond3A_308 {
        %dma_wait3A_467 = arith.constant 0 : i32
        %dma_wait3A_468 = arith.constant 0 : i32
        %dma_wait3A_469 = arith.constant 0 : i32
        %dma_wait3A_470 = tpu.memref_slice %arg7[%dma_wait3A_467, %dma_wait3A_468, %dma_wait3A_469] : memref<2x32x64xf32, #tpu.memory_space<vmem>> -> memref<1x32x64xf32, #tpu.memory_space<vmem>>
        %dma_wait3A_471 = tpu.memref_squeeze %dma_wait3A_470 : memref<1x32x64xf32, #tpu.memory_space<vmem>> -> memref<32x64xf32, #tpu.memory_space<vmem>>
        %dma_wait3A_472 = arith.constant 0 : i32
        %dma_wait3A_473 = arith.constant 0 : i32
        %dma_wait3A_474 = tpu.memref_slice %arg4[%dma_wait3A_472, %dma_wait3A_473] : memref<16384x64xf32, #tpu.memory_space<hbm>> -> memref<32x64xf32, #tpu.memory_space<hbm>>
        %dma_wait3A_475 = arith.constant 0 : i32
        %dma_wait3A_476 = arith.constant 0 : i32
        %dma_wait3A_477 = tpu.memref_slice %arg4[%dma_wait3A_475, %dma_wait3A_476] : memref<16384x64xf32, #tpu.memory_space<hbm>> -> memref<32x64xf32, #tpu.memory_space<hbm>>
        %dma_wait3A_478 = arith.constant 0 : i32
        %dma_wait3A_479 = arith.constant 0 : i32
        %dma_wait3A_480 = tpu.memref_slice %arg7[%dma_wait3A_467, %dma_wait3A_478, %dma_wait3A_479] : memref<2x32x64xf32, #tpu.memory_space<vmem>> -> memref<1x32x64xf32, #tpu.memory_space<vmem>>
        %dma_wait3A_481 = tpu.memref_squeeze %dma_wait3A_480 : memref<1x32x64xf32, #tpu.memory_space<vmem>> -> memref<32x64xf32, #tpu.memory_space<vmem>>
        tpu.wait_dma2 semaphore(%arg10 : memref<!tpu.dma_semaphore, #tpu.memory_space<semaphore_mem>>) src(%dma_wait3A_481 : memref<32x64xf32, #tpu.memory_space<vmem>>) dst(%dma_wait3A_477 : memref<32x64xf32, #tpu.memory_space<hbm>>)
      } else {
      }
      %scan3A_309 = arith.constant 0 : i32
      %scan3A_310 = arith.constant 0 : i32
      %scan3A_311 = arith.constant 32 : i32
      %scan3A_312 = arith.addi %scan3A_310, %scan3A_311 : i32
      %scan3A_313 = arith.constant 1 : i32
      %scan3A_314 = scf.for %scan3A_467 = %scan3A_310 to %scan3A_312 step %scan3A_313 iter_args(%scan3A_468 = %scan3A_309) -> (i32)  : i32 {
        %get3A = arith.constant 0 : i32
        %get3A_469 = arith.constant 0 : i32
        %get3A_470 = arith.index_cast %get3A : i32 to index
        %get3A_471 = arith.index_cast %get3A_469 : i32 to index
        %get3A_472 = arith.index_cast %scan3A_467 : i32 to index
        %get3A_473 = arith.constant 0 : index
        %get3A_474 = tpu.vector_load %arg6[%get3A_470, %get3A_471, %get3A_472, %get3A_473] {strides = array<i32>} : memref<2x7x32x128xf32, #tpu.memory_space<vmem>>, vector<1x1x1x16xf32>,
        %get3A_475 = vector.shape_cast %get3A_474 : vector<1x1x1x16xf32> to vector<16xf32>
        %get3A_476 = arith.constant 0 : i32
        %get3A_477 = arith.constant 1 : i32
        %get3A_478 = arith.index_cast %get3A_476 : i32 to index
        %get3A_479 = arith.index_cast %get3A_477 : i32 to index
        %get3A_480 = arith.index_cast %scan3A_467 : i32 to index
        %get3A_481 = arith.constant 0 : index
        %get3A_482 = tpu.vector_load %arg6[%get3A_478, %get3A_479, %get3A_480, %get3A_481] {strides = array<i32>} : memref<2x7x32x128xf32, #tpu.memory_space<vmem>>, vector<1x1x1x16xf32>,
        %get3A_483 = vector.shape_cast %get3A_482 : vector<1x1x1x16xf32> to vector<16xf32>
        %get3A_484 = arith.constant 0 : i32
        %get3A_485 = arith.constant 2 : i32
        %get3A_486 = arith.index_cast %get3A_484 : i32 to index
        %get3A_487 = arith.index_cast %get3A_485 : i32 to index
        %get3A_488 = arith.index_cast %scan3A_467 : i32 to index
        %get3A_489 = arith.constant 0 : index
        %get3A_490 = tpu.vector_load %arg6[%get3A_486, %get3A_487, %get3A_488, %get3A_489] {strides = array<i32>} : memref<2x7x32x128xf32, #tpu.memory_space<vmem>>, vector<1x1x1x16xf32>,
        %get3A_491 = vector.shape_cast %get3A_490 : vector<1x1x1x16xf32> to vector<16xf32>
        %get3A_492 = arith.constant 0 : i32
        %get3A_493 = arith.constant 3 : i32
        %get3A_494 = arith.index_cast %get3A_492 : i32 to index
        %get3A_495 = arith.index_cast %get3A_493 : i32 to index
        %get3A_496 = arith.index_cast %scan3A_467 : i32 to index
        %get3A_497 = arith.constant 0 : index
        %get3A_498 = tpu.vector_load %arg6[%get3A_494, %get3A_495, %get3A_496, %get3A_497] {strides = array<i32>} : memref<2x7x32x128xf32, #tpu.memory_space<vmem>>, vector<1x1x1x16xf32>,
        %get3A_499 = vector.shape_cast %get3A_498 : vector<1x1x1x16xf32> to vector<16xf32>
        %get3A_500 = arith.constant 0 : i32
        %get3A_501 = arith.constant 4 : i32
        %get3A_502 = arith.index_cast %get3A_500 : i32 to index
        %get3A_503 = arith.index_cast %get3A_501 : i32 to index
        %get3A_504 = arith.index_cast %scan3A_467 : i32 to index
        %get3A_505 = arith.constant 0 : index
        %get3A_506 = tpu.vector_load %arg6[%get3A_502, %get3A_503, %get3A_504, %get3A_505] {strides = array<i32>} : memref<2x7x32x128xf32, #tpu.memory_space<vmem>>, vector<1x1x1x16xf32>,
        %get3A_507 = vector.shape_cast %get3A_506 : vector<1x1x1x16xf32> to vector<16xf32>
        %get3A_508 = arith.constant 0 : i32
        %get3A_509 = arith.constant 5 : i32
        %get3A_510 = arith.index_cast %get3A_508 : i32 to index
        %get3A_511 = arith.index_cast %get3A_509 : i32 to index
        %get3A_512 = arith.index_cast %scan3A_467 : i32 to index
        %get3A_513 = arith.constant 0 : index
        %get3A_514 = tpu.vector_load %arg6[%get3A_510, %get3A_511, %get3A_512, %get3A_513] {strides = array<i32>} : memref<2x7x32x128xf32, #tpu.memory_space<vmem>>, vector<1x1x1x16xf32>,
        %get3A_515 = vector.shape_cast %get3A_514 : vector<1x1x1x16xf32> to vector<16xf32>
        %get3A_516 = arith.constant 0 : i32
        %get3A_517 = arith.constant 6 : i32
        %get3A_518 = arith.index_cast %get3A_516 : i32 to index
        %get3A_519 = arith.index_cast %get3A_517 : i32 to index
        %get3A_520 = arith.index_cast %scan3A_467 : i32 to index
        %get3A_521 = arith.constant 0 : index
        %get3A_522 = tpu.vector_load %arg6[%get3A_518, %get3A_519, %get3A_520, %get3A_521] {strides = array<i32>} : memref<2x7x32x128xf32, #tpu.memory_space<vmem>>, vector<1x1x1x16xf32>,
        %get3A_523 = vector.shape_cast %get3A_522 : vector<1x1x1x16xf32> to vector<16xf32>
        %sub3A = arith.subf %get3A_475, %get3A_483 : vector<16xf32>
        %sub3A_524 = arith.subf %get3A_491, %get3A_499 : vector<16xf32>
        %mul3A_525 = arith.mulf %sub3A, %sub3A : vector<16xf32>
        %add3A_526 = arith.addf %broadcast_in_dim3A_3, %mul3A_525 : vector<16xf32>
        %mul3A_527 = arith.mulf %sub3A_524, %sub3A_524 : vector<16xf32>
        %add3A_528 = arith.addf %broadcast_in_dim3A_3, %mul3A_527 : vector<16xf32>
        %sub3A_529 = arith.subf %get3A_507, %get3A_515 : vector<16xf32>
        %add3A_530 = arith.addf %broadcast_in_dim3A_3, %sub3A_529 : vector<16xf32>
        %sub3A_531 = arith.subf %get3A_507, %get3A_523 : vector<16xf32>
        %add3A_532 = arith.addf %broadcast_in_dim3A_3, %sub3A_531 : vector<16xf32>
        %get3A_533 = arith.constant 0 : i32
        %get3A_534 = arith.constant 0 : i32
        %get3A_535 = arith.index_cast %get3A_533 : i32 to index
        %get3A_536 = arith.index_cast %get3A_534 : i32 to index
        %get3A_537 = arith.index_cast %scan3A_467 : i32 to index
        %get3A_538 = arith.constant 16 : index
        %get3A_539 = tpu.vector_load %arg6[%get3A_535, %get3A_536, %get3A_537, %get3A_538] {strides = array<i32>} : memref<2x7x32x128xf32, #tpu.memory_space<vmem>>, vector<1x1x1x16xf32>,
        %get3A_540 = vector.shape_cast %get3A_539 : vector<1x1x1x16xf32> to vector<16xf32>
        %get3A_541 = arith.constant 0 : i32
        %get3A_542 = arith.constant 1 : i32
        %get3A_543 = arith.index_cast %get3A_541 : i32 to index
        %get3A_544 = arith.index_cast %get3A_542 : i32 to index
        %get3A_545 = arith.index_cast %scan3A_467 : i32 to index
        %get3A_546 = arith.constant 16 : index
        %get3A_547 = tpu.vector_load %arg6[%get3A_543, %get3A_544, %get3A_545, %get3A_546] {strides = array<i32>} : memref<2x7x32x128xf32, #tpu.memory_space<vmem>>, vector<1x1x1x16xf32>,
        %get3A_548 = vector.shape_cast %get3A_547 : vector<1x1x1x16xf32> to vector<16xf32>
        %get3A_549 = arith.constant 0 : i32
        %get3A_550 = arith.constant 2 : i32
        %get3A_551 = arith.index_cast %get3A_549 : i32 to index
        %get3A_552 = arith.index_cast %get3A_550 : i32 to index
        %get3A_553 = arith.index_cast %scan3A_467 : i32 to index
        %get3A_554 = arith.constant 16 : index
        %get3A_555 = tpu.vector_load %arg6[%get3A_551, %get3A_552, %get3A_553, %get3A_554] {strides = array<i32>} : memref<2x7x32x128xf32, #tpu.memory_space<vmem>>, vector<1x1x1x16xf32>,
        %get3A_556 = vector.shape_cast %get3A_555 : vector<1x1x1x16xf32> to vector<16xf32>
        %get3A_557 = arith.constant 0 : i32
        %get3A_558 = arith.constant 3 : i32
        %get3A_559 = arith.index_cast %get3A_557 : i32 to index
        %get3A_560 = arith.index_cast %get3A_558 : i32 to index
        %get3A_561 = arith.index_cast %scan3A_467 : i32 to index
        %get3A_562 = arith.constant 16 : index
        %get3A_563 = tpu.vector_load %arg6[%get3A_559, %get3A_560, %get3A_561, %get3A_562] {strides = array<i32>} : memref<2x7x32x128xf32, #tpu.memory_space<vmem>>, vector<1x1x1x16xf32>,
        %get3A_564 = vector.shape_cast %get3A_563 : vector<1x1x1x16xf32> to vector<16xf32>
        %get3A_565 = arith.constant 0 : i32
        %get3A_566 = arith.constant 4 : i32
        %get3A_567 = arith.index_cast %get3A_565 : i32 to index
        %get3A_568 = arith.index_cast %get3A_566 : i32 to index
        %get3A_569 = arith.index_cast %scan3A_467 : i32 to index
        %get3A_570 = arith.constant 16 : index
        %get3A_571 = tpu.vector_load %arg6[%get3A_567, %get3A_568, %get3A_569, %get3A_570] {strides = array<i32>} : memref<2x7x32x128xf32, #tpu.memory_space<vmem>>, vector<1x1x1x16xf32>,
        %get3A_572 = vector.shape_cast %get3A_571 : vector<1x1x1x16xf32> to vector<16xf32>
        %get3A_573 = arith.constant 0 : i32
        %get3A_574 = arith.constant 5 : i32
        %get3A_575 = arith.index_cast %get3A_573 : i32 to index
        %get3A_576 = arith.index_cast %get3A_574 : i32 to index
        %get3A_577 = arith.index_cast %scan3A_467 : i32 to index
        %get3A_578 = arith.constant 16 : index
        %get3A_579 = tpu.vector_load %arg6[%get3A_575, %get3A_576, %get3A_577, %get3A_578] {strides = array<i32>} : memref<2x7x32x128xf32, #tpu.memory_space<vmem>>, vector<1x1x1x16xf32>,
        %get3A_580 = vector.shape_cast %get3A_579 : vector<1x1x1x16xf32> to vector<16xf32>
        %get3A_581 = arith.constant 0 : i32
        %get3A_582 = arith.constant 6 : i32
        %get3A_583 = arith.index_cast %get3A_581 : i32 to index
        %get3A_584 = arith.index_cast %get3A_582 : i32 to index
        %get3A_585 = arith.index_cast %scan3A_467 : i32 to index
        %get3A_586 = arith.constant 16 : index
        %get3A_587 = tpu.vector_load %arg6[%get3A_583, %get3A_584, %get3A_585, %get3A_586] {strides = array<i32>} : memref<2x7x32x128xf32, #tpu.memory_space<vmem>>, vector<1x1x1x16xf32>,
        %get3A_588 = vector.shape_cast %get3A_587 : vector<1x1x1x16xf32> to vector<16xf32>
        %sub3A_589 = arith.subf %get3A_540, %get3A_548 : vector<16xf32>
        %sub3A_590 = arith.subf %get3A_556, %get3A_564 : vector<16xf32>
        %mul3A_591 = arith.mulf %sub3A_589, %sub3A_589 : vector<16xf32>
        %add3A_592 = arith.addf %add3A_526, %mul3A_591 : vector<16xf32>
        %mul3A_593 = arith.mulf %sub3A_590, %sub3A_590 : vector<16xf32>
        %add3A_594 = arith.addf %add3A_528, %mul3A_593 : vector<16xf32>
        %sub3A_595 = arith.subf %get3A_572, %get3A_580 : vector<16xf32>
        %add3A_596 = arith.addf %add3A_530, %sub3A_595 : vector<16xf32>
        %sub3A_597 = arith.subf %get3A_572, %get3A_588 : vector<16xf32>
        %add3A_598 = arith.addf %add3A_532, %sub3A_597 : vector<16xf32>
        %get3A_599 = arith.constant 0 : i32
        %get3A_600 = arith.constant 0 : i32
        %get3A_601 = arith.index_cast %get3A_599 : i32 to index
        %get3A_602 = arith.index_cast %get3A_600 : i32 to index
        %get3A_603 = arith.index_cast %scan3A_467 : i32 to index
        %get3A_604 = arith.constant 32 : index
        %get3A_605 = tpu.vector_load %arg6[%get3A_601, %get3A_602, %get3A_603, %get3A_604] {strides = array<i32>} : memref<2x7x32x128xf32, #tpu.memory_space<vmem>>, vector<1x1x1x16xf32>,
        %get3A_606 = vector.shape_cast %get3A_605 : vector<1x1x1x16xf32> to vector<16xf32>
        %get3A_607 = arith.constant 0 : i32
        %get3A_608 = arith.constant 1 : i32
        %get3A_609 = arith.index_cast %get3A_607 : i32 to index
        %get3A_610 = arith.index_cast %get3A_608 : i32 to index
        %get3A_611 = arith.index_cast %scan3A_467 : i32 to index
        %get3A_612 = arith.constant 32 : index
        %get3A_613 = tpu.vector_load %arg6[%get3A_609, %get3A_610, %get3A_611, %get3A_612] {strides = array<i32>} : memref<2x7x32x128xf32, #tpu.memory_space<vmem>>, vector<1x1x1x16xf32>,
        %get3A_614 = vector.shape_cast %get3A_613 : vector<1x1x1x16xf32> to vector<16xf32>
        %get3A_615 = arith.constant 0 : i32
        %get3A_616 = arith.constant 2 : i32
        %get3A_617 = arith.index_cast %get3A_615 : i32 to index
        %get3A_618 = arith.index_cast %get3A_616 : i32 to index
        %get3A_619 = arith.index_cast %scan3A_467 : i32 to index
        %get3A_620 = arith.constant 32 : index
        %get3A_621 = tpu.vector_load %arg6[%get3A_617, %get3A_618, %get3A_619, %get3A_620] {strides = array<i32>} : memref<2x7x32x128xf32, #tpu.memory_space<vmem>>, vector<1x1x1x16xf32>,
        %get3A_622 = vector.shape_cast %get3A_621 : vector<1x1x1x16xf32> to vector<16xf32>
        %get3A_623 = arith.constant 0 : i32
        %get3A_624 = arith.constant 3 : i32
        %get3A_625 = arith.index_cast %get3A_623 : i32 to index
        %get3A_626 = arith.index_cast %get3A_624 : i32 to index
        %get3A_627 = arith.index_cast %scan3A_467 : i32 to index
        %get3A_628 = arith.constant 32 : index
        %get3A_629 = tpu.vector_load %arg6[%get3A_625, %get3A_626, %get3A_627, %get3A_628] {strides = array<i32>} : memref<2x7x32x128xf32, #tpu.memory_space<vmem>>, vector<1x1x1x16xf32>,
        %get3A_630 = vector.shape_cast %get3A_629 : vector<1x1x1x16xf32> to vector<16xf32>
        %get3A_631 = arith.constant 0 : i32
        %get3A_632 = arith.constant 4 : i32
        %get3A_633 = arith.index_cast %get3A_631 : i32 to index
        %get3A_634 = arith.index_cast %get3A_632 : i32 to index
        %get3A_635 = arith.index_cast %scan3A_467 : i32 to index
        %get3A_636 = arith.constant 32 : index
        %get3A_637 = tpu.vector_load %arg6[%get3A_633, %get3A_634, %get3A_635, %get3A_636] {strides = array<i32>} : memref<2x7x32x128xf32, #tpu.memory_space<vmem>>, vector<1x1x1x16xf32>,
        %get3A_638 = vector.shape_cast %get3A_637 : vector<1x1x1x16xf32> to vector<16xf32>
        %get3A_639 = arith.constant 0 : i32
        %get3A_640 = arith.constant 5 : i32
        %get3A_641 = arith.index_cast %get3A_639 : i32 to index
        %get3A_642 = arith.index_cast %get3A_640 : i32 to index
        %get3A_643 = arith.index_cast %scan3A_467 : i32 to index
        %get3A_644 = arith.constant 32 : index
        %get3A_645 = tpu.vector_load %arg6[%get3A_641, %get3A_642, %get3A_643, %get3A_644] {strides = array<i32>} : memref<2x7x32x128xf32, #tpu.memory_space<vmem>>, vector<1x1x1x16xf32>,
        %get3A_646 = vector.shape_cast %get3A_645 : vector<1x1x1x16xf32> to vector<16xf32>
        %get3A_647 = arith.constant 0 : i32
        %get3A_648 = arith.constant 6 : i32
        %get3A_649 = arith.index_cast %get3A_647 : i32 to index
        %get3A_650 = arith.index_cast %get3A_648 : i32 to index
        %get3A_651 = arith.index_cast %scan3A_467 : i32 to index
        %get3A_652 = arith.constant 32 : index
        %get3A_653 = tpu.vector_load %arg6[%get3A_649, %get3A_650, %get3A_651, %get3A_652] {strides = array<i32>} : memref<2x7x32x128xf32, #tpu.memory_space<vmem>>, vector<1x1x1x16xf32>,
        %get3A_654 = vector.shape_cast %get3A_653 : vector<1x1x1x16xf32> to vector<16xf32>
        %sub3A_655 = arith.subf %get3A_606, %get3A_614 : vector<16xf32>
        %sub3A_656 = arith.subf %get3A_622, %get3A_630 : vector<16xf32>
        %mul3A_657 = arith.mulf %sub3A_655, %sub3A_655 : vector<16xf32>
        %add3A_658 = arith.addf %add3A_592, %mul3A_657 : vector<16xf32>
        %mul3A_659 = arith.mulf %sub3A_656, %sub3A_656 : vector<16xf32>
        %add3A_660 = arith.addf %add3A_594, %mul3A_659 : vector<16xf32>
        %sub3A_661 = arith.subf %get3A_638, %get3A_646 : vector<16xf32>
        %add3A_662 = arith.addf %add3A_596, %sub3A_661 : vector<16xf32>
        %sub3A_663 = arith.subf %get3A_638, %get3A_654 : vector<16xf32>
        %add3A_664 = arith.addf %add3A_598, %sub3A_663 : vector<16xf32>
        %get3A_665 = arith.constant 0 : i32
        %get3A_666 = arith.constant 0 : i32
        %get3A_667 = arith.index_cast %get3A_665 : i32 to index
        %get3A_668 = arith.index_cast %get3A_666 : i32 to index
        %get3A_669 = arith.index_cast %scan3A_467 : i32 to index
        %get3A_670 = arith.constant 48 : index
        %get3A_671 = tpu.vector_load %arg6[%get3A_667, %get3A_668, %get3A_669, %get3A_670] {strides = array<i32>} : memref<2x7x32x128xf32, #tpu.memory_space<vmem>>, vector<1x1x1x16xf32>,
        %get3A_672 = vector.shape_cast %get3A_671 : vector<1x1x1x16xf32> to vector<16xf32>
        %get3A_673 = arith.constant 0 : i32
        %get3A_674 = arith.constant 1 : i32
        %get3A_675 = arith.index_cast %get3A_673 : i32 to index
        %get3A_676 = arith.index_cast %get3A_674 : i32 to index
        %get3A_677 = arith.index_cast %scan3A_467 : i32 to index
        %get3A_678 = arith.constant 48 : index
        %get3A_679 = tpu.vector_load %arg6[%get3A_675, %get3A_676, %get3A_677, %get3A_678] {strides = array<i32>} : memref<2x7x32x128xf32, #tpu.memory_space<vmem>>, vector<1x1x1x16xf32>,
        %get3A_680 = vector.shape_cast %get3A_679 : vector<1x1x1x16xf32> to vector<16xf32>
        %get3A_681 = arith.constant 0 : i32
        %get3A_682 = arith.constant 2 : i32
        %get3A_683 = arith.index_cast %get3A_681 : i32 to index
        %get3A_684 = arith.index_cast %get3A_682 : i32 to index
        %get3A_685 = arith.index_cast %scan3A_467 : i32 to index
        %get3A_686 = arith.constant 48 : index
        %get3A_687 = tpu.vector_load %arg6[%get3A_683, %get3A_684, %get3A_685, %get3A_686] {strides = array<i32>} : memref<2x7x32x128xf32, #tpu.memory_space<vmem>>, vector<1x1x1x16xf32>,
        %get3A_688 = vector.shape_cast %get3A_687 : vector<1x1x1x16xf32> to vector<16xf32>
        %get3A_689 = arith.constant 0 : i32
        %get3A_690 = arith.constant 3 : i32
        %get3A_691 = arith.index_cast %get3A_689 : i32 to index
        %get3A_692 = arith.index_cast %get3A_690 : i32 to index
        %get3A_693 = arith.index_cast %scan3A_467 : i32 to index
        %get3A_694 = arith.constant 48 : index
        %get3A_695 = tpu.vector_load %arg6[%get3A_691, %get3A_692, %get3A_693, %get3A_694] {strides = array<i32>} : memref<2x7x32x128xf32, #tpu.memory_space<vmem>>, vector<1x1x1x16xf32>,
        %get3A_696 = vector.shape_cast %get3A_695 : vector<1x1x1x16xf32> to vector<16xf32>
        %get3A_697 = arith.constant 0 : i32
        %get3A_698 = arith.constant 4 : i32
        %get3A_699 = arith.index_cast %get3A_697 : i32 to index
        %get3A_700 = arith.index_cast %get3A_698 : i32 to index
        %get3A_701 = arith.index_cast %scan3A_467 : i32 to index
        %get3A_702 = arith.constant 48 : index
        %get3A_703 = tpu.vector_load %arg6[%get3A_699, %get3A_700, %get3A_701, %get3A_702] {strides = array<i32>} : memref<2x7x32x128xf32, #tpu.memory_space<vmem>>, vector<1x1x1x16xf32>,
        %get3A_704 = vector.shape_cast %get3A_703 : vector<1x1x1x16xf32> to vector<16xf32>
        %get3A_705 = arith.constant 0 : i32
        %get3A_706 = arith.constant 5 : i32
        %get3A_707 = arith.index_cast %get3A_705 : i32 to index
        %get3A_708 = arith.index_cast %get3A_706 : i32 to index
        %get3A_709 = arith.index_cast %scan3A_467 : i32 to index
        %get3A_710 = arith.constant 48 : index
        %get3A_711 = tpu.vector_load %arg6[%get3A_707, %get3A_708, %get3A_709, %get3A_710] {strides = array<i32>} : memref<2x7x32x128xf32, #tpu.memory_space<vmem>>, vector<1x1x1x16xf32>,
        %get3A_712 = vector.shape_cast %get3A_711 : vector<1x1x1x16xf32> to vector<16xf32>
        %get3A_713 = arith.constant 0 : i32
        %get3A_714 = arith.constant 6 : i32
        %get3A_715 = arith.index_cast %get3A_713 : i32 to index
        %get3A_716 = arith.index_cast %get3A_714 : i32 to index
        %get3A_717 = arith.index_cast %scan3A_467 : i32 to index
        %get3A_718 = arith.constant 48 : index
        %get3A_719 = tpu.vector_load %arg6[%get3A_715, %get3A_716, %get3A_717, %get3A_718] {strides = array<i32>} : memref<2x7x32x128xf32, #tpu.memory_space<vmem>>, vector<1x1x1x16xf32>,
        %get3A_720 = vector.shape_cast %get3A_719 : vector<1x1x1x16xf32> to vector<16xf32>
        %sub3A_721 = arith.subf %get3A_672, %get3A_680 : vector<16xf32>
        %sub3A_722 = arith.subf %get3A_688, %get3A_696 : vector<16xf32>
        %mul3A_723 = arith.mulf %sub3A_721, %sub3A_721 : vector<16xf32>
        %add3A_724 = arith.addf %add3A_658, %mul3A_723 : vector<16xf32>
        %mul3A_725 = arith.mulf %sub3A_722, %sub3A_722 : vector<16xf32>
        %add3A_726 = arith.addf %add3A_660, %mul3A_725 : vector<16xf32>
        %sub3A_727 = arith.subf %get3A_704, %get3A_712 : vector<16xf32>
        %add3A_728 = arith.addf %add3A_662, %sub3A_727 : vector<16xf32>
        %sub3A_729 = arith.subf %get3A_704, %get3A_720 : vector<16xf32>
        %add3A_730 = arith.addf %add3A_664, %sub3A_729 : vector<16xf32>
        %get3A_731 = arith.constant 0 : i32
        %get3A_732 = arith.constant 0 : i32
        %get3A_733 = arith.index_cast %get3A_731 : i32 to index
        %get3A_734 = arith.index_cast %get3A_732 : i32 to index
        %get3A_735 = arith.index_cast %scan3A_467 : i32 to index
        %get3A_736 = arith.constant 64 : index
        %get3A_737 = tpu.vector_load %arg6[%get3A_733, %get3A_734, %get3A_735, %get3A_736] {strides = array<i32>} : memref<2x7x32x128xf32, #tpu.memory_space<vmem>>, vector<1x1x1x16xf32>,
        %get3A_738 = vector.shape_cast %get3A_737 : vector<1x1x1x16xf32> to vector<16xf32>
        %get3A_739 = arith.constant 0 : i32
        %get3A_740 = arith.constant 1 : i32
        %get3A_741 = arith.index_cast %get3A_739 : i32 to index
        %get3A_742 = arith.index_cast %get3A_740 : i32 to index
        %get3A_743 = arith.index_cast %scan3A_467 : i32 to index
        %get3A_744 = arith.constant 64 : index
        %get3A_745 = tpu.vector_load %arg6[%get3A_741, %get3A_742, %get3A_743, %get3A_744] {strides = array<i32>} : memref<2x7x32x128xf32, #tpu.memory_space<vmem>>, vector<1x1x1x16xf32>,
        %get3A_746 = vector.shape_cast %get3A_745 : vector<1x1x1x16xf32> to vector<16xf32>
        %get3A_747 = arith.constant 0 : i32
        %get3A_748 = arith.constant 2 : i32
        %get3A_749 = arith.index_cast %get3A_747 : i32 to index
        %get3A_750 = arith.index_cast %get3A_748 : i32 to index
        %get3A_751 = arith.index_cast %scan3A_467 : i32 to index
        %get3A_752 = arith.constant 64 : index
        %get3A_753 = tpu.vector_load %arg6[%get3A_749, %get3A_750, %get3A_751, %get3A_752] {strides = array<i32>} : memref<2x7x32x128xf32, #tpu.memory_space<vmem>>, vector<1x1x1x16xf32>,
        %get3A_754 = vector.shape_cast %get3A_753 : vector<1x1x1x16xf32> to vector<16xf32>
        %get3A_755 = arith.constant 0 : i32
        %get3A_756 = arith.constant 3 : i32
        %get3A_757 = arith.index_cast %get3A_755 : i32 to index
        %get3A_758 = arith.index_cast %get3A_756 : i32 to index
        %get3A_759 = arith.index_cast %scan3A_467 : i32 to index
        %get3A_760 = arith.constant 64 : index
        %get3A_761 = tpu.vector_load %arg6[%get3A_757, %get3A_758, %get3A_759, %get3A_760] {strides = array<i32>} : memref<2x7x32x128xf32, #tpu.memory_space<vmem>>, vector<1x1x1x16xf32>,
        %get3A_762 = vector.shape_cast %get3A_761 : vector<1x1x1x16xf32> to vector<16xf32>
        %get3A_763 = arith.constant 0 : i32
        %get3A_764 = arith.constant 4 : i32
        %get3A_765 = arith.index_cast %get3A_763 : i32 to index
        %get3A_766 = arith.index_cast %get3A_764 : i32 to index
        %get3A_767 = arith.index_cast %scan3A_467 : i32 to index
        %get3A_768 = arith.constant 64 : index
        %get3A_769 = tpu.vector_load %arg6[%get3A_765, %get3A_766, %get3A_767, %get3A_768] {strides = array<i32>} : memref<2x7x32x128xf32, #tpu.memory_space<vmem>>, vector<1x1x1x16xf32>,
        %get3A_770 = vector.shape_cast %get3A_769 : vector<1x1x1x16xf32> to vector<16xf32>
        %get3A_771 = arith.constant 0 : i32
        %get3A_772 = arith.constant 5 : i32
        %get3A_773 = arith.index_cast %get3A_771 : i32 to index
        %get3A_774 = arith.index_cast %get3A_772 : i32 to index
        %get3A_775 = arith.index_cast %scan3A_467 : i32 to index
        %get3A_776 = arith.constant 64 : index
        %get3A_777 = tpu.vector_load %arg6[%get3A_773, %get3A_774, %get3A_775, %get3A_776] {strides = array<i32>} : memref<2x7x32x128xf32, #tpu.memory_space<vmem>>, vector<1x1x1x16xf32>,
        %get3A_778 = vector.shape_cast %get3A_777 : vector<1x1x1x16xf32> to vector<16xf32>
        %get3A_779 = arith.constant 0 : i32
        %get3A_780 = arith.constant 6 : i32
        %get3A_781 = arith.index_cast %get3A_779 : i32 to index
        %get3A_782 = arith.index_cast %get3A_780 : i32 to index
        %get3A_783 = arith.index_cast %scan3A_467 : i32 to index
        %get3A_784 = arith.constant 64 : index
        %get3A_785 = tpu.vector_load %arg6[%get3A_781, %get3A_782, %get3A_783, %get3A_784] {strides = array<i32>} : memref<2x7x32x128xf32, #tpu.memory_space<vmem>>, vector<1x1x1x16xf32>,
        %get3A_786 = vector.shape_cast %get3A_785 : vector<1x1x1x16xf32> to vector<16xf32>
        %sub3A_787 = arith.subf %get3A_738, %get3A_746 : vector<16xf32>
        %sub3A_788 = arith.subf %get3A_754, %get3A_762 : vector<16xf32>
        %mul3A_789 = arith.mulf %sub3A_787, %sub3A_787 : vector<16xf32>
        %add3A_790 = arith.addf %add3A_724, %mul3A_789 : vector<16xf32>
        %mul3A_791 = arith.mulf %sub3A_788, %sub3A_788 : vector<16xf32>
        %add3A_792 = arith.addf %add3A_726, %mul3A_791 : vector<16xf32>
        %sub3A_793 = arith.subf %get3A_770, %get3A_778 : vector<16xf32>
        %add3A_794 = arith.addf %add3A_728, %sub3A_793 : vector<16xf32>
        %sub3A_795 = arith.subf %get3A_770, %get3A_786 : vector<16xf32>
        %add3A_796 = arith.addf %add3A_730, %sub3A_795 : vector<16xf32>
        %get3A_797 = arith.constant 0 : i32
        %get3A_798 = arith.constant 0 : i32
        %get3A_799 = arith.index_cast %get3A_797 : i32 to index
        %get3A_800 = arith.index_cast %get3A_798 : i32 to index
        %get3A_801 = arith.index_cast %scan3A_467 : i32 to index
        %get3A_802 = arith.constant 80 : index
        %get3A_803 = tpu.vector_load %arg6[%get3A_799, %get3A_800, %get3A_801, %get3A_802] {strides = array<i32>} : memref<2x7x32x128xf32, #tpu.memory_space<vmem>>, vector<1x1x1x16xf32>,
        %get3A_804 = vector.shape_cast %get3A_803 : vector<1x1x1x16xf32> to vector<16xf32>
        %get3A_805 = arith.constant 0 : i32
        %get3A_806 = arith.constant 1 : i32
        %get3A_807 = arith.index_cast %get3A_805 : i32 to index
        %get3A_808 = arith.index_cast %get3A_806 : i32 to index
        %get3A_809 = arith.index_cast %scan3A_467 : i32 to index
        %get3A_810 = arith.constant 80 : index
        %get3A_811 = tpu.vector_load %arg6[%get3A_807, %get3A_808, %get3A_809, %get3A_810] {strides = array<i32>} : memref<2x7x32x128xf32, #tpu.memory_space<vmem>>, vector<1x1x1x16xf32>,
        %get3A_812 = vector.shape_cast %get3A_811 : vector<1x1x1x16xf32> to vector<16xf32>
        %get3A_813 = arith.constant 0 : i32
        %get3A_814 = arith.constant 2 : i32
        %get3A_815 = arith.index_cast %get3A_813 : i32 to index
        %get3A_816 = arith.index_cast %get3A_814 : i32 to index
        %get3A_817 = arith.index_cast %scan3A_467 : i32 to index
        %get3A_818 = arith.constant 80 : index
        %get3A_819 = tpu.vector_load %arg6[%get3A_815, %get3A_816, %get3A_817, %get3A_818] {strides = array<i32>} : memref<2x7x32x128xf32, #tpu.memory_space<vmem>>, vector<1x1x1x16xf32>,
        %get3A_820 = vector.shape_cast %get3A_819 : vector<1x1x1x16xf32> to vector<16xf32>
        %get3A_821 = arith.constant 0 : i32
        %get3A_822 = arith.constant 3 : i32
        %get3A_823 = arith.index_cast %get3A_821 : i32 to index
        %get3A_824 = arith.index_cast %get3A_822 : i32 to index
        %get3A_825 = arith.index_cast %scan3A_467 : i32 to index
        %get3A_826 = arith.constant 80 : index
        %get3A_827 = tpu.vector_load %arg6[%get3A_823, %get3A_824, %get3A_825, %get3A_826] {strides = array<i32>} : memref<2x7x32x128xf32, #tpu.memory_space<vmem>>, vector<1x1x1x16xf32>,
        %get3A_828 = vector.shape_cast %get3A_827 : vector<1x1x1x16xf32> to vector<16xf32>
        %get3A_829 = arith.constant 0 : i32
        %get3A_830 = arith.constant 4 : i32
        %get3A_831 = arith.index_cast %get3A_829 : i32 to index
        %get3A_832 = arith.index_cast %get3A_830 : i32 to index
        %get3A_833 = arith.index_cast %scan3A_467 : i32 to index
        %get3A_834 = arith.constant 80 : index
        %get3A_835 = tpu.vector_load %arg6[%get3A_831, %get3A_832, %get3A_833, %get3A_834] {strides = array<i32>} : memref<2x7x32x128xf32, #tpu.memory_space<vmem>>, vector<1x1x1x16xf32>,
        %get3A_836 = vector.shape_cast %get3A_835 : vector<1x1x1x16xf32> to vector<16xf32>
        %get3A_837 = arith.constant 0 : i32
        %get3A_838 = arith.constant 5 : i32
        %get3A_839 = arith.index_cast %get3A_837 : i32 to index
        %get3A_840 = arith.index_cast %get3A_838 : i32 to index
        %get3A_841 = arith.index_cast %scan3A_467 : i32 to index
        %get3A_842 = arith.constant 80 : index
        %get3A_843 = tpu.vector_load %arg6[%get3A_839, %get3A_840, %get3A_841, %get3A_842] {strides = array<i32>} : memref<2x7x32x128xf32, #tpu.memory_space<vmem>>, vector<1x1x1x16xf32>,
        %get3A_844 = vector.shape_cast %get3A_843 : vector<1x1x1x16xf32> to vector<16xf32>
        %get3A_845 = arith.constant 0 : i32
        %get3A_846 = arith.constant 6 : i32
        %get3A_847 = arith.index_cast %get3A_845 : i32 to index
        %get3A_848 = arith.index_cast %get3A_846 : i32 to index
        %get3A_849 = arith.index_cast %scan3A_467 : i32 to index
        %get3A_850 = arith.constant 80 : index
        %get3A_851 = tpu.vector_load %arg6[%get3A_847, %get3A_848, %get3A_849, %get3A_850] {strides = array<i32>} : memref<2x7x32x128xf32, #tpu.memory_space<vmem>>, vector<1x1x1x16xf32>,
        %get3A_852 = vector.shape_cast %get3A_851 : vector<1x1x1x16xf32> to vector<16xf32>
        %sub3A_853 = arith.subf %get3A_804, %get3A_812 : vector<16xf32>
        %sub3A_854 = arith.subf %get3A_820, %get3A_828 : vector<16xf32>
        %mul3A_855 = arith.mulf %sub3A_853, %sub3A_853 : vector<16xf32>
        %add3A_856 = arith.addf %add3A_790, %mul3A_855 : vector<16xf32>
        %mul3A_857 = arith.mulf %sub3A_854, %sub3A_854 : vector<16xf32>
        %add3A_858 = arith.addf %add3A_792, %mul3A_857 : vector<16xf32>
        %sub3A_859 = arith.subf %get3A_836, %get3A_844 : vector<16xf32>
        %add3A_860 = arith.addf %add3A_794, %sub3A_859 : vector<16xf32>
        %sub3A_861 = arith.subf %get3A_836, %get3A_852 : vector<16xf32>
        %add3A_862 = arith.addf %add3A_796, %sub3A_861 : vector<16xf32>
        %get3A_863 = arith.constant 0 : i32
        %get3A_864 = arith.constant 0 : i32
        %get3A_865 = arith.index_cast %get3A_863 : i32 to index
        %get3A_866 = arith.index_cast %get3A_864 : i32 to index
        %get3A_867 = arith.index_cast %scan3A_467 : i32 to index
        %get3A_868 = arith.constant 96 : index
        %get3A_869 = tpu.vector_load %arg6[%get3A_865, %get3A_866, %get3A_867, %get3A_868] {strides = array<i32>} : memref<2x7x32x128xf32, #tpu.memory_space<vmem>>, vector<1x1x1x16xf32>,
        %get3A_870 = vector.shape_cast %get3A_869 : vector<1x1x1x16xf32> to vector<16xf32>
        %get3A_871 = arith.constant 0 : i32
        %get3A_872 = arith.constant 1 : i32
        %get3A_873 = arith.index_cast %get3A_871 : i32 to index
        %get3A_874 = arith.index_cast %get3A_872 : i32 to index
        %get3A_875 = arith.index_cast %scan3A_467 : i32 to index
        %get3A_876 = arith.constant 96 : index
        %get3A_877 = tpu.vector_load %arg6[%get3A_873, %get3A_874, %get3A_875, %get3A_876] {strides = array<i32>} : memref<2x7x32x128xf32, #tpu.memory_space<vmem>>, vector<1x1x1x16xf32>,
        %get3A_878 = vector.shape_cast %get3A_877 : vector<1x1x1x16xf32> to vector<16xf32>
        %get3A_879 = arith.constant 0 : i32
        %get3A_880 = arith.constant 2 : i32
        %get3A_881 = arith.index_cast %get3A_879 : i32 to index
        %get3A_882 = arith.index_cast %get3A_880 : i32 to index
        %get3A_883 = arith.index_cast %scan3A_467 : i32 to index
        %get3A_884 = arith.constant 96 : index
        %get3A_885 = tpu.vector_load %arg6[%get3A_881, %get3A_882, %get3A_883, %get3A_884] {strides = array<i32>} : memref<2x7x32x128xf32, #tpu.memory_space<vmem>>, vector<1x1x1x16xf32>,
        %get3A_886 = vector.shape_cast %get3A_885 : vector<1x1x1x16xf32> to vector<16xf32>
        %get3A_887 = arith.constant 0 : i32
        %get3A_888 = arith.constant 3 : i32
        %get3A_889 = arith.index_cast %get3A_887 : i32 to index
        %get3A_890 = arith.index_cast %get3A_888 : i32 to index
        %get3A_891 = arith.index_cast %scan3A_467 : i32 to index
        %get3A_892 = arith.constant 96 : index
        %get3A_893 = tpu.vector_load %arg6[%get3A_889, %get3A_890, %get3A_891, %get3A_892] {strides = array<i32>} : memref<2x7x32x128xf32, #tpu.memory_space<vmem>>, vector<1x1x1x16xf32>,
        %get3A_894 = vector.shape_cast %get3A_893 : vector<1x1x1x16xf32> to vector<16xf32>
        %get3A_895 = arith.constant 0 : i32
        %get3A_896 = arith.constant 4 : i32
        %get3A_897 = arith.index_cast %get3A_895 : i32 to index
        %get3A_898 = arith.index_cast %get3A_896 : i32 to index
        %get3A_899 = arith.index_cast %scan3A_467 : i32 to index
        %get3A_900 = arith.constant 96 : index
        %get3A_901 = tpu.vector_load %arg6[%get3A_897, %get3A_898, %get3A_899, %get3A_900] {strides = array<i32>} : memref<2x7x32x128xf32, #tpu.memory_space<vmem>>, vector<1x1x1x16xf32>,
        %get3A_902 = vector.shape_cast %get3A_901 : vector<1x1x1x16xf32> to vector<16xf32>
        %get3A_903 = arith.constant 0 : i32
        %get3A_904 = arith.constant 5 : i32
        %get3A_905 = arith.index_cast %get3A_903 : i32 to index
        %get3A_906 = arith.index_cast %get3A_904 : i32 to index
        %get3A_907 = arith.index_cast %scan3A_467 : i32 to index
        %get3A_908 = arith.constant 96 : index
        %get3A_909 = tpu.vector_load %arg6[%get3A_905, %get3A_906, %get3A_907, %get3A_908] {strides = array<i32>} : memref<2x7x32x128xf32, #tpu.memory_space<vmem>>, vector<1x1x1x16xf32>,
        %get3A_910 = vector.shape_cast %get3A_909 : vector<1x1x1x16xf32> to vector<16xf32>
        %get3A_911 = arith.constant 0 : i32
        %get3A_912 = arith.constant 6 : i32
        %get3A_913 = arith.index_cast %get3A_911 : i32 to index
        %get3A_914 = arith.index_cast %get3A_912 : i32 to index
        %get3A_915 = arith.index_cast %scan3A_467 : i32 to index
        %get3A_916 = arith.constant 96 : index
        %get3A_917 = tpu.vector_load %arg6[%get3A_913, %get3A_914, %get3A_915, %get3A_916] {strides = array<i32>} : memref<2x7x32x128xf32, #tpu.memory_space<vmem>>, vector<1x1x1x16xf32>,
        %get3A_918 = vector.shape_cast %get3A_917 : vector<1x1x1x16xf32> to vector<16xf32>
        %sub3A_919 = arith.subf %get3A_870, %get3A_878 : vector<16xf32>
        %sub3A_920 = arith.subf %get3A_886, %get3A_894 : vector<16xf32>
        %mul3A_921 = arith.mulf %sub3A_919, %sub3A_919 : vector<16xf32>
        %add3A_922 = arith.addf %add3A_856, %mul3A_921 : vector<16xf32>
        %mul3A_923 = arith.mulf %sub3A_920, %sub3A_920 : vector<16xf32>
        %add3A_924 = arith.addf %add3A_858, %mul3A_923 : vector<16xf32>
        %sub3A_925 = arith.subf %get3A_902, %get3A_910 : vector<16xf32>
        %add3A_926 = arith.addf %add3A_860, %sub3A_925 : vector<16xf32>
        %sub3A_927 = arith.subf %get3A_902, %get3A_918 : vector<16xf32>
        %add3A_928 = arith.addf %add3A_862, %sub3A_927 : vector<16xf32>
        %get3A_929 = arith.constant 0 : i32
        %get3A_930 = arith.constant 0 : i32
        %get3A_931 = arith.index_cast %get3A_929 : i32 to index
        %get3A_932 = arith.index_cast %get3A_930 : i32 to index
        %get3A_933 = arith.index_cast %scan3A_467 : i32 to index
        %get3A_934 = arith.constant 112 : index
        %get3A_935 = tpu.vector_load %arg6[%get3A_931, %get3A_932, %get3A_933, %get3A_934] {strides = array<i32>} : memref<2x7x32x128xf32, #tpu.memory_space<vmem>>, vector<1x1x1x16xf32>,
        %get3A_936 = vector.shape_cast %get3A_935 : vector<1x1x1x16xf32> to vector<16xf32>
        %get3A_937 = arith.constant 0 : i32
        %get3A_938 = arith.constant 1 : i32
        %get3A_939 = arith.index_cast %get3A_937 : i32 to index
        %get3A_940 = arith.index_cast %get3A_938 : i32 to index
        %get3A_941 = arith.index_cast %scan3A_467 : i32 to index
        %get3A_942 = arith.constant 112 : index
        %get3A_943 = tpu.vector_load %arg6[%get3A_939, %get3A_940, %get3A_941, %get3A_942] {strides = array<i32>} : memref<2x7x32x128xf32, #tpu.memory_space<vmem>>, vector<1x1x1x16xf32>,
        %get3A_944 = vector.shape_cast %get3A_943 : vector<1x1x1x16xf32> to vector<16xf32>
        %get3A_945 = arith.constant 0 : i32
        %get3A_946 = arith.constant 2 : i32
        %get3A_947 = arith.index_cast %get3A_945 : i32 to index
        %get3A_948 = arith.index_cast %get3A_946 : i32 to index
        %get3A_949 = arith.index_cast %scan3A_467 : i32 to index
        %get3A_950 = arith.constant 112 : index
        %get3A_951 = tpu.vector_load %arg6[%get3A_947, %get3A_948, %get3A_949, %get3A_950] {strides = array<i32>} : memref<2x7x32x128xf32, #tpu.memory_space<vmem>>, vector<1x1x1x16xf32>,
        %get3A_952 = vector.shape_cast %get3A_951 : vector<1x1x1x16xf32> to vector<16xf32>
        %get3A_953 = arith.constant 0 : i32
        %get3A_954 = arith.constant 3 : i32
        %get3A_955 = arith.index_cast %get3A_953 : i32 to index
        %get3A_956 = arith.index_cast %get3A_954 : i32 to index
        %get3A_957 = arith.index_cast %scan3A_467 : i32 to index
        %get3A_958 = arith.constant 112 : index
        %get3A_959 = tpu.vector_load %arg6[%get3A_955, %get3A_956, %get3A_957, %get3A_958] {strides = array<i32>} : memref<2x7x32x128xf32, #tpu.memory_space<vmem>>, vector<1x1x1x16xf32>,
        %get3A_960 = vector.shape_cast %get3A_959 : vector<1x1x1x16xf32> to vector<16xf32>
        %get3A_961 = arith.constant 0 : i32
        %get3A_962 = arith.constant 4 : i32
        %get3A_963 = arith.index_cast %get3A_961 : i32 to index
        %get3A_964 = arith.index_cast %get3A_962 : i32 to index
        %get3A_965 = arith.index_cast %scan3A_467 : i32 to index
        %get3A_966 = arith.constant 112 : index
        %get3A_967 = tpu.vector_load %arg6[%get3A_963, %get3A_964, %get3A_965, %get3A_966] {strides = array<i32>} : memref<2x7x32x128xf32, #tpu.memory_space<vmem>>, vector<1x1x1x16xf32>,
        %get3A_968 = vector.shape_cast %get3A_967 : vector<1x1x1x16xf32> to vector<16xf32>
        %get3A_969 = arith.constant 0 : i32
        %get3A_970 = arith.constant 5 : i32
        %get3A_971 = arith.index_cast %get3A_969 : i32 to index
        %get3A_972 = arith.index_cast %get3A_970 : i32 to index
        %get3A_973 = arith.index_cast %scan3A_467 : i32 to index
        %get3A_974 = arith.constant 112 : index
        %get3A_975 = tpu.vector_load %arg6[%get3A_971, %get3A_972, %get3A_973, %get3A_974] {strides = array<i32>} : memref<2x7x32x128xf32, #tpu.memory_space<vmem>>, vector<1x1x1x16xf32>,
        %get3A_976 = vector.shape_cast %get3A_975 : vector<1x1x1x16xf32> to vector<16xf32>
        %get3A_977 = arith.constant 0 : i32
        %get3A_978 = arith.constant 6 : i32
        %get3A_979 = arith.index_cast %get3A_977 : i32 to index
        %get3A_980 = arith.index_cast %get3A_978 : i32 to index
        %get3A_981 = arith.index_cast %scan3A_467 : i32 to index
        %get3A_982 = arith.constant 112 : index
        %get3A_983 = tpu.vector_load %arg6[%get3A_979, %get3A_980, %get3A_981, %get3A_982] {strides = array<i32>} : memref<2x7x32x128xf32, #tpu.memory_space<vmem>>, vector<1x1x1x16xf32>,
        %get3A_984 = vector.shape_cast %get3A_983 : vector<1x1x1x16xf32> to vector<16xf32>
        %sub3A_985 = arith.subf %get3A_936, %get3A_944 : vector<16xf32>
        %sub3A_986 = arith.subf %get3A_952, %get3A_960 : vector<16xf32>
        %mul3A_987 = arith.mulf %sub3A_985, %sub3A_985 : vector<16xf32>
        %add3A_988 = arith.addf %add3A_922, %mul3A_987 : vector<16xf32>
        %mul3A_989 = arith.mulf %sub3A_986, %sub3A_986 : vector<16xf32>
        %add3A_990 = arith.addf %add3A_924, %mul3A_989 : vector<16xf32>
        %sub3A_991 = arith.subf %get3A_968, %get3A_976 : vector<16xf32>
        %add3A_992 = arith.addf %add3A_926, %sub3A_991 : vector<16xf32>
        %sub3A_993 = arith.subf %get3A_968, %get3A_984 : vector<16xf32>
        %add3A_994 = arith.addf %add3A_928, %sub3A_993 : vector<16xf32>
        %swap3A = arith.constant 0 : i32
        %swap3A_995 = arith.index_cast %swap3A : i32 to index
        %swap3A_996 = arith.index_cast %scan3A_467 : i32 to index
        %swap3A_997 = arith.constant 0 : index
        %swap3A_998 = tpu.vector_load %arg7[%swap3A_995, %swap3A_996, %swap3A_997] {strides = array<i32>} : memref<2x32x64xf32, #tpu.memory_space<vmem>>, vector<1x1x16xf32>,
        %swap3A_999 = vector.shape_cast %swap3A_998 : vector<1x1x16xf32> to vector<16xf32>
        %swap3A_1000 = vector.shape_cast %add3A_988 : vector<16xf32> to vector<1x1x16xf32>
        tpu.vector_store %arg7[%swap3A_995, %swap3A_996, %swap3A_997], %swap3A_1000 {strides = array<i32>} : memref<2x32x64xf32, #tpu.memory_space<vmem>>, vector<1x1x16xf32>,
        %swap3A_1001 = arith.constant 0 : i32
        %swap3A_1002 = arith.index_cast %swap3A_1001 : i32 to index
        %swap3A_1003 = arith.index_cast %scan3A_467 : i32 to index
        %swap3A_1004 = arith.constant 16 : index
        %swap3A_1005 = tpu.vector_load %arg7[%swap3A_1002, %swap3A_1003, %swap3A_1004] {strides = array<i32>} : memref<2x32x64xf32, #tpu.memory_space<vmem>>, vector<1x1x16xf32>,
        %swap3A_1006 = vector.shape_cast %swap3A_1005 : vector<1x1x16xf32> to vector<16xf32>
        %swap3A_1007 = vector.shape_cast %add3A_990 : vector<16xf32> to vector<1x1x16xf32>
        tpu.vector_store %arg7[%swap3A_1002, %swap3A_1003, %swap3A_1004], %swap3A_1007 {strides = array<i32>} : memref<2x32x64xf32, #tpu.memory_space<vmem>>, vector<1x1x16xf32>,
        %swap3A_1008 = arith.constant 0 : i32
        %swap3A_1009 = arith.index_cast %swap3A_1008 : i32 to index
        %swap3A_1010 = arith.index_cast %scan3A_467 : i32 to index
        %swap3A_1011 = arith.constant 32 : index
        %swap3A_1012 = tpu.vector_load %arg7[%swap3A_1009, %swap3A_1010, %swap3A_1011] {strides = array<i32>} : memref<2x32x64xf32, #tpu.memory_space<vmem>>, vector<1x1x16xf32>,
        %swap3A_1013 = vector.shape_cast %swap3A_1012 : vector<1x1x16xf32> to vector<16xf32>
        %swap3A_1014 = vector.shape_cast %add3A_992 : vector<16xf32> to vector<1x1x16xf32>
        tpu.vector_store %arg7[%swap3A_1009, %swap3A_1010, %swap3A_1011], %swap3A_1014 {strides = array<i32>} : memref<2x32x64xf32, #tpu.memory_space<vmem>>, vector<1x1x16xf32>,
        %swap3A_1015 = arith.constant 0 : i32
        %swap3A_1016 = arith.index_cast %swap3A_1015 : i32 to index
        %swap3A_1017 = arith.index_cast %scan3A_467 : i32 to index
        %swap3A_1018 = arith.constant 48 : index
        %swap3A_1019 = tpu.vector_load %arg7[%swap3A_1016, %swap3A_1017, %swap3A_1018] {strides = array<i32>} : memref<2x32x64xf32, #tpu.memory_space<vmem>>, vector<1x1x16xf32>,
        %swap3A_1020 = vector.shape_cast %swap3A_1019 : vector<1x1x16xf32> to vector<16xf32>
        %swap3A_1021 = vector.shape_cast %add3A_994 : vector<16xf32> to vector<1x1x16xf32>
        tpu.vector_store %arg7[%swap3A_1016, %swap3A_1017, %swap3A_1018], %swap3A_1021 {strides = array<i32>} : memref<2x32x64xf32, #tpu.memory_space<vmem>>, vector<1x1x16xf32>,
        %scan3A_1022 = arith.constant 0 : i32
        scf.yield %scan3A_1022 : i32
      }
      %scan3A_315 = arith.constant 32 : i32
      %mul3A_316 = arith.constant 32 : i32
      %mul3A_317 = arith.muli %add3A_215, %mul3A_316 : i32
      %add3A_318 = arith.addi %multiple_of3A, %mul3A_317 : i32
      %multiple_of3A_319 = tpu.assume_multiple %add3A_318, 32 : i32
      %dma_start3A_320 = arith.constant 0 : i32
      %dma_start3A_321 = arith.constant 0 : i32
      %dma_start3A_322 = arith.constant 0 : i32
      %dma_start3A_323 = tpu.memref_slice %arg7[%dma_start3A_320, %dma_start3A_321, %dma_start3A_322] : memref<2x32x64xf32, #tpu.memory_space<vmem>> -> memref<1x32x64xf32, #tpu.memory_space<vmem>>
      %dma_start3A_324 = tpu.memref_squeeze %dma_start3A_323 : memref<1x32x64xf32, #tpu.memory_space<vmem>> -> memref<32x64xf32, #tpu.memory_space<vmem>>
      %dma_start3A_325 = arith.constant 0 : i32
      %dma_start3A_326 = tpu.memref_slice %arg4[%multiple_of3A_319, %dma_start3A_325] : memref<16384x64xf32, #tpu.memory_space<hbm>> -> memref<32x64xf32, #tpu.memory_space<hbm>>
      %dma_start3A_327 = arith.constant 0 : i32
      %dma_start3A_328 = tpu.memref_slice %arg4[%multiple_of3A_319, %dma_start3A_327] : memref<16384x64xf32, #tpu.memory_space<hbm>> -> memref<32x64xf32, #tpu.memory_space<hbm>>
      %dma_start3A_329 = arith.constant 0 : i32
      %dma_start3A_330 = arith.constant 0 : i32
      %dma_start3A_331 = tpu.memref_slice %arg7[%dma_start3A_320, %dma_start3A_329, %dma_start3A_330] : memref<2x32x64xf32, #tpu.memory_space<vmem>> -> memref<1x32x64xf32, #tpu.memory_space<vmem>>
      %dma_start3A_332 = tpu.memref_squeeze %dma_start3A_331 : memref<1x32x64xf32, #tpu.memory_space<vmem>> -> memref<32x64xf32, #tpu.memory_space<vmem>>
      tpu.enqueue_dma source(%dma_start3A_332 : memref<32x64xf32, #tpu.memory_space<vmem>>) target(%dma_start3A_328 : memref<32x64xf32, #tpu.memory_space<hbm>>) target_semaphore(%arg10 : memref<!tpu.dma_semaphore, #tpu.memory_space<semaphore_mem>>)
      %lt3A = arith.constant 7 : i32
      %lt3A_333 = arith.cmpi slt, %scan3A_210, %lt3A : i32
      %convert_element_type3A_334 = arith.extui %lt3A_333 : i1 to i32
      %cond3A_335 = arith.constant 0 : i32
      %cond3A_336 = arith.cmpi ne, %convert_element_type3A_334, %cond3A_335 : i32
      scf.if %cond3A_336 {
        %add3A_467 = arith.constant 2 : i32
        %add3A_468 = arith.addi %add3A_215, %add3A_467 : i32
        %mul3A_469 = arith.constant 32 : i32
        %mul3A_470 = arith.muli %add3A_468, %mul3A_469 : i32
        %multiple_of3A_471 = tpu.assume_multiple %mul3A_470, 32 : i32
        %dma_start3A_472 = arith.constant 0 : i32
        %dma_start3A_473 = arith.constant 0 : i32
        %dma_start3A_474 = arith.constant 0 : i32
        %dma_start3A_475 = arith.constant 0 : i32
        %dma_start3A_476 = arith.constant 0 : i32
        %dma_start3A_477 = tpu.memref_slice %arg6[%dma_start3A_473, %dma_start3A_474, %dma_start3A_475, %dma_start3A_476] : memref<2x7x32x128xf32, #tpu.memory_space<vmem>> -> memref<1x1x32x128xf32, #tpu.memory_space<vmem>>
        %dma_start3A_478 = tpu.memref_squeeze %dma_start3A_477 : memref<1x1x32x128xf32, #tpu.memory_space<vmem>> -> memref<32x128xf32, #tpu.memory_space<vmem>>
        %dma_start3A_479 = tpu.memref_slice %arg5[%dma_start3A_472, %multiple_of3A_471] : memref<7x512xi32, #tpu.memory_space<vmem>> -> memref<1x32xi32, #tpu.memory_space<vmem>>
        %dma_start3A_480 = tpu.memref_squeeze %dma_start3A_479 : memref<1x32xi32, #tpu.memory_space<vmem>> -> memref<32xi32, #tpu.memory_space<vmem>>
        %dma_start3A_481 = arith.constant 0 : i32
        %dma_start3A_482 = arith.constant 0 : i32
        %dma_start3A_483 = tpu.memref_slice %arg2[%dma_start3A_481, %dma_start3A_482] : memref<120000x128xf32, #tpu.memory_space<hbm>> -> memref<120000x128xf32, #tpu.memory_space<hbm>>
        tpu.enqueue_indirect_dma source(%dma_start3A_483 : memref<120000x128xf32, #tpu.memory_space<hbm>>) target(%dma_start3A_478 : memref<32x128xf32, #tpu.memory_space<vmem>>) offsets(%dma_start3A_480 : memref<32xi32, #tpu.memory_space<vmem>>) semaphore(%arg8 : memref<!tpu.dma_semaphore, #tpu.memory_space<semaphore_mem>>)
        %dma_start3A_484 = arith.constant 1 : i32
        %dma_start3A_485 = arith.constant 0 : i32
        %dma_start3A_486 = arith.constant 1 : i32
        %dma_start3A_487 = arith.constant 0 : i32
        %dma_start3A_488 = arith.constant 0 : i32
        %dma_start3A_489 = tpu.memref_slice %arg6[%dma_start3A_485, %dma_start3A_486, %dma_start3A_487, %dma_start3A_488] : memref<2x7x32x128xf32, #tpu.memory_space<vmem>> -> memref<1x1x32x128xf32, #tpu.memory_space<vmem>>
        %dma_start3A_490 = tpu.memref_squeeze %dma_start3A_489 : memref<1x1x32x128xf32, #tpu.memory_space<vmem>> -> memref<32x128xf32, #tpu.memory_space<vmem>>
        %dma_start3A_491 = tpu.memref_slice %arg5[%dma_start3A_484, %multiple_of3A_471] : memref<7x512xi32, #tpu.memory_space<vmem>> -> memref<1x32xi32, #tpu.memory_space<vmem>>
        %dma_start3A_492 = tpu.memref_squeeze %dma_start3A_491 : memref<1x32xi32, #tpu.memory_space<vmem>> -> memref<32xi32, #tpu.memory_space<vmem>>
        %dma_start3A_493 = arith.constant 0 : i32
        %dma_start3A_494 = arith.constant 0 : i32
        %dma_start3A_495 = tpu.memref_slice %arg2[%dma_start3A_493, %dma_start3A_494] : memref<120000x128xf32, #tpu.memory_space<hbm>> -> memref<120000x128xf32, #tpu.memory_space<hbm>>
        tpu.enqueue_indirect_dma source(%dma_start3A_495 : memref<120000x128xf32, #tpu.memory_space<hbm>>) target(%dma_start3A_490 : memref<32x128xf32, #tpu.memory_space<vmem>>) offsets(%dma_start3A_492 : memref<32xi32, #tpu.memory_space<vmem>>) semaphore(%arg8 : memref<!tpu.dma_semaphore, #tpu.memory_space<semaphore_mem>>)
        %dma_start3A_496 = arith.constant 2 : i32
        %dma_start3A_497 = arith.constant 0 : i32
        %dma_start3A_498 = arith.constant 2 : i32
        %dma_start3A_499 = arith.constant 0 : i32
        %dma_start3A_500 = arith.constant 0 : i32
        %dma_start3A_501 = tpu.memref_slice %arg6[%dma_start3A_497, %dma_start3A_498, %dma_start3A_499, %dma_start3A_500] : memref<2x7x32x128xf32, #tpu.memory_space<vmem>> -> memref<1x1x32x128xf32, #tpu.memory_space<vmem>>
        %dma_start3A_502 = tpu.memref_squeeze %dma_start3A_501 : memref<1x1x32x128xf32, #tpu.memory_space<vmem>> -> memref<32x128xf32, #tpu.memory_space<vmem>>
        %dma_start3A_503 = tpu.memref_slice %arg5[%dma_start3A_496, %multiple_of3A_471] : memref<7x512xi32, #tpu.memory_space<vmem>> -> memref<1x32xi32, #tpu.memory_space<vmem>>
        %dma_start3A_504 = tpu.memref_squeeze %dma_start3A_503 : memref<1x32xi32, #tpu.memory_space<vmem>> -> memref<32xi32, #tpu.memory_space<vmem>>
        %dma_start3A_505 = arith.constant 0 : i32
        %dma_start3A_506 = arith.constant 0 : i32
        %dma_start3A_507 = tpu.memref_slice %arg2[%dma_start3A_505, %dma_start3A_506] : memref<120000x128xf32, #tpu.memory_space<hbm>> -> memref<120000x128xf32, #tpu.memory_space<hbm>>
        tpu.enqueue_indirect_dma source(%dma_start3A_507 : memref<120000x128xf32, #tpu.memory_space<hbm>>) target(%dma_start3A_502 : memref<32x128xf32, #tpu.memory_space<vmem>>) offsets(%dma_start3A_504 : memref<32xi32, #tpu.memory_space<vmem>>) semaphore(%arg8 : memref<!tpu.dma_semaphore, #tpu.memory_space<semaphore_mem>>)
        %dma_start3A_508 = arith.constant 3 : i32
        %dma_start3A_509 = arith.constant 0 : i32
        %dma_start3A_510 = arith.constant 3 : i32
        %dma_start3A_511 = arith.constant 0 : i32
        %dma_start3A_512 = arith.constant 0 : i32
        %dma_start3A_513 = tpu.memref_slice %arg6[%dma_start3A_509, %dma_start3A_510, %dma_start3A_511, %dma_start3A_512] : memref<2x7x32x128xf32, #tpu.memory_space<vmem>> -> memref<1x1x32x128xf32, #tpu.memory_space<vmem>>
        %dma_start3A_514 = tpu.memref_squeeze %dma_start3A_513 : memref<1x1x32x128xf32, #tpu.memory_space<vmem>> -> memref<32x128xf32, #tpu.memory_space<vmem>>
        %dma_start3A_515 = tpu.memref_slice %arg5[%dma_start3A_508, %multiple_of3A_471] : memref<7x512xi32, #tpu.memory_space<vmem>> -> memref<1x32xi32, #tpu.memory_space<vmem>>
        %dma_start3A_516 = tpu.memref_squeeze %dma_start3A_515 : memref<1x32xi32, #tpu.memory_space<vmem>> -> memref<32xi32, #tpu.memory_space<vmem>>
        %dma_start3A_517 = arith.constant 0 : i32
        %dma_start3A_518 = arith.constant 0 : i32
        %dma_start3A_519 = tpu.memref_slice %arg2[%dma_start3A_517, %dma_start3A_518] : memref<120000x128xf32, #tpu.memory_space<hbm>> -> memref<120000x128xf32, #tpu.memory_space<hbm>>
        tpu.enqueue_indirect_dma source(%dma_start3A_519 : memref<120000x128xf32, #tpu.memory_space<hbm>>) target(%dma_start3A_514 : memref<32x128xf32, #tpu.memory_space<vmem>>) offsets(%dma_start3A_516 : memref<32xi32, #tpu.memory_space<vmem>>) semaphore(%arg8 : memref<!tpu.dma_semaphore, #tpu.memory_space<semaphore_mem>>)
        %dma_start3A_520 = arith.constant 4 : i32
        %dma_start3A_521 = arith.constant 0 : i32
        %dma_start3A_522 = arith.constant 4 : i32
        %dma_start3A_523 = arith.constant 0 : i32
        %dma_start3A_524 = arith.constant 0 : i32
        %dma_start3A_525 = tpu.memref_slice %arg6[%dma_start3A_521, %dma_start3A_522, %dma_start3A_523, %dma_start3A_524] : memref<2x7x32x128xf32, #tpu.memory_space<vmem>> -> memref<1x1x32x128xf32, #tpu.memory_space<vmem>>
        %dma_start3A_526 = tpu.memref_squeeze %dma_start3A_525 : memref<1x1x32x128xf32, #tpu.memory_space<vmem>> -> memref<32x128xf32, #tpu.memory_space<vmem>>
        %dma_start3A_527 = tpu.memref_slice %arg5[%dma_start3A_520, %multiple_of3A_471] : memref<7x512xi32, #tpu.memory_space<vmem>> -> memref<1x32xi32, #tpu.memory_space<vmem>>
        %dma_start3A_528 = tpu.memref_squeeze %dma_start3A_527 : memref<1x32xi32, #tpu.memory_space<vmem>> -> memref<32xi32, #tpu.memory_space<vmem>>
        %dma_start3A_529 = arith.constant 0 : i32
        %dma_start3A_530 = arith.constant 0 : i32
        %dma_start3A_531 = tpu.memref_slice %arg2[%dma_start3A_529, %dma_start3A_530] : memref<120000x128xf32, #tpu.memory_space<hbm>> -> memref<120000x128xf32, #tpu.memory_space<hbm>>
        tpu.enqueue_indirect_dma source(%dma_start3A_531 : memref<120000x128xf32, #tpu.memory_space<hbm>>) target(%dma_start3A_526 : memref<32x128xf32, #tpu.memory_space<vmem>>) offsets(%dma_start3A_528 : memref<32xi32, #tpu.memory_space<vmem>>) semaphore(%arg8 : memref<!tpu.dma_semaphore, #tpu.memory_space<semaphore_mem>>)
        %dma_start3A_532 = arith.constant 5 : i32
        %dma_start3A_533 = arith.constant 0 : i32
        %dma_start3A_534 = arith.constant 5 : i32
        %dma_start3A_535 = arith.constant 0 : i32
        %dma_start3A_536 = arith.constant 0 : i32
        %dma_start3A_537 = tpu.memref_slice %arg6[%dma_start3A_533, %dma_start3A_534, %dma_start3A_535, %dma_start3A_536] : memref<2x7x32x128xf32, #tpu.memory_space<vmem>> -> memref<1x1x32x128xf32, #tpu.memory_space<vmem>>
        %dma_start3A_538 = tpu.memref_squeeze %dma_start3A_537 : memref<1x1x32x128xf32, #tpu.memory_space<vmem>> -> memref<32x128xf32, #tpu.memory_space<vmem>>
        %dma_start3A_539 = tpu.memref_slice %arg5[%dma_start3A_532, %multiple_of3A_471] : memref<7x512xi32, #tpu.memory_space<vmem>> -> memref<1x32xi32, #tpu.memory_space<vmem>>
        %dma_start3A_540 = tpu.memref_squeeze %dma_start3A_539 : memref<1x32xi32, #tpu.memory_space<vmem>> -> memref<32xi32, #tpu.memory_space<vmem>>
        %dma_start3A_541 = arith.constant 0 : i32
        %dma_start3A_542 = arith.constant 0 : i32
        %dma_start3A_543 = tpu.memref_slice %arg2[%dma_start3A_541, %dma_start3A_542] : memref<120000x128xf32, #tpu.memory_space<hbm>> -> memref<120000x128xf32, #tpu.memory_space<hbm>>
        tpu.enqueue_indirect_dma source(%dma_start3A_543 : memref<120000x128xf32, #tpu.memory_space<hbm>>) target(%dma_start3A_538 : memref<32x128xf32, #tpu.memory_space<vmem>>) offsets(%dma_start3A_540 : memref<32xi32, #tpu.memory_space<vmem>>) semaphore(%arg8 : memref<!tpu.dma_semaphore, #tpu.memory_space<semaphore_mem>>)
        %dma_start3A_544 = arith.constant 6 : i32
        %dma_start3A_545 = arith.constant 0 : i32
        %dma_start3A_546 = arith.constant 6 : i32
        %dma_start3A_547 = arith.constant 0 : i32
        %dma_start3A_548 = arith.constant 0 : i32
        %dma_start3A_549 = tpu.memref_slice %arg6[%dma_start3A_545, %dma_start3A_546, %dma_start3A_547, %dma_start3A_548] : memref<2x7x32x128xf32, #tpu.memory_space<vmem>> -> memref<1x1x32x128xf32, #tpu.memory_space<vmem>>
        %dma_start3A_550 = tpu.memref_squeeze %dma_start3A_549 : memref<1x1x32x128xf32, #tpu.memory_space<vmem>> -> memref<32x128xf32, #tpu.memory_space<vmem>>
        %dma_start3A_551 = tpu.memref_slice %arg5[%dma_start3A_544, %multiple_of3A_471] : memref<7x512xi32, #tpu.memory_space<vmem>> -> memref<1x32xi32, #tpu.memory_space<vmem>>
        %dma_start3A_552 = tpu.memref_squeeze %dma_start3A_551 : memref<1x32xi32, #tpu.memory_space<vmem>> -> memref<32xi32, #tpu.memory_space<vmem>>
        %dma_start3A_553 = arith.constant 0 : i32
        %dma_start3A_554 = arith.constant 0 : i32
        %dma_start3A_555 = tpu.memref_slice %arg2[%dma_start3A_553, %dma_start3A_554] : memref<120000x128xf32, #tpu.memory_space<hbm>> -> memref<120000x128xf32, #tpu.memory_space<hbm>>
        tpu.enqueue_indirect_dma source(%dma_start3A_555 : memref<120000x128xf32, #tpu.memory_space<hbm>>) target(%dma_start3A_550 : memref<32x128xf32, #tpu.memory_space<vmem>>) offsets(%dma_start3A_552 : memref<32xi32, #tpu.memory_space<vmem>>) semaphore(%arg8 : memref<!tpu.dma_semaphore, #tpu.memory_space<semaphore_mem>>)
      } else {
      }
      %mul3A_337 = arith.constant 2 : i32
      %mul3A_338 = arith.muli %scan3A_210, %mul3A_337 : i32
      %add3A_339 = arith.constant 1 : i32
      %add3A_340 = arith.addi %mul3A_338, %add3A_339 : i32
      %dma_wait3A_341 = arith.constant 0 : i32
      %dma_wait3A_342 = arith.constant 1 : i32
      %dma_wait3A_343 = arith.constant 0 : i32
      %dma_wait3A_344 = arith.constant 0 : i32
      %dma_wait3A_345 = arith.constant 0 : i32
      %dma_wait3A_346 = tpu.memref_slice %arg6[%dma_wait3A_342, %dma_wait3A_343, %dma_wait3A_344, %dma_wait3A_345] : memref<2x7x32x128xf32, #tpu.memory_space<vmem>> -> memref<1x1x32x128xf32, #tpu.memory_space<vmem>>
      %dma_wait3A_347 = tpu.memref_squeeze %dma_wait3A_346 : memref<1x1x32x128xf32, #tpu.memory_space<vmem>> -> memref<32x128xf32, #tpu.memory_space<vmem>>
      %dma_wait3A_348 = arith.constant 0 : i32
      %dma_wait3A_349 = tpu.memref_slice %arg5[%dma_wait3A_341, %dma_wait3A_348] : memref<7x512xi32, #tpu.memory_space<vmem>> -> memref<1x32xi32, #tpu.memory_space<vmem>>
      %dma_wait3A_350 = tpu.memref_squeeze %dma_wait3A_349 : memref<1x32xi32, #tpu.memory_space<vmem>> -> memref<32xi32, #tpu.memory_space<vmem>>
      %dma_wait3A_351 = arith.constant 0 : i32
      %dma_wait3A_352 = arith.constant 0 : i32
      %dma_wait3A_353 = tpu.memref_slice %arg2[%dma_wait3A_351, %dma_wait3A_352] : memref<120000x128xf32, #tpu.memory_space<hbm>> -> memref<120000x128xf32, #tpu.memory_space<hbm>>
      tpu.wait_indirect_dma semaphore(%arg9 : memref<!tpu.dma_semaphore, #tpu.memory_space<semaphore_mem>>) src(%dma_wait3A_353 : memref<120000x128xf32, #tpu.memory_space<hbm>>) dst(%dma_wait3A_347 : memref<32x128xf32, #tpu.memory_space<vmem>>)
      %dma_wait3A_354 = arith.constant 1 : i32
      %dma_wait3A_355 = arith.constant 1 : i32
      %dma_wait3A_356 = arith.constant 1 : i32
      %dma_wait3A_357 = arith.constant 0 : i32
      %dma_wait3A_358 = arith.constant 0 : i32
      %dma_wait3A_359 = tpu.memref_slice %arg6[%dma_wait3A_355, %dma_wait3A_356, %dma_wait3A_357, %dma_wait3A_358] : memref<2x7x32x128xf32, #tpu.memory_space<vmem>> -> memref<1x1x32x128xf32, #tpu.memory_space<vmem>>
      %dma_wait3A_360 = tpu.memref_squeeze %dma_wait3A_359 : memref<1x1x32x128xf32, #tpu.memory_space<vmem>> -> memref<32x128xf32, #tpu.memory_space<vmem>>
      %dma_wait3A_361 = arith.constant 0 : i32
      %dma_wait3A_362 = tpu.memref_slice %arg5[%dma_wait3A_354, %dma_wait3A_361] : memref<7x512xi32, #tpu.memory_space<vmem>> -> memref<1x32xi32, #tpu.memory_space<vmem>>
      %dma_wait3A_363 = tpu.memref_squeeze %dma_wait3A_362 : memref<1x32xi32, #tpu.memory_space<vmem>> -> memref<32xi32, #tpu.memory_space<vmem>>
      %dma_wait3A_364 = arith.constant 0 : i32
      %dma_wait3A_365 = arith.constant 0 : i32
      %dma_wait3A_366 = tpu.memref_slice %arg2[%dma_wait3A_364, %dma_wait3A_365] : memref<120000x128xf32, #tpu.memory_space<hbm>> -> memref<120000x128xf32, #tpu.memory_space<hbm>>
      tpu.wait_indirect_dma semaphore(%arg9 : memref<!tpu.dma_semaphore, #tpu.memory_space<semaphore_mem>>) src(%dma_wait3A_366 : memref<120000x128xf32, #tpu.memory_space<hbm>>) dst(%dma_wait3A_360 : memref<32x128xf32, #tpu.memory_space<vmem>>)
      %dma_wait3A_367 = arith.constant 2 : i32
      %dma_wait3A_368 = arith.constant 1 : i32
      %dma_wait3A_369 = arith.constant 2 : i32
      %dma_wait3A_370 = arith.constant 0 : i32
      %dma_wait3A_371 = arith.constant 0 : i32
      %dma_wait3A_372 = tpu.memref_slice %arg6[%dma_wait3A_368, %dma_wait3A_369, %dma_wait3A_370, %dma_wait3A_371] : memref<2x7x32x128xf32, #tpu.memory_space<vmem>> -> memref<1x1x32x128xf32, #tpu.memory_space<vmem>>
      %dma_wait3A_373 = tpu.memref_squeeze %dma_wait3A_372 : memref<1x1x32x128xf32, #tpu.memory_space<vmem>> -> memref<32x128xf32, #tpu.memory_space<vmem>>
      %dma_wait3A_374 = arith.constant 0 : i32
      %dma_wait3A_375 = tpu.memref_slice %arg5[%dma_wait3A_367, %dma_wait3A_374] : memref<7x512xi32, #tpu.memory_space<vmem>> -> memref<1x32xi32, #tpu.memory_space<vmem>>
      %dma_wait3A_376 = tpu.memref_squeeze %dma_wait3A_375 : memref<1x32xi32, #tpu.memory_space<vmem>> -> memref<32xi32, #tpu.memory_space<vmem>>
      %dma_wait3A_377 = arith.constant 0 : i32
      %dma_wait3A_378 = arith.constant 0 : i32
      %dma_wait3A_379 = tpu.memref_slice %arg2[%dma_wait3A_377, %dma_wait3A_378] : memref<120000x128xf32, #tpu.memory_space<hbm>> -> memref<120000x128xf32, #tpu.memory_space<hbm>>
      tpu.wait_indirect_dma semaphore(%arg9 : memref<!tpu.dma_semaphore, #tpu.memory_space<semaphore_mem>>) src(%dma_wait3A_379 : memref<120000x128xf32, #tpu.memory_space<hbm>>) dst(%dma_wait3A_373 : memref<32x128xf32, #tpu.memory_space<vmem>>)
      %dma_wait3A_380 = arith.constant 3 : i32
      %dma_wait3A_381 = arith.constant 1 : i32
      %dma_wait3A_382 = arith.constant 3 : i32
      %dma_wait3A_383 = arith.constant 0 : i32
      %dma_wait3A_384 = arith.constant 0 : i32
      %dma_wait3A_385 = tpu.memref_slice %arg6[%dma_wait3A_381, %dma_wait3A_382, %dma_wait3A_383, %dma_wait3A_384] : memref<2x7x32x128xf32, #tpu.memory_space<vmem>> -> memref<1x1x32x128xf32, #tpu.memory_space<vmem>>
      %dma_wait3A_386 = tpu.memref_squeeze %dma_wait3A_385 : memref<1x1x32x128xf32, #tpu.memory_space<vmem>> -> memref<32x128xf32, #tpu.memory_space<vmem>>
      %dma_wait3A_387 = arith.constant 0 : i32
      %dma_wait3A_388 = tpu.memref_slice %arg5[%dma_wait3A_380, %dma_wait3A_387] : memref<7x512xi32, #tpu.memory_space<vmem>> -> memref<1x32xi32, #tpu.memory_space<vmem>>
      %dma_wait3A_389 = tpu.memref_squeeze %dma_wait3A_388 : memref<1x32xi32, #tpu.memory_space<vmem>> -> memref<32xi32, #tpu.memory_space<vmem>>
      %dma_wait3A_390 = arith.constant 0 : i32
      %dma_wait3A_391 = arith.constant 0 : i32
      %dma_wait3A_392 = tpu.memref_slice %arg2[%dma_wait3A_390, %dma_wait3A_391] : memref<120000x128xf32, #tpu.memory_space<hbm>> -> memref<120000x128xf32, #tpu.memory_space<hbm>>
      tpu.wait_indirect_dma semaphore(%arg9 : memref<!tpu.dma_semaphore, #tpu.memory_space<semaphore_mem>>) src(%dma_wait3A_392 : memref<120000x128xf32, #tpu.memory_space<hbm>>) dst(%dma_wait3A_386 : memref<32x128xf32, #tpu.memory_space<vmem>>)
      %dma_wait3A_393 = arith.constant 4 : i32
      %dma_wait3A_394 = arith.constant 1 : i32
      %dma_wait3A_395 = arith.constant 4 : i32
      %dma_wait3A_396 = arith.constant 0 : i32
      %dma_wait3A_397 = arith.constant 0 : i32
      %dma_wait3A_398 = tpu.memref_slice %arg6[%dma_wait3A_394, %dma_wait3A_395, %dma_wait3A_396, %dma_wait3A_397] : memref<2x7x32x128xf32, #tpu.memory_space<vmem>> -> memref<1x1x32x128xf32, #tpu.memory_space<vmem>>
      %dma_wait3A_399 = tpu.memref_squeeze %dma_wait3A_398 : memref<1x1x32x128xf32, #tpu.memory_space<vmem>> -> memref<32x128xf32, #tpu.memory_space<vmem>>
      %dma_wait3A_400 = arith.constant 0 : i32
      %dma_wait3A_401 = tpu.memref_slice %arg5[%dma_wait3A_393, %dma_wait3A_400] : memref<7x512xi32, #tpu.memory_space<vmem>> -> memref<1x32xi32, #tpu.memory_space<vmem>>
      %dma_wait3A_402 = tpu.memref_squeeze %dma_wait3A_401 : memref<1x32xi32, #tpu.memory_space<vmem>> -> memref<32xi32, #tpu.memory_space<vmem>>
      %dma_wait3A_403 = arith.constant 0 : i32
      %dma_wait3A_404 = arith.constant 0 : i32
      %dma_wait3A_405 = tpu.memref_slice %arg2[%dma_wait3A_403, %dma_wait3A_404] : memref<120000x128xf32, #tpu.memory_space<hbm>> -> memref<120000x128xf32, #tpu.memory_space<hbm>>
      tpu.wait_indirect_dma semaphore(%arg9 : memref<!tpu.dma_semaphore, #tpu.memory_space<semaphore_mem>>) src(%dma_wait3A_405 : memref<120000x128xf32, #tpu.memory_space<hbm>>) dst(%dma_wait3A_399 : memref<32x128xf32, #tpu.memory_space<vmem>>)
      %dma_wait3A_406 = arith.constant 5 : i32
      %dma_wait3A_407 = arith.constant 1 : i32
      %dma_wait3A_408 = arith.constant 5 : i32
      %dma_wait3A_409 = arith.constant 0 : i32
      %dma_wait3A_410 = arith.constant 0 : i32
      %dma_wait3A_411 = tpu.memref_slice %arg6[%dma_wait3A_407, %dma_wait3A_408, %dma_wait3A_409, %dma_wait3A_410] : memref<2x7x32x128xf32, #tpu.memory_space<vmem>> -> memref<1x1x32x128xf32, #tpu.memory_space<vmem>>
      %dma_wait3A_412 = tpu.memref_squeeze %dma_wait3A_411 : memref<1x1x32x128xf32, #tpu.memory_space<vmem>> -> memref<32x128xf32, #tpu.memory_space<vmem>>
      %dma_wait3A_413 = arith.constant 0 : i32
      %dma_wait3A_414 = tpu.memref_slice %arg5[%dma_wait3A_406, %dma_wait3A_413] : memref<7x512xi32, #tpu.memory_space<vmem>> -> memref<1x32xi32, #tpu.memory_space<vmem>>
      %dma_wait3A_415 = tpu.memref_squeeze %dma_wait3A_414 : memref<1x32xi32, #tpu.memory_space<vmem>> -> memref<32xi32, #tpu.memory_space<vmem>>
      %dma_wait3A_416 = arith.constant 0 : i32
      %dma_wait3A_417 = arith.constant 0 : i32
      %dma_wait3A_418 = tpu.memref_slice %arg2[%dma_wait3A_416, %dma_wait3A_417] : memref<120000x128xf32, #tpu.memory_space<hbm>> -> memref<120000x128xf32, #tpu.memory_space<hbm>>
      tpu.wait_indirect_dma semaphore(%arg9 : memref<!tpu.dma_semaphore, #tpu.memory_space<semaphore_mem>>) src(%dma_wait3A_418 : memref<120000x128xf32, #tpu.memory_space<hbm>>) dst(%dma_wait3A_412 : memref<32x128xf32, #tpu.memory_space<vmem>>)
      %dma_wait3A_419 = arith.constant 6 : i32
      %dma_wait3A_420 = arith.constant 1 : i32
      %dma_wait3A_421 = arith.constant 6 : i32
      %dma_wait3A_422 = arith.constant 0 : i32
      %dma_wait3A_423 = arith.constant 0 : i32
      %dma_wait3A_424 = tpu.memref_slice %arg6[%dma_wait3A_420, %dma_wait3A_421, %dma_wait3A_422, %dma_wait3A_423] : memref<2x7x32x128xf32, #tpu.memory_space<vmem>> -> memref<1x1x32x128xf32, #tpu.memory_space<vmem>>
      %dma_wait3A_425 = tpu.memref_squeeze %dma_wait3A_424 : memref<1x1x32x128xf32, #tpu.memory_space<vmem>> -> memref<32x128xf32, #tpu.memory_space<vmem>>
      %dma_wait3A_426 = arith.constant 0 : i32
      %dma_wait3A_427 = tpu.memref_slice %arg5[%dma_wait3A_419, %dma_wait3A_426] : memref<7x512xi32, #tpu.memory_space<vmem>> -> memref<1x32xi32, #tpu.memory_space<vmem>>
      %dma_wait3A_428 = tpu.memref_squeeze %dma_wait3A_427 : memref<1x32xi32, #tpu.memory_space<vmem>> -> memref<32xi32, #tpu.memory_space<vmem>>
      %dma_wait3A_429 = arith.constant 0 : i32
      %dma_wait3A_430 = arith.constant 0 : i32
      %dma_wait3A_431 = tpu.memref_slice %arg2[%dma_wait3A_429, %dma_wait3A_430] : memref<120000x128xf32, #tpu.memory_space<hbm>> -> memref<120000x128xf32, #tpu.memory_space<hbm>>
      tpu.wait_indirect_dma semaphore(%arg9 : memref<!tpu.dma_semaphore, #tpu.memory_space<semaphore_mem>>) src(%dma_wait3A_431 : memref<120000x128xf32, #tpu.memory_space<hbm>>) dst(%dma_wait3A_425 : memref<32x128xf32, #tpu.memory_space<vmem>>)
      %ge3A_432 = arith.constant 2 : i32
      %ge3A_433 = arith.cmpi sge, %add3A_340, %ge3A_432 : i32
      %convert_element_type3A_434 = arith.extui %ge3A_433 : i1 to i32
      %cond3A_435 = arith.constant 0 : i32
      %cond3A_436 = arith.cmpi ne, %convert_element_type3A_434, %cond3A_435 : i32
      scf.if %cond3A_436 {
        %dma_wait3A_467 = arith.constant 1 : i32
        %dma_wait3A_468 = arith.constant 0 : i32
        %dma_wait3A_469 = arith.constant 0 : i32
        %dma_wait3A_470 = tpu.memref_slice %arg7[%dma_wait3A_467, %dma_wait3A_468, %dma_wait3A_469] : memref<2x32x64xf32, #tpu.memory_space<vmem>> -> memref<1x32x64xf32, #tpu.memory_space<vmem>>
        %dma_wait3A_471 = tpu.memref_squeeze %dma_wait3A_470 : memref<1x32x64xf32, #tpu.memory_space<vmem>> -> memref<32x64xf32, #tpu.memory_space<vmem>>
        %dma_wait3A_472 = arith.constant 0 : i32
        %dma_wait3A_473 = arith.constant 0 : i32
        %dma_wait3A_474 = tpu.memref_slice %arg4[%dma_wait3A_472, %dma_wait3A_473] : memref<16384x64xf32, #tpu.memory_space<hbm>> -> memref<32x64xf32, #tpu.memory_space<hbm>>
        %dma_wait3A_475 = arith.constant 0 : i32
        %dma_wait3A_476 = arith.constant 0 : i32
        %dma_wait3A_477 = tpu.memref_slice %arg4[%dma_wait3A_475, %dma_wait3A_476] : memref<16384x64xf32, #tpu.memory_space<hbm>> -> memref<32x64xf32, #tpu.memory_space<hbm>>
        %dma_wait3A_478 = arith.constant 0 : i32
        %dma_wait3A_479 = arith.constant 0 : i32
        %dma_wait3A_480 = tpu.memref_slice %arg7[%dma_wait3A_467, %dma_wait3A_478, %dma_wait3A_479] : memref<2x32x64xf32, #tpu.memory_space<vmem>> -> memref<1x32x64xf32, #tpu.memory_space<vmem>>
        %dma_wait3A_481 = tpu.memref_squeeze %dma_wait3A_480 : memref<1x32x64xf32, #tpu.memory_space<vmem>> -> memref<32x64xf32, #tpu.memory_space<vmem>>
        tpu.wait_dma2 semaphore(%arg11 : memref<!tpu.dma_semaphore, #tpu.memory_space<semaphore_mem>>) src(%dma_wait3A_481 : memref<32x64xf32, #tpu.memory_space<vmem>>) dst(%dma_wait3A_477 : memref<32x64xf32, #tpu.memory_space<hbm>>)
      } else {
      }
      %scan3A_437 = arith.constant 0 : i32
      %scan3A_438 = arith.constant 0 : i32
      %scan3A_439 = arith.constant 32 : i32
      %scan3A_440 = arith.addi %scan3A_438, %scan3A_439 : i32
      %scan3A_441 = arith.constant 1 : i32
      %scan3A_442 = scf.for %scan3A_467 = %scan3A_438 to %scan3A_440 step %scan3A_441 iter_args(%scan3A_468 = %scan3A_437) -> (i32)  : i32 {
        %get3A = arith.constant 1 : i32
        %get3A_469 = arith.constant 0 : i32
        %get3A_470 = arith.index_cast %get3A : i32 to index
        %get3A_471 = arith.index_cast %get3A_469 : i32 to index
        %get3A_472 = arith.index_cast %scan3A_467 : i32 to index
        %get3A_473 = arith.constant 0 : index
        %get3A_474 = tpu.vector_load %arg6[%get3A_470, %get3A_471, %get3A_472, %get3A_473] {strides = array<i32>} : memref<2x7x32x128xf32, #tpu.memory_space<vmem>>, vector<1x1x1x16xf32>,
        %get3A_475 = vector.shape_cast %get3A_474 : vector<1x1x1x16xf32> to vector<16xf32>
        %get3A_476 = arith.constant 1 : i32
        %get3A_477 = arith.constant 1 : i32
        %get3A_478 = arith.index_cast %get3A_476 : i32 to index
        %get3A_479 = arith.index_cast %get3A_477 : i32 to index
        %get3A_480 = arith.index_cast %scan3A_467 : i32 to index
        %get3A_481 = arith.constant 0 : index
        %get3A_482 = tpu.vector_load %arg6[%get3A_478, %get3A_479, %get3A_480, %get3A_481] {strides = array<i32>} : memref<2x7x32x128xf32, #tpu.memory_space<vmem>>, vector<1x1x1x16xf32>,
        %get3A_483 = vector.shape_cast %get3A_482 : vector<1x1x1x16xf32> to vector<16xf32>
        %get3A_484 = arith.constant 1 : i32
        %get3A_485 = arith.constant 2 : i32
        %get3A_486 = arith.index_cast %get3A_484 : i32 to index
        %get3A_487 = arith.index_cast %get3A_485 : i32 to index
        %get3A_488 = arith.index_cast %scan3A_467 : i32 to index
        %get3A_489 = arith.constant 0 : index
        %get3A_490 = tpu.vector_load %arg6[%get3A_486, %get3A_487, %get3A_488, %get3A_489] {strides = array<i32>} : memref<2x7x32x128xf32, #tpu.memory_space<vmem>>, vector<1x1x1x16xf32>,
        %get3A_491 = vector.shape_cast %get3A_490 : vector<1x1x1x16xf32> to vector<16xf32>
        %get3A_492 = arith.constant 1 : i32
        %get3A_493 = arith.constant 3 : i32
        %get3A_494 = arith.index_cast %get3A_492 : i32 to index
        %get3A_495 = arith.index_cast %get3A_493 : i32 to index
        %get3A_496 = arith.index_cast %scan3A_467 : i32 to index
        %get3A_497 = arith.constant 0 : index
        %get3A_498 = tpu.vector_load %arg6[%get3A_494, %get3A_495, %get3A_496, %get3A_497] {strides = array<i32>} : memref<2x7x32x128xf32, #tpu.memory_space<vmem>>, vector<1x1x1x16xf32>,
        %get3A_499 = vector.shape_cast %get3A_498 : vector<1x1x1x16xf32> to vector<16xf32>
        %get3A_500 = arith.constant 1 : i32
        %get3A_501 = arith.constant 4 : i32
        %get3A_502 = arith.index_cast %get3A_500 : i32 to index
        %get3A_503 = arith.index_cast %get3A_501 : i32 to index
        %get3A_504 = arith.index_cast %scan3A_467 : i32 to index
        %get3A_505 = arith.constant 0 : index
        %get3A_506 = tpu.vector_load %arg6[%get3A_502, %get3A_503, %get3A_504, %get3A_505] {strides = array<i32>} : memref<2x7x32x128xf32, #tpu.memory_space<vmem>>, vector<1x1x1x16xf32>,
        %get3A_507 = vector.shape_cast %get3A_506 : vector<1x1x1x16xf32> to vector<16xf32>
        %get3A_508 = arith.constant 1 : i32
        %get3A_509 = arith.constant 5 : i32
        %get3A_510 = arith.index_cast %get3A_508 : i32 to index
        %get3A_511 = arith.index_cast %get3A_509 : i32 to index
        %get3A_512 = arith.index_cast %scan3A_467 : i32 to index
        %get3A_513 = arith.constant 0 : index
        %get3A_514 = tpu.vector_load %arg6[%get3A_510, %get3A_511, %get3A_512, %get3A_513] {strides = array<i32>} : memref<2x7x32x128xf32, #tpu.memory_space<vmem>>, vector<1x1x1x16xf32>,
        %get3A_515 = vector.shape_cast %get3A_514 : vector<1x1x1x16xf32> to vector<16xf32>
        %get3A_516 = arith.constant 1 : i32
        %get3A_517 = arith.constant 6 : i32
        %get3A_518 = arith.index_cast %get3A_516 : i32 to index
        %get3A_519 = arith.index_cast %get3A_517 : i32 to index
        %get3A_520 = arith.index_cast %scan3A_467 : i32 to index
        %get3A_521 = arith.constant 0 : index
        %get3A_522 = tpu.vector_load %arg6[%get3A_518, %get3A_519, %get3A_520, %get3A_521] {strides = array<i32>} : memref<2x7x32x128xf32, #tpu.memory_space<vmem>>, vector<1x1x1x16xf32>,
        %get3A_523 = vector.shape_cast %get3A_522 : vector<1x1x1x16xf32> to vector<16xf32>
        %sub3A = arith.subf %get3A_475, %get3A_483 : vector<16xf32>
        %sub3A_524 = arith.subf %get3A_491, %get3A_499 : vector<16xf32>
        %mul3A_525 = arith.mulf %sub3A, %sub3A : vector<16xf32>
        %add3A_526 = arith.addf %broadcast_in_dim3A_3, %mul3A_525 : vector<16xf32>
        %mul3A_527 = arith.mulf %sub3A_524, %sub3A_524 : vector<16xf32>
        %add3A_528 = arith.addf %broadcast_in_dim3A_3, %mul3A_527 : vector<16xf32>
        %sub3A_529 = arith.subf %get3A_507, %get3A_515 : vector<16xf32>
        %add3A_530 = arith.addf %broadcast_in_dim3A_3, %sub3A_529 : vector<16xf32>
        %sub3A_531 = arith.subf %get3A_507, %get3A_523 : vector<16xf32>
        %add3A_532 = arith.addf %broadcast_in_dim3A_3, %sub3A_531 : vector<16xf32>
        %get3A_533 = arith.constant 1 : i32
        %get3A_534 = arith.constant 0 : i32
        %get3A_535 = arith.index_cast %get3A_533 : i32 to index
        %get3A_536 = arith.index_cast %get3A_534 : i32 to index
        %get3A_537 = arith.index_cast %scan3A_467 : i32 to index
        %get3A_538 = arith.constant 16 : index
        %get3A_539 = tpu.vector_load %arg6[%get3A_535, %get3A_536, %get3A_537, %get3A_538] {strides = array<i32>} : memref<2x7x32x128xf32, #tpu.memory_space<vmem>>, vector<1x1x1x16xf32>,
        %get3A_540 = vector.shape_cast %get3A_539 : vector<1x1x1x16xf32> to vector<16xf32>
        %get3A_541 = arith.constant 1 : i32
        %get3A_542 = arith.constant 1 : i32
        %get3A_543 = arith.index_cast %get3A_541 : i32 to index
        %get3A_544 = arith.index_cast %get3A_542 : i32 to index
        %get3A_545 = arith.index_cast %scan3A_467 : i32 to index
        %get3A_546 = arith.constant 16 : index
        %get3A_547 = tpu.vector_load %arg6[%get3A_543, %get3A_544, %get3A_545, %get3A_546] {strides = array<i32>} : memref<2x7x32x128xf32, #tpu.memory_space<vmem>>, vector<1x1x1x16xf32>,
        %get3A_548 = vector.shape_cast %get3A_547 : vector<1x1x1x16xf32> to vector<16xf32>
        %get3A_549 = arith.constant 1 : i32
        %get3A_550 = arith.constant 2 : i32
        %get3A_551 = arith.index_cast %get3A_549 : i32 to index
        %get3A_552 = arith.index_cast %get3A_550 : i32 to index
        %get3A_553 = arith.index_cast %scan3A_467 : i32 to index
        %get3A_554 = arith.constant 16 : index
        %get3A_555 = tpu.vector_load %arg6[%get3A_551, %get3A_552, %get3A_553, %get3A_554] {strides = array<i32>} : memref<2x7x32x128xf32, #tpu.memory_space<vmem>>, vector<1x1x1x16xf32>,
        %get3A_556 = vector.shape_cast %get3A_555 : vector<1x1x1x16xf32> to vector<16xf32>
        %get3A_557 = arith.constant 1 : i32
        %get3A_558 = arith.constant 3 : i32
        %get3A_559 = arith.index_cast %get3A_557 : i32 to index
        %get3A_560 = arith.index_cast %get3A_558 : i32 to index
        %get3A_561 = arith.index_cast %scan3A_467 : i32 to index
        %get3A_562 = arith.constant 16 : index
        %get3A_563 = tpu.vector_load %arg6[%get3A_559, %get3A_560, %get3A_561, %get3A_562] {strides = array<i32>} : memref<2x7x32x128xf32, #tpu.memory_space<vmem>>, vector<1x1x1x16xf32>,
        %get3A_564 = vector.shape_cast %get3A_563 : vector<1x1x1x16xf32> to vector<16xf32>
        %get3A_565 = arith.constant 1 : i32
        %get3A_566 = arith.constant 4 : i32
        %get3A_567 = arith.index_cast %get3A_565 : i32 to index
        %get3A_568 = arith.index_cast %get3A_566 : i32 to index
        %get3A_569 = arith.index_cast %scan3A_467 : i32 to index
        %get3A_570 = arith.constant 16 : index
        %get3A_571 = tpu.vector_load %arg6[%get3A_567, %get3A_568, %get3A_569, %get3A_570] {strides = array<i32>} : memref<2x7x32x128xf32, #tpu.memory_space<vmem>>, vector<1x1x1x16xf32>,
        %get3A_572 = vector.shape_cast %get3A_571 : vector<1x1x1x16xf32> to vector<16xf32>
        %get3A_573 = arith.constant 1 : i32
        %get3A_574 = arith.constant 5 : i32
        %get3A_575 = arith.index_cast %get3A_573 : i32 to index
        %get3A_576 = arith.index_cast %get3A_574 : i32 to index
        %get3A_577 = arith.index_cast %scan3A_467 : i32 to index
        %get3A_578 = arith.constant 16 : index
        %get3A_579 = tpu.vector_load %arg6[%get3A_575, %get3A_576, %get3A_577, %get3A_578] {strides = array<i32>} : memref<2x7x32x128xf32, #tpu.memory_space<vmem>>, vector<1x1x1x16xf32>,
        %get3A_580 = vector.shape_cast %get3A_579 : vector<1x1x1x16xf32> to vector<16xf32>
        %get3A_581 = arith.constant 1 : i32
        %get3A_582 = arith.constant 6 : i32
        %get3A_583 = arith.index_cast %get3A_581 : i32 to index
        %get3A_584 = arith.index_cast %get3A_582 : i32 to index
        %get3A_585 = arith.index_cast %scan3A_467 : i32 to index
        %get3A_586 = arith.constant 16 : index
        %get3A_587 = tpu.vector_load %arg6[%get3A_583, %get3A_584, %get3A_585, %get3A_586] {strides = array<i32>} : memref<2x7x32x128xf32, #tpu.memory_space<vmem>>, vector<1x1x1x16xf32>,
        %get3A_588 = vector.shape_cast %get3A_587 : vector<1x1x1x16xf32> to vector<16xf32>
        %sub3A_589 = arith.subf %get3A_540, %get3A_548 : vector<16xf32>
        %sub3A_590 = arith.subf %get3A_556, %get3A_564 : vector<16xf32>
        %mul3A_591 = arith.mulf %sub3A_589, %sub3A_589 : vector<16xf32>
        %add3A_592 = arith.addf %add3A_526, %mul3A_591 : vector<16xf32>
        %mul3A_593 = arith.mulf %sub3A_590, %sub3A_590 : vector<16xf32>
        %add3A_594 = arith.addf %add3A_528, %mul3A_593 : vector<16xf32>
        %sub3A_595 = arith.subf %get3A_572, %get3A_580 : vector<16xf32>
        %add3A_596 = arith.addf %add3A_530, %sub3A_595 : vector<16xf32>
        %sub3A_597 = arith.subf %get3A_572, %get3A_588 : vector<16xf32>
        %add3A_598 = arith.addf %add3A_532, %sub3A_597 : vector<16xf32>
        %get3A_599 = arith.constant 1 : i32
        %get3A_600 = arith.constant 0 : i32
        %get3A_601 = arith.index_cast %get3A_599 : i32 to index
        %get3A_602 = arith.index_cast %get3A_600 : i32 to index
        %get3A_603 = arith.index_cast %scan3A_467 : i32 to index
        %get3A_604 = arith.constant 32 : index
        %get3A_605 = tpu.vector_load %arg6[%get3A_601, %get3A_602, %get3A_603, %get3A_604] {strides = array<i32>} : memref<2x7x32x128xf32, #tpu.memory_space<vmem>>, vector<1x1x1x16xf32>,
        %get3A_606 = vector.shape_cast %get3A_605 : vector<1x1x1x16xf32> to vector<16xf32>
        %get3A_607 = arith.constant 1 : i32
        %get3A_608 = arith.constant 1 : i32
        %get3A_609 = arith.index_cast %get3A_607 : i32 to index
        %get3A_610 = arith.index_cast %get3A_608 : i32 to index
        %get3A_611 = arith.index_cast %scan3A_467 : i32 to index
        %get3A_612 = arith.constant 32 : index
        %get3A_613 = tpu.vector_load %arg6[%get3A_609, %get3A_610, %get3A_611, %get3A_612] {strides = array<i32>} : memref<2x7x32x128xf32, #tpu.memory_space<vmem>>, vector<1x1x1x16xf32>,
        %get3A_614 = vector.shape_cast %get3A_613 : vector<1x1x1x16xf32> to vector<16xf32>
        %get3A_615 = arith.constant 1 : i32
        %get3A_616 = arith.constant 2 : i32
        %get3A_617 = arith.index_cast %get3A_615 : i32 to index
        %get3A_618 = arith.index_cast %get3A_616 : i32 to index
        %get3A_619 = arith.index_cast %scan3A_467 : i32 to index
        %get3A_620 = arith.constant 32 : index
        %get3A_621 = tpu.vector_load %arg6[%get3A_617, %get3A_618, %get3A_619, %get3A_620] {strides = array<i32>} : memref<2x7x32x128xf32, #tpu.memory_space<vmem>>, vector<1x1x1x16xf32>,
        %get3A_622 = vector.shape_cast %get3A_621 : vector<1x1x1x16xf32> to vector<16xf32>
        %get3A_623 = arith.constant 1 : i32
        %get3A_624 = arith.constant 3 : i32
        %get3A_625 = arith.index_cast %get3A_623 : i32 to index
        %get3A_626 = arith.index_cast %get3A_624 : i32 to index
        %get3A_627 = arith.index_cast %scan3A_467 : i32 to index
        %get3A_628 = arith.constant 32 : index
        %get3A_629 = tpu.vector_load %arg6[%get3A_625, %get3A_626, %get3A_627, %get3A_628] {strides = array<i32>} : memref<2x7x32x128xf32, #tpu.memory_space<vmem>>, vector<1x1x1x16xf32>,
        %get3A_630 = vector.shape_cast %get3A_629 : vector<1x1x1x16xf32> to vector<16xf32>
        %get3A_631 = arith.constant 1 : i32
        %get3A_632 = arith.constant 4 : i32
        %get3A_633 = arith.index_cast %get3A_631 : i32 to index
        %get3A_634 = arith.index_cast %get3A_632 : i32 to index
        %get3A_635 = arith.index_cast %scan3A_467 : i32 to index
        %get3A_636 = arith.constant 32 : index
        %get3A_637 = tpu.vector_load %arg6[%get3A_633, %get3A_634, %get3A_635, %get3A_636] {strides = array<i32>} : memref<2x7x32x128xf32, #tpu.memory_space<vmem>>, vector<1x1x1x16xf32>,
        %get3A_638 = vector.shape_cast %get3A_637 : vector<1x1x1x16xf32> to vector<16xf32>
        %get3A_639 = arith.constant 1 : i32
        %get3A_640 = arith.constant 5 : i32
        %get3A_641 = arith.index_cast %get3A_639 : i32 to index
        %get3A_642 = arith.index_cast %get3A_640 : i32 to index
        %get3A_643 = arith.index_cast %scan3A_467 : i32 to index
        %get3A_644 = arith.constant 32 : index
        %get3A_645 = tpu.vector_load %arg6[%get3A_641, %get3A_642, %get3A_643, %get3A_644] {strides = array<i32>} : memref<2x7x32x128xf32, #tpu.memory_space<vmem>>, vector<1x1x1x16xf32>,
        %get3A_646 = vector.shape_cast %get3A_645 : vector<1x1x1x16xf32> to vector<16xf32>
        %get3A_647 = arith.constant 1 : i32
        %get3A_648 = arith.constant 6 : i32
        %get3A_649 = arith.index_cast %get3A_647 : i32 to index
        %get3A_650 = arith.index_cast %get3A_648 : i32 to index
        %get3A_651 = arith.index_cast %scan3A_467 : i32 to index
        %get3A_652 = arith.constant 32 : index
        %get3A_653 = tpu.vector_load %arg6[%get3A_649, %get3A_650, %get3A_651, %get3A_652] {strides = array<i32>} : memref<2x7x32x128xf32, #tpu.memory_space<vmem>>, vector<1x1x1x16xf32>,
        %get3A_654 = vector.shape_cast %get3A_653 : vector<1x1x1x16xf32> to vector<16xf32>
        %sub3A_655 = arith.subf %get3A_606, %get3A_614 : vector<16xf32>
        %sub3A_656 = arith.subf %get3A_622, %get3A_630 : vector<16xf32>
        %mul3A_657 = arith.mulf %sub3A_655, %sub3A_655 : vector<16xf32>
        %add3A_658 = arith.addf %add3A_592, %mul3A_657 : vector<16xf32>
        %mul3A_659 = arith.mulf %sub3A_656, %sub3A_656 : vector<16xf32>
        %add3A_660 = arith.addf %add3A_594, %mul3A_659 : vector<16xf32>
        %sub3A_661 = arith.subf %get3A_638, %get3A_646 : vector<16xf32>
        %add3A_662 = arith.addf %add3A_596, %sub3A_661 : vector<16xf32>
        %sub3A_663 = arith.subf %get3A_638, %get3A_654 : vector<16xf32>
        %add3A_664 = arith.addf %add3A_598, %sub3A_663 : vector<16xf32>
        %get3A_665 = arith.constant 1 : i32
        %get3A_666 = arith.constant 0 : i32
        %get3A_667 = arith.index_cast %get3A_665 : i32 to index
        %get3A_668 = arith.index_cast %get3A_666 : i32 to index
        %get3A_669 = arith.index_cast %scan3A_467 : i32 to index
        %get3A_670 = arith.constant 48 : index
        %get3A_671 = tpu.vector_load %arg6[%get3A_667, %get3A_668, %get3A_669, %get3A_670] {strides = array<i32>} : memref<2x7x32x128xf32, #tpu.memory_space<vmem>>, vector<1x1x1x16xf32>,
        %get3A_672 = vector.shape_cast %get3A_671 : vector<1x1x1x16xf32> to vector<16xf32>
        %get3A_673 = arith.constant 1 : i32
        %get3A_674 = arith.constant 1 : i32
        %get3A_675 = arith.index_cast %get3A_673 : i32 to index
        %get3A_676 = arith.index_cast %get3A_674 : i32 to index
        %get3A_677 = arith.index_cast %scan3A_467 : i32 to index
        %get3A_678 = arith.constant 48 : index
        %get3A_679 = tpu.vector_load %arg6[%get3A_675, %get3A_676, %get3A_677, %get3A_678] {strides = array<i32>} : memref<2x7x32x128xf32, #tpu.memory_space<vmem>>, vector<1x1x1x16xf32>,
        %get3A_680 = vector.shape_cast %get3A_679 : vector<1x1x1x16xf32> to vector<16xf32>
        %get3A_681 = arith.constant 1 : i32
        %get3A_682 = arith.constant 2 : i32
        %get3A_683 = arith.index_cast %get3A_681 : i32 to index
        %get3A_684 = arith.index_cast %get3A_682 : i32 to index
        %get3A_685 = arith.index_cast %scan3A_467 : i32 to index
        %get3A_686 = arith.constant 48 : index
        %get3A_687 = tpu.vector_load %arg6[%get3A_683, %get3A_684, %get3A_685, %get3A_686] {strides = array<i32>} : memref<2x7x32x128xf32, #tpu.memory_space<vmem>>, vector<1x1x1x16xf32>,
        %get3A_688 = vector.shape_cast %get3A_687 : vector<1x1x1x16xf32> to vector<16xf32>
        %get3A_689 = arith.constant 1 : i32
        %get3A_690 = arith.constant 3 : i32
        %get3A_691 = arith.index_cast %get3A_689 : i32 to index
        %get3A_692 = arith.index_cast %get3A_690 : i32 to index
        %get3A_693 = arith.index_cast %scan3A_467 : i32 to index
        %get3A_694 = arith.constant 48 : index
        %get3A_695 = tpu.vector_load %arg6[%get3A_691, %get3A_692, %get3A_693, %get3A_694] {strides = array<i32>} : memref<2x7x32x128xf32, #tpu.memory_space<vmem>>, vector<1x1x1x16xf32>,
        %get3A_696 = vector.shape_cast %get3A_695 : vector<1x1x1x16xf32> to vector<16xf32>
        %get3A_697 = arith.constant 1 : i32
        %get3A_698 = arith.constant 4 : i32
        %get3A_699 = arith.index_cast %get3A_697 : i32 to index
        %get3A_700 = arith.index_cast %get3A_698 : i32 to index
        %get3A_701 = arith.index_cast %scan3A_467 : i32 to index
        %get3A_702 = arith.constant 48 : index
        %get3A_703 = tpu.vector_load %arg6[%get3A_699, %get3A_700, %get3A_701, %get3A_702] {strides = array<i32>} : memref<2x7x32x128xf32, #tpu.memory_space<vmem>>, vector<1x1x1x16xf32>,
        %get3A_704 = vector.shape_cast %get3A_703 : vector<1x1x1x16xf32> to vector<16xf32>
        %get3A_705 = arith.constant 1 : i32
        %get3A_706 = arith.constant 5 : i32
        %get3A_707 = arith.index_cast %get3A_705 : i32 to index
        %get3A_708 = arith.index_cast %get3A_706 : i32 to index
        %get3A_709 = arith.index_cast %scan3A_467 : i32 to index
        %get3A_710 = arith.constant 48 : index
        %get3A_711 = tpu.vector_load %arg6[%get3A_707, %get3A_708, %get3A_709, %get3A_710] {strides = array<i32>} : memref<2x7x32x128xf32, #tpu.memory_space<vmem>>, vector<1x1x1x16xf32>,
        %get3A_712 = vector.shape_cast %get3A_711 : vector<1x1x1x16xf32> to vector<16xf32>
        %get3A_713 = arith.constant 1 : i32
        %get3A_714 = arith.constant 6 : i32
        %get3A_715 = arith.index_cast %get3A_713 : i32 to index
        %get3A_716 = arith.index_cast %get3A_714 : i32 to index
        %get3A_717 = arith.index_cast %scan3A_467 : i32 to index
        %get3A_718 = arith.constant 48 : index
        %get3A_719 = tpu.vector_load %arg6[%get3A_715, %get3A_716, %get3A_717, %get3A_718] {strides = array<i32>} : memref<2x7x32x128xf32, #tpu.memory_space<vmem>>, vector<1x1x1x16xf32>,
        %get3A_720 = vector.shape_cast %get3A_719 : vector<1x1x1x16xf32> to vector<16xf32>
        %sub3A_721 = arith.subf %get3A_672, %get3A_680 : vector<16xf32>
        %sub3A_722 = arith.subf %get3A_688, %get3A_696 : vector<16xf32>
        %mul3A_723 = arith.mulf %sub3A_721, %sub3A_721 : vector<16xf32>
        %add3A_724 = arith.addf %add3A_658, %mul3A_723 : vector<16xf32>
        %mul3A_725 = arith.mulf %sub3A_722, %sub3A_722 : vector<16xf32>
        %add3A_726 = arith.addf %add3A_660, %mul3A_725 : vector<16xf32>
        %sub3A_727 = arith.subf %get3A_704, %get3A_712 : vector<16xf32>
        %add3A_728 = arith.addf %add3A_662, %sub3A_727 : vector<16xf32>
        %sub3A_729 = arith.subf %get3A_704, %get3A_720 : vector<16xf32>
        %add3A_730 = arith.addf %add3A_664, %sub3A_729 : vector<16xf32>
        %get3A_731 = arith.constant 1 : i32
        %get3A_732 = arith.constant 0 : i32
        %get3A_733 = arith.index_cast %get3A_731 : i32 to index
        %get3A_734 = arith.index_cast %get3A_732 : i32 to index
        %get3A_735 = arith.index_cast %scan3A_467 : i32 to index
        %get3A_736 = arith.constant 64 : index
        %get3A_737 = tpu.vector_load %arg6[%get3A_733, %get3A_734, %get3A_735, %get3A_736] {strides = array<i32>} : memref<2x7x32x128xf32, #tpu.memory_space<vmem>>, vector<1x1x1x16xf32>,
        %get3A_738 = vector.shape_cast %get3A_737 : vector<1x1x1x16xf32> to vector<16xf32>
        %get3A_739 = arith.constant 1 : i32
        %get3A_740 = arith.constant 1 : i32
        %get3A_741 = arith.index_cast %get3A_739 : i32 to index
        %get3A_742 = arith.index_cast %get3A_740 : i32 to index
        %get3A_743 = arith.index_cast %scan3A_467 : i32 to index
        %get3A_744 = arith.constant 64 : index
        %get3A_745 = tpu.vector_load %arg6[%get3A_741, %get3A_742, %get3A_743, %get3A_744] {strides = array<i32>} : memref<2x7x32x128xf32, #tpu.memory_space<vmem>>, vector<1x1x1x16xf32>,
        %get3A_746 = vector.shape_cast %get3A_745 : vector<1x1x1x16xf32> to vector<16xf32>
        %get3A_747 = arith.constant 1 : i32
        %get3A_748 = arith.constant 2 : i32
        %get3A_749 = arith.index_cast %get3A_747 : i32 to index
        %get3A_750 = arith.index_cast %get3A_748 : i32 to index
        %get3A_751 = arith.index_cast %scan3A_467 : i32 to index
        %get3A_752 = arith.constant 64 : index
        %get3A_753 = tpu.vector_load %arg6[%get3A_749, %get3A_750, %get3A_751, %get3A_752] {strides = array<i32>} : memref<2x7x32x128xf32, #tpu.memory_space<vmem>>, vector<1x1x1x16xf32>,
        %get3A_754 = vector.shape_cast %get3A_753 : vector<1x1x1x16xf32> to vector<16xf32>
        %get3A_755 = arith.constant 1 : i32
        %get3A_756 = arith.constant 3 : i32
        %get3A_757 = arith.index_cast %get3A_755 : i32 to index
        %get3A_758 = arith.index_cast %get3A_756 : i32 to index
        %get3A_759 = arith.index_cast %scan3A_467 : i32 to index
        %get3A_760 = arith.constant 64 : index
        %get3A_761 = tpu.vector_load %arg6[%get3A_757, %get3A_758, %get3A_759, %get3A_760] {strides = array<i32>} : memref<2x7x32x128xf32, #tpu.memory_space<vmem>>, vector<1x1x1x16xf32>,
        %get3A_762 = vector.shape_cast %get3A_761 : vector<1x1x1x16xf32> to vector<16xf32>
        %get3A_763 = arith.constant 1 : i32
        %get3A_764 = arith.constant 4 : i32
        %get3A_765 = arith.index_cast %get3A_763 : i32 to index
        %get3A_766 = arith.index_cast %get3A_764 : i32 to index
        %get3A_767 = arith.index_cast %scan3A_467 : i32 to index
        %get3A_768 = arith.constant 64 : index
        %get3A_769 = tpu.vector_load %arg6[%get3A_765, %get3A_766, %get3A_767, %get3A_768] {strides = array<i32>} : memref<2x7x32x128xf32, #tpu.memory_space<vmem>>, vector<1x1x1x16xf32>,
        %get3A_770 = vector.shape_cast %get3A_769 : vector<1x1x1x16xf32> to vector<16xf32>
        %get3A_771 = arith.constant 1 : i32
        %get3A_772 = arith.constant 5 : i32
        %get3A_773 = arith.index_cast %get3A_771 : i32 to index
        %get3A_774 = arith.index_cast %get3A_772 : i32 to index
        %get3A_775 = arith.index_cast %scan3A_467 : i32 to index
        %get3A_776 = arith.constant 64 : index
        %get3A_777 = tpu.vector_load %arg6[%get3A_773, %get3A_774, %get3A_775, %get3A_776] {strides = array<i32>} : memref<2x7x32x128xf32, #tpu.memory_space<vmem>>, vector<1x1x1x16xf32>,
        %get3A_778 = vector.shape_cast %get3A_777 : vector<1x1x1x16xf32> to vector<16xf32>
        %get3A_779 = arith.constant 1 : i32
        %get3A_780 = arith.constant 6 : i32
        %get3A_781 = arith.index_cast %get3A_779 : i32 to index
        %get3A_782 = arith.index_cast %get3A_780 : i32 to index
        %get3A_783 = arith.index_cast %scan3A_467 : i32 to index
        %get3A_784 = arith.constant 64 : index
        %get3A_785 = tpu.vector_load %arg6[%get3A_781, %get3A_782, %get3A_783, %get3A_784] {strides = array<i32>} : memref<2x7x32x128xf32, #tpu.memory_space<vmem>>, vector<1x1x1x16xf32>,
        %get3A_786 = vector.shape_cast %get3A_785 : vector<1x1x1x16xf32> to vector<16xf32>
        %sub3A_787 = arith.subf %get3A_738, %get3A_746 : vector<16xf32>
        %sub3A_788 = arith.subf %get3A_754, %get3A_762 : vector<16xf32>
        %mul3A_789 = arith.mulf %sub3A_787, %sub3A_787 : vector<16xf32>
        %add3A_790 = arith.addf %add3A_724, %mul3A_789 : vector<16xf32>
        %mul3A_791 = arith.mulf %sub3A_788, %sub3A_788 : vector<16xf32>
        %add3A_792 = arith.addf %add3A_726, %mul3A_791 : vector<16xf32>
        %sub3A_793 = arith.subf %get3A_770, %get3A_778 : vector<16xf32>
        %add3A_794 = arith.addf %add3A_728, %sub3A_793 : vector<16xf32>
        %sub3A_795 = arith.subf %get3A_770, %get3A_786 : vector<16xf32>
        %add3A_796 = arith.addf %add3A_730, %sub3A_795 : vector<16xf32>
        %get3A_797 = arith.constant 1 : i32
        %get3A_798 = arith.constant 0 : i32
        %get3A_799 = arith.index_cast %get3A_797 : i32 to index
        %get3A_800 = arith.index_cast %get3A_798 : i32 to index
        %get3A_801 = arith.index_cast %scan3A_467 : i32 to index
        %get3A_802 = arith.constant 80 : index
        %get3A_803 = tpu.vector_load %arg6[%get3A_799, %get3A_800, %get3A_801, %get3A_802] {strides = array<i32>} : memref<2x7x32x128xf32, #tpu.memory_space<vmem>>, vector<1x1x1x16xf32>,
        %get3A_804 = vector.shape_cast %get3A_803 : vector<1x1x1x16xf32> to vector<16xf32>
        %get3A_805 = arith.constant 1 : i32
        %get3A_806 = arith.constant 1 : i32
        %get3A_807 = arith.index_cast %get3A_805 : i32 to index
        %get3A_808 = arith.index_cast %get3A_806 : i32 to index
        %get3A_809 = arith.index_cast %scan3A_467 : i32 to index
        %get3A_810 = arith.constant 80 : index
        %get3A_811 = tpu.vector_load %arg6[%get3A_807, %get3A_808, %get3A_809, %get3A_810] {strides = array<i32>} : memref<2x7x32x128xf32, #tpu.memory_space<vmem>>, vector<1x1x1x16xf32>,
        %get3A_812 = vector.shape_cast %get3A_811 : vector<1x1x1x16xf32> to vector<16xf32>
        %get3A_813 = arith.constant 1 : i32
        %get3A_814 = arith.constant 2 : i32
        %get3A_815 = arith.index_cast %get3A_813 : i32 to index
        %get3A_816 = arith.index_cast %get3A_814 : i32 to index
        %get3A_817 = arith.index_cast %scan3A_467 : i32 to index
        %get3A_818 = arith.constant 80 : index
        %get3A_819 = tpu.vector_load %arg6[%get3A_815, %get3A_816, %get3A_817, %get3A_818] {strides = array<i32>} : memref<2x7x32x128xf32, #tpu.memory_space<vmem>>, vector<1x1x1x16xf32>,
        %get3A_820 = vector.shape_cast %get3A_819 : vector<1x1x1x16xf32> to vector<16xf32>
        %get3A_821 = arith.constant 1 : i32
        %get3A_822 = arith.constant 3 : i32
        %get3A_823 = arith.index_cast %get3A_821 : i32 to index
        %get3A_824 = arith.index_cast %get3A_822 : i32 to index
        %get3A_825 = arith.index_cast %scan3A_467 : i32 to index
        %get3A_826 = arith.constant 80 : index
        %get3A_827 = tpu.vector_load %arg6[%get3A_823, %get3A_824, %get3A_825, %get3A_826] {strides = array<i32>} : memref<2x7x32x128xf32, #tpu.memory_space<vmem>>, vector<1x1x1x16xf32>,
        %get3A_828 = vector.shape_cast %get3A_827 : vector<1x1x1x16xf32> to vector<16xf32>
        %get3A_829 = arith.constant 1 : i32
        %get3A_830 = arith.constant 4 : i32
        %get3A_831 = arith.index_cast %get3A_829 : i32 to index
        %get3A_832 = arith.index_cast %get3A_830 : i32 to index
        %get3A_833 = arith.index_cast %scan3A_467 : i32 to index
        %get3A_834 = arith.constant 80 : index
        %get3A_835 = tpu.vector_load %arg6[%get3A_831, %get3A_832, %get3A_833, %get3A_834] {strides = array<i32>} : memref<2x7x32x128xf32, #tpu.memory_space<vmem>>, vector<1x1x1x16xf32>,
        %get3A_836 = vector.shape_cast %get3A_835 : vector<1x1x1x16xf32> to vector<16xf32>
        %get3A_837 = arith.constant 1 : i32
        %get3A_838 = arith.constant 5 : i32
        %get3A_839 = arith.index_cast %get3A_837 : i32 to index
        %get3A_840 = arith.index_cast %get3A_838 : i32 to index
        %get3A_841 = arith.index_cast %scan3A_467 : i32 to index
        %get3A_842 = arith.constant 80 : index
        %get3A_843 = tpu.vector_load %arg6[%get3A_839, %get3A_840, %get3A_841, %get3A_842] {strides = array<i32>} : memref<2x7x32x128xf32, #tpu.memory_space<vmem>>, vector<1x1x1x16xf32>,
        %get3A_844 = vector.shape_cast %get3A_843 : vector<1x1x1x16xf32> to vector<16xf32>
        %get3A_845 = arith.constant 1 : i32
        %get3A_846 = arith.constant 6 : i32
        %get3A_847 = arith.index_cast %get3A_845 : i32 to index
        %get3A_848 = arith.index_cast %get3A_846 : i32 to index
        %get3A_849 = arith.index_cast %scan3A_467 : i32 to index
        %get3A_850 = arith.constant 80 : index
        %get3A_851 = tpu.vector_load %arg6[%get3A_847, %get3A_848, %get3A_849, %get3A_850] {strides = array<i32>} : memref<2x7x32x128xf32, #tpu.memory_space<vmem>>, vector<1x1x1x16xf32>,
        %get3A_852 = vector.shape_cast %get3A_851 : vector<1x1x1x16xf32> to vector<16xf32>
        %sub3A_853 = arith.subf %get3A_804, %get3A_812 : vector<16xf32>
        %sub3A_854 = arith.subf %get3A_820, %get3A_828 : vector<16xf32>
        %mul3A_855 = arith.mulf %sub3A_853, %sub3A_853 : vector<16xf32>
        %add3A_856 = arith.addf %add3A_790, %mul3A_855 : vector<16xf32>
        %mul3A_857 = arith.mulf %sub3A_854, %sub3A_854 : vector<16xf32>
        %add3A_858 = arith.addf %add3A_792, %mul3A_857 : vector<16xf32>
        %sub3A_859 = arith.subf %get3A_836, %get3A_844 : vector<16xf32>
        %add3A_860 = arith.addf %add3A_794, %sub3A_859 : vector<16xf32>
        %sub3A_861 = arith.subf %get3A_836, %get3A_852 : vector<16xf32>
        %add3A_862 = arith.addf %add3A_796, %sub3A_861 : vector<16xf32>
        %get3A_863 = arith.constant 1 : i32
        %get3A_864 = arith.constant 0 : i32
        %get3A_865 = arith.index_cast %get3A_863 : i32 to index
        %get3A_866 = arith.index_cast %get3A_864 : i32 to index
        %get3A_867 = arith.index_cast %scan3A_467 : i32 to index
        %get3A_868 = arith.constant 96 : index
        %get3A_869 = tpu.vector_load %arg6[%get3A_865, %get3A_866, %get3A_867, %get3A_868] {strides = array<i32>} : memref<2x7x32x128xf32, #tpu.memory_space<vmem>>, vector<1x1x1x16xf32>,
        %get3A_870 = vector.shape_cast %get3A_869 : vector<1x1x1x16xf32> to vector<16xf32>
        %get3A_871 = arith.constant 1 : i32
        %get3A_872 = arith.constant 1 : i32
        %get3A_873 = arith.index_cast %get3A_871 : i32 to index
        %get3A_874 = arith.index_cast %get3A_872 : i32 to index
        %get3A_875 = arith.index_cast %scan3A_467 : i32 to index
        %get3A_876 = arith.constant 96 : index
        %get3A_877 = tpu.vector_load %arg6[%get3A_873, %get3A_874, %get3A_875, %get3A_876] {strides = array<i32>} : memref<2x7x32x128xf32, #tpu.memory_space<vmem>>, vector<1x1x1x16xf32>,
        %get3A_878 = vector.shape_cast %get3A_877 : vector<1x1x1x16xf32> to vector<16xf32>
        %get3A_879 = arith.constant 1 : i32
        %get3A_880 = arith.constant 2 : i32
        %get3A_881 = arith.index_cast %get3A_879 : i32 to index
        %get3A_882 = arith.index_cast %get3A_880 : i32 to index
        %get3A_883 = arith.index_cast %scan3A_467 : i32 to index
        %get3A_884 = arith.constant 96 : index
        %get3A_885 = tpu.vector_load %arg6[%get3A_881, %get3A_882, %get3A_883, %get3A_884] {strides = array<i32>} : memref<2x7x32x128xf32, #tpu.memory_space<vmem>>, vector<1x1x1x16xf32>,
        %get3A_886 = vector.shape_cast %get3A_885 : vector<1x1x1x16xf32> to vector<16xf32>
        %get3A_887 = arith.constant 1 : i32
        %get3A_888 = arith.constant 3 : i32
        %get3A_889 = arith.index_cast %get3A_887 : i32 to index
        %get3A_890 = arith.index_cast %get3A_888 : i32 to index
        %get3A_891 = arith.index_cast %scan3A_467 : i32 to index
        %get3A_892 = arith.constant 96 : index
        %get3A_893 = tpu.vector_load %arg6[%get3A_889, %get3A_890, %get3A_891, %get3A_892] {strides = array<i32>} : memref<2x7x32x128xf32, #tpu.memory_space<vmem>>, vector<1x1x1x16xf32>,
        %get3A_894 = vector.shape_cast %get3A_893 : vector<1x1x1x16xf32> to vector<16xf32>
        %get3A_895 = arith.constant 1 : i32
        %get3A_896 = arith.constant 4 : i32
        %get3A_897 = arith.index_cast %get3A_895 : i32 to index
        %get3A_898 = arith.index_cast %get3A_896 : i32 to index
        %get3A_899 = arith.index_cast %scan3A_467 : i32 to index
        %get3A_900 = arith.constant 96 : index
        %get3A_901 = tpu.vector_load %arg6[%get3A_897, %get3A_898, %get3A_899, %get3A_900] {strides = array<i32>} : memref<2x7x32x128xf32, #tpu.memory_space<vmem>>, vector<1x1x1x16xf32>,
        %get3A_902 = vector.shape_cast %get3A_901 : vector<1x1x1x16xf32> to vector<16xf32>
        %get3A_903 = arith.constant 1 : i32
        %get3A_904 = arith.constant 5 : i32
        %get3A_905 = arith.index_cast %get3A_903 : i32 to index
        %get3A_906 = arith.index_cast %get3A_904 : i32 to index
        %get3A_907 = arith.index_cast %scan3A_467 : i32 to index
        %get3A_908 = arith.constant 96 : index
        %get3A_909 = tpu.vector_load %arg6[%get3A_905, %get3A_906, %get3A_907, %get3A_908] {strides = array<i32>} : memref<2x7x32x128xf32, #tpu.memory_space<vmem>>, vector<1x1x1x16xf32>,
        %get3A_910 = vector.shape_cast %get3A_909 : vector<1x1x1x16xf32> to vector<16xf32>
        %get3A_911 = arith.constant 1 : i32
        %get3A_912 = arith.constant 6 : i32
        %get3A_913 = arith.index_cast %get3A_911 : i32 to index
        %get3A_914 = arith.index_cast %get3A_912 : i32 to index
        %get3A_915 = arith.index_cast %scan3A_467 : i32 to index
        %get3A_916 = arith.constant 96 : index
        %get3A_917 = tpu.vector_load %arg6[%get3A_913, %get3A_914, %get3A_915, %get3A_916] {strides = array<i32>} : memref<2x7x32x128xf32, #tpu.memory_space<vmem>>, vector<1x1x1x16xf32>,
        %get3A_918 = vector.shape_cast %get3A_917 : vector<1x1x1x16xf32> to vector<16xf32>
        %sub3A_919 = arith.subf %get3A_870, %get3A_878 : vector<16xf32>
        %sub3A_920 = arith.subf %get3A_886, %get3A_894 : vector<16xf32>
        %mul3A_921 = arith.mulf %sub3A_919, %sub3A_919 : vector<16xf32>
        %add3A_922 = arith.addf %add3A_856, %mul3A_921 : vector<16xf32>
        %mul3A_923 = arith.mulf %sub3A_920, %sub3A_920 : vector<16xf32>
        %add3A_924 = arith.addf %add3A_858, %mul3A_923 : vector<16xf32>
        %sub3A_925 = arith.subf %get3A_902, %get3A_910 : vector<16xf32>
        %add3A_926 = arith.addf %add3A_860, %sub3A_925 : vector<16xf32>
        %sub3A_927 = arith.subf %get3A_902, %get3A_918 : vector<16xf32>
        %add3A_928 = arith.addf %add3A_862, %sub3A_927 : vector<16xf32>
        %get3A_929 = arith.constant 1 : i32
        %get3A_930 = arith.constant 0 : i32
        %get3A_931 = arith.index_cast %get3A_929 : i32 to index
        %get3A_932 = arith.index_cast %get3A_930 : i32 to index
        %get3A_933 = arith.index_cast %scan3A_467 : i32 to index
        %get3A_934 = arith.constant 112 : index
        %get3A_935 = tpu.vector_load %arg6[%get3A_931, %get3A_932, %get3A_933, %get3A_934] {strides = array<i32>} : memref<2x7x32x128xf32, #tpu.memory_space<vmem>>, vector<1x1x1x16xf32>,
        %get3A_936 = vector.shape_cast %get3A_935 : vector<1x1x1x16xf32> to vector<16xf32>
        %get3A_937 = arith.constant 1 : i32
        %get3A_938 = arith.constant 1 : i32
        %get3A_939 = arith.index_cast %get3A_937 : i32 to index
        %get3A_940 = arith.index_cast %get3A_938 : i32 to index
        %get3A_941 = arith.index_cast %scan3A_467 : i32 to index
        %get3A_942 = arith.constant 112 : index
        %get3A_943 = tpu.vector_load %arg6[%get3A_939, %get3A_940, %get3A_941, %get3A_942] {strides = array<i32>} : memref<2x7x32x128xf32, #tpu.memory_space<vmem>>, vector<1x1x1x16xf32>,
        %get3A_944 = vector.shape_cast %get3A_943 : vector<1x1x1x16xf32> to vector<16xf32>
        %get3A_945 = arith.constant 1 : i32
        %get3A_946 = arith.constant 2 : i32
        %get3A_947 = arith.index_cast %get3A_945 : i32 to index
        %get3A_948 = arith.index_cast %get3A_946 : i32 to index
        %get3A_949 = arith.index_cast %scan3A_467 : i32 to index
        %get3A_950 = arith.constant 112 : index
        %get3A_951 = tpu.vector_load %arg6[%get3A_947, %get3A_948, %get3A_949, %get3A_950] {strides = array<i32>} : memref<2x7x32x128xf32, #tpu.memory_space<vmem>>, vector<1x1x1x16xf32>,
        %get3A_952 = vector.shape_cast %get3A_951 : vector<1x1x1x16xf32> to vector<16xf32>
        %get3A_953 = arith.constant 1 : i32
        %get3A_954 = arith.constant 3 : i32
        %get3A_955 = arith.index_cast %get3A_953 : i32 to index
        %get3A_956 = arith.index_cast %get3A_954 : i32 to index
        %get3A_957 = arith.index_cast %scan3A_467 : i32 to index
        %get3A_958 = arith.constant 112 : index
        %get3A_959 = tpu.vector_load %arg6[%get3A_955, %get3A_956, %get3A_957, %get3A_958] {strides = array<i32>} : memref<2x7x32x128xf32, #tpu.memory_space<vmem>>, vector<1x1x1x16xf32>,
        %get3A_960 = vector.shape_cast %get3A_959 : vector<1x1x1x16xf32> to vector<16xf32>
        %get3A_961 = arith.constant 1 : i32
        %get3A_962 = arith.constant 4 : i32
        %get3A_963 = arith.index_cast %get3A_961 : i32 to index
        %get3A_964 = arith.index_cast %get3A_962 : i32 to index
        %get3A_965 = arith.index_cast %scan3A_467 : i32 to index
        %get3A_966 = arith.constant 112 : index
        %get3A_967 = tpu.vector_load %arg6[%get3A_963, %get3A_964, %get3A_965, %get3A_966] {strides = array<i32>} : memref<2x7x32x128xf32, #tpu.memory_space<vmem>>, vector<1x1x1x16xf32>,
        %get3A_968 = vector.shape_cast %get3A_967 : vector<1x1x1x16xf32> to vector<16xf32>
        %get3A_969 = arith.constant 1 : i32
        %get3A_970 = arith.constant 5 : i32
        %get3A_971 = arith.index_cast %get3A_969 : i32 to index
        %get3A_972 = arith.index_cast %get3A_970 : i32 to index
        %get3A_973 = arith.index_cast %scan3A_467 : i32 to index
        %get3A_974 = arith.constant 112 : index
        %get3A_975 = tpu.vector_load %arg6[%get3A_971, %get3A_972, %get3A_973, %get3A_974] {strides = array<i32>} : memref<2x7x32x128xf32, #tpu.memory_space<vmem>>, vector<1x1x1x16xf32>,
        %get3A_976 = vector.shape_cast %get3A_975 : vector<1x1x1x16xf32> to vector<16xf32>
        %get3A_977 = arith.constant 1 : i32
        %get3A_978 = arith.constant 6 : i32
        %get3A_979 = arith.index_cast %get3A_977 : i32 to index
        %get3A_980 = arith.index_cast %get3A_978 : i32 to index
        %get3A_981 = arith.index_cast %scan3A_467 : i32 to index
        %get3A_982 = arith.constant 112 : index
        %get3A_983 = tpu.vector_load %arg6[%get3A_979, %get3A_980, %get3A_981, %get3A_982] {strides = array<i32>} : memref<2x7x32x128xf32, #tpu.memory_space<vmem>>, vector<1x1x1x16xf32>,
        %get3A_984 = vector.shape_cast %get3A_983 : vector<1x1x1x16xf32> to vector<16xf32>
        %sub3A_985 = arith.subf %get3A_936, %get3A_944 : vector<16xf32>
        %sub3A_986 = arith.subf %get3A_952, %get3A_960 : vector<16xf32>
        %mul3A_987 = arith.mulf %sub3A_985, %sub3A_985 : vector<16xf32>
        %add3A_988 = arith.addf %add3A_922, %mul3A_987 : vector<16xf32>
        %mul3A_989 = arith.mulf %sub3A_986, %sub3A_986 : vector<16xf32>
        %add3A_990 = arith.addf %add3A_924, %mul3A_989 : vector<16xf32>
        %sub3A_991 = arith.subf %get3A_968, %get3A_976 : vector<16xf32>
        %add3A_992 = arith.addf %add3A_926, %sub3A_991 : vector<16xf32>
        %sub3A_993 = arith.subf %get3A_968, %get3A_984 : vector<16xf32>
        %add3A_994 = arith.addf %add3A_928, %sub3A_993 : vector<16xf32>
        %swap3A = arith.constant 1 : i32
        %swap3A_995 = arith.index_cast %swap3A : i32 to index
        %swap3A_996 = arith.index_cast %scan3A_467 : i32 to index
        %swap3A_997 = arith.constant 0 : index
        %swap3A_998 = tpu.vector_load %arg7[%swap3A_995, %swap3A_996, %swap3A_997] {strides = array<i32>} : memref<2x32x64xf32, #tpu.memory_space<vmem>>, vector<1x1x16xf32>,
        %swap3A_999 = vector.shape_cast %swap3A_998 : vector<1x1x16xf32> to vector<16xf32>
        %swap3A_1000 = vector.shape_cast %add3A_988 : vector<16xf32> to vector<1x1x16xf32>
        tpu.vector_store %arg7[%swap3A_995, %swap3A_996, %swap3A_997], %swap3A_1000 {strides = array<i32>} : memref<2x32x64xf32, #tpu.memory_space<vmem>>, vector<1x1x16xf32>,
        %swap3A_1001 = arith.constant 1 : i32
        %swap3A_1002 = arith.index_cast %swap3A_1001 : i32 to index
        %swap3A_1003 = arith.index_cast %scan3A_467 : i32 to index
        %swap3A_1004 = arith.constant 16 : index
        %swap3A_1005 = tpu.vector_load %arg7[%swap3A_1002, %swap3A_1003, %swap3A_1004] {strides = array<i32>} : memref<2x32x64xf32, #tpu.memory_space<vmem>>, vector<1x1x16xf32>,
        %swap3A_1006 = vector.shape_cast %swap3A_1005 : vector<1x1x16xf32> to vector<16xf32>
        %swap3A_1007 = vector.shape_cast %add3A_990 : vector<16xf32> to vector<1x1x16xf32>
        tpu.vector_store %arg7[%swap3A_1002, %swap3A_1003, %swap3A_1004], %swap3A_1007 {strides = array<i32>} : memref<2x32x64xf32, #tpu.memory_space<vmem>>, vector<1x1x16xf32>,
        %swap3A_1008 = arith.constant 1 : i32
        %swap3A_1009 = arith.index_cast %swap3A_1008 : i32 to index
        %swap3A_1010 = arith.index_cast %scan3A_467 : i32 to index
        %swap3A_1011 = arith.constant 32 : index
        %swap3A_1012 = tpu.vector_load %arg7[%swap3A_1009, %swap3A_1010, %swap3A_1011] {strides = array<i32>} : memref<2x32x64xf32, #tpu.memory_space<vmem>>, vector<1x1x16xf32>,
        %swap3A_1013 = vector.shape_cast %swap3A_1012 : vector<1x1x16xf32> to vector<16xf32>
        %swap3A_1014 = vector.shape_cast %add3A_992 : vector<16xf32> to vector<1x1x16xf32>
        tpu.vector_store %arg7[%swap3A_1009, %swap3A_1010, %swap3A_1011], %swap3A_1014 {strides = array<i32>} : memref<2x32x64xf32, #tpu.memory_space<vmem>>, vector<1x1x16xf32>,
        %swap3A_1015 = arith.constant 1 : i32
        %swap3A_1016 = arith.index_cast %swap3A_1015 : i32 to index
        %swap3A_1017 = arith.index_cast %scan3A_467 : i32 to index
        %swap3A_1018 = arith.constant 48 : index
        %swap3A_1019 = tpu.vector_load %arg7[%swap3A_1016, %swap3A_1017, %swap3A_1018] {strides = array<i32>} : memref<2x32x64xf32, #tpu.memory_space<vmem>>, vector<1x1x16xf32>,
        %swap3A_1020 = vector.shape_cast %swap3A_1019 : vector<1x1x16xf32> to vector<16xf32>
        %swap3A_1021 = vector.shape_cast %add3A_994 : vector<16xf32> to vector<1x1x16xf32>
        tpu.vector_store %arg7[%swap3A_1016, %swap3A_1017, %swap3A_1018], %swap3A_1021 {strides = array<i32>} : memref<2x32x64xf32, #tpu.memory_space<vmem>>, vector<1x1x16xf32>,
        %scan3A_1022 = arith.constant 0 : i32
        scf.yield %scan3A_1022 : i32
      }
      %scan3A_443 = arith.constant 32 : i32
      %mul3A_444 = arith.constant 32 : i32
      %mul3A_445 = arith.muli %add3A_340, %mul3A_444 : i32
      %add3A_446 = arith.addi %multiple_of3A, %mul3A_445 : i32
      %multiple_of3A_447 = tpu.assume_multiple %add3A_446, 32 : i32
      %dma_start3A_448 = arith.constant 1 : i32
      %dma_start3A_449 = arith.constant 0 : i32
      %dma_start3A_450 = arith.constant 0 : i32
      %dma_start3A_451 = tpu.memref_slice %arg7[%dma_start3A_448, %dma_start3A_449, %dma_start3A_450] : memref<2x32x64xf32, #tpu.memory_space<vmem>> -> memref<1x32x64xf32, #tpu.memory_space<vmem>>
      %dma_start3A_452 = tpu.memref_squeeze %dma_start3A_451 : memref<1x32x64xf32, #tpu.memory_space<vmem>> -> memref<32x64xf32, #tpu.memory_space<vmem>>
      %dma_start3A_453 = arith.constant 0 : i32
      %dma_start3A_454 = tpu.memref_slice %arg4[%multiple_of3A_447, %dma_start3A_453] : memref<16384x64xf32, #tpu.memory_space<hbm>> -> memref<32x64xf32, #tpu.memory_space<hbm>>
      %dma_start3A_455 = arith.constant 0 : i32
      %dma_start3A_456 = tpu.memref_slice %arg4[%multiple_of3A_447, %dma_start3A_455] : memref<16384x64xf32, #tpu.memory_space<hbm>> -> memref<32x64xf32, #tpu.memory_space<hbm>>
      %dma_start3A_457 = arith.constant 0 : i32
      %dma_start3A_458 = arith.constant 0 : i32
      %dma_start3A_459 = tpu.memref_slice %arg7[%dma_start3A_448, %dma_start3A_457, %dma_start3A_458] : memref<2x32x64xf32, #tpu.memory_space<vmem>> -> memref<1x32x64xf32, #tpu.memory_space<vmem>>
      %dma_start3A_460 = tpu.memref_squeeze %dma_start3A_459 : memref<1x32x64xf32, #tpu.memory_space<vmem>> -> memref<32x64xf32, #tpu.memory_space<vmem>>
      tpu.enqueue_dma source(%dma_start3A_460 : memref<32x64xf32, #tpu.memory_space<vmem>>) target(%dma_start3A_456 : memref<32x64xf32, #tpu.memory_space<hbm>>) target_semaphore(%arg11 : memref<!tpu.dma_semaphore, #tpu.memory_space<semaphore_mem>>)
      %lt3A_461 = arith.constant 7 : i32
      %lt3A_462 = arith.cmpi slt, %scan3A_210, %lt3A_461 : i32
      %convert_element_type3A_463 = arith.extui %lt3A_462 : i1 to i32
      %cond3A_464 = arith.constant 0 : i32
      %cond3A_465 = arith.cmpi ne, %convert_element_type3A_463, %cond3A_464 : i32
      scf.if %cond3A_465 {
        %add3A_467 = arith.constant 2 : i32
        %add3A_468 = arith.addi %add3A_340, %add3A_467 : i32
        %mul3A_469 = arith.constant 32 : i32
        %mul3A_470 = arith.muli %add3A_468, %mul3A_469 : i32
        %multiple_of3A_471 = tpu.assume_multiple %mul3A_470, 32 : i32
        %dma_start3A_472 = arith.constant 0 : i32
        %dma_start3A_473 = arith.constant 1 : i32
        %dma_start3A_474 = arith.constant 0 : i32
        %dma_start3A_475 = arith.constant 0 : i32
        %dma_start3A_476 = arith.constant 0 : i32
        %dma_start3A_477 = tpu.memref_slice %arg6[%dma_start3A_473, %dma_start3A_474, %dma_start3A_475, %dma_start3A_476] : memref<2x7x32x128xf32, #tpu.memory_space<vmem>> -> memref<1x1x32x128xf32, #tpu.memory_space<vmem>>
        %dma_start3A_478 = tpu.memref_squeeze %dma_start3A_477 : memref<1x1x32x128xf32, #tpu.memory_space<vmem>> -> memref<32x128xf32, #tpu.memory_space<vmem>>
        %dma_start3A_479 = tpu.memref_slice %arg5[%dma_start3A_472, %multiple_of3A_471] : memref<7x512xi32, #tpu.memory_space<vmem>> -> memref<1x32xi32, #tpu.memory_space<vmem>>
        %dma_start3A_480 = tpu.memref_squeeze %dma_start3A_479 : memref<1x32xi32, #tpu.memory_space<vmem>> -> memref<32xi32, #tpu.memory_space<vmem>>
        %dma_start3A_481 = arith.constant 0 : i32
        %dma_start3A_482 = arith.constant 0 : i32
        %dma_start3A_483 = tpu.memref_slice %arg2[%dma_start3A_481, %dma_start3A_482] : memref<120000x128xf32, #tpu.memory_space<hbm>> -> memref<120000x128xf32, #tpu.memory_space<hbm>>
        tpu.enqueue_indirect_dma source(%dma_start3A_483 : memref<120000x128xf32, #tpu.memory_space<hbm>>) target(%dma_start3A_478 : memref<32x128xf32, #tpu.memory_space<vmem>>) offsets(%dma_start3A_480 : memref<32xi32, #tpu.memory_space<vmem>>) semaphore(%arg9 : memref<!tpu.dma_semaphore, #tpu.memory_space<semaphore_mem>>)
        %dma_start3A_484 = arith.constant 1 : i32
        %dma_start3A_485 = arith.constant 1 : i32
        %dma_start3A_486 = arith.constant 1 : i32
        %dma_start3A_487 = arith.constant 0 : i32
        %dma_start3A_488 = arith.constant 0 : i32
        %dma_start3A_489 = tpu.memref_slice %arg6[%dma_start3A_485, %dma_start3A_486, %dma_start3A_487, %dma_start3A_488] : memref<2x7x32x128xf32, #tpu.memory_space<vmem>> -> memref<1x1x32x128xf32, #tpu.memory_space<vmem>>
        %dma_start3A_490 = tpu.memref_squeeze %dma_start3A_489 : memref<1x1x32x128xf32, #tpu.memory_space<vmem>> -> memref<32x128xf32, #tpu.memory_space<vmem>>
        %dma_start3A_491 = tpu.memref_slice %arg5[%dma_start3A_484, %multiple_of3A_471] : memref<7x512xi32, #tpu.memory_space<vmem>> -> memref<1x32xi32, #tpu.memory_space<vmem>>
        %dma_start3A_492 = tpu.memref_squeeze %dma_start3A_491 : memref<1x32xi32, #tpu.memory_space<vmem>> -> memref<32xi32, #tpu.memory_space<vmem>>
        %dma_start3A_493 = arith.constant 0 : i32
        %dma_start3A_494 = arith.constant 0 : i32
        %dma_start3A_495 = tpu.memref_slice %arg2[%dma_start3A_493, %dma_start3A_494] : memref<120000x128xf32, #tpu.memory_space<hbm>> -> memref<120000x128xf32, #tpu.memory_space<hbm>>
        tpu.enqueue_indirect_dma source(%dma_start3A_495 : memref<120000x128xf32, #tpu.memory_space<hbm>>) target(%dma_start3A_490 : memref<32x128xf32, #tpu.memory_space<vmem>>) offsets(%dma_start3A_492 : memref<32xi32, #tpu.memory_space<vmem>>) semaphore(%arg9 : memref<!tpu.dma_semaphore, #tpu.memory_space<semaphore_mem>>)
        %dma_start3A_496 = arith.constant 2 : i32
        %dma_start3A_497 = arith.constant 1 : i32
        %dma_start3A_498 = arith.constant 2 : i32
        %dma_start3A_499 = arith.constant 0 : i32
        %dma_start3A_500 = arith.constant 0 : i32
        %dma_start3A_501 = tpu.memref_slice %arg6[%dma_start3A_497, %dma_start3A_498, %dma_start3A_499, %dma_start3A_500] : memref<2x7x32x128xf32, #tpu.memory_space<vmem>> -> memref<1x1x32x128xf32, #tpu.memory_space<vmem>>
        %dma_start3A_502 = tpu.memref_squeeze %dma_start3A_501 : memref<1x1x32x128xf32, #tpu.memory_space<vmem>> -> memref<32x128xf32, #tpu.memory_space<vmem>>
        %dma_start3A_503 = tpu.memref_slice %arg5[%dma_start3A_496, %multiple_of3A_471] : memref<7x512xi32, #tpu.memory_space<vmem>> -> memref<1x32xi32, #tpu.memory_space<vmem>>
        %dma_start3A_504 = tpu.memref_squeeze %dma_start3A_503 : memref<1x32xi32, #tpu.memory_space<vmem>> -> memref<32xi32, #tpu.memory_space<vmem>>
        %dma_start3A_505 = arith.constant 0 : i32
        %dma_start3A_506 = arith.constant 0 : i32
        %dma_start3A_507 = tpu.memref_slice %arg2[%dma_start3A_505, %dma_start3A_506] : memref<120000x128xf32, #tpu.memory_space<hbm>> -> memref<120000x128xf32, #tpu.memory_space<hbm>>
        tpu.enqueue_indirect_dma source(%dma_start3A_507 : memref<120000x128xf32, #tpu.memory_space<hbm>>) target(%dma_start3A_502 : memref<32x128xf32, #tpu.memory_space<vmem>>) offsets(%dma_start3A_504 : memref<32xi32, #tpu.memory_space<vmem>>) semaphore(%arg9 : memref<!tpu.dma_semaphore, #tpu.memory_space<semaphore_mem>>)
        %dma_start3A_508 = arith.constant 3 : i32
        %dma_start3A_509 = arith.constant 1 : i32
        %dma_start3A_510 = arith.constant 3 : i32
        %dma_start3A_511 = arith.constant 0 : i32
        %dma_start3A_512 = arith.constant 0 : i32
        %dma_start3A_513 = tpu.memref_slice %arg6[%dma_start3A_509, %dma_start3A_510, %dma_start3A_511, %dma_start3A_512] : memref<2x7x32x128xf32, #tpu.memory_space<vmem>> -> memref<1x1x32x128xf32, #tpu.memory_space<vmem>>
        %dma_start3A_514 = tpu.memref_squeeze %dma_start3A_513 : memref<1x1x32x128xf32, #tpu.memory_space<vmem>> -> memref<32x128xf32, #tpu.memory_space<vmem>>
        %dma_start3A_515 = tpu.memref_slice %arg5[%dma_start3A_508, %multiple_of3A_471] : memref<7x512xi32, #tpu.memory_space<vmem>> -> memref<1x32xi32, #tpu.memory_space<vmem>>
        %dma_start3A_516 = tpu.memref_squeeze %dma_start3A_515 : memref<1x32xi32, #tpu.memory_space<vmem>> -> memref<32xi32, #tpu.memory_space<vmem>>
        %dma_start3A_517 = arith.constant 0 : i32
        %dma_start3A_518 = arith.constant 0 : i32
        %dma_start3A_519 = tpu.memref_slice %arg2[%dma_start3A_517, %dma_start3A_518] : memref<120000x128xf32, #tpu.memory_space<hbm>> -> memref<120000x128xf32, #tpu.memory_space<hbm>>
        tpu.enqueue_indirect_dma source(%dma_start3A_519 : memref<120000x128xf32, #tpu.memory_space<hbm>>) target(%dma_start3A_514 : memref<32x128xf32, #tpu.memory_space<vmem>>) offsets(%dma_start3A_516 : memref<32xi32, #tpu.memory_space<vmem>>) semaphore(%arg9 : memref<!tpu.dma_semaphore, #tpu.memory_space<semaphore_mem>>)
        %dma_start3A_520 = arith.constant 4 : i32
        %dma_start3A_521 = arith.constant 1 : i32
        %dma_start3A_522 = arith.constant 4 : i32
        %dma_start3A_523 = arith.constant 0 : i32
        %dma_start3A_524 = arith.constant 0 : i32
        %dma_start3A_525 = tpu.memref_slice %arg6[%dma_start3A_521, %dma_start3A_522, %dma_start3A_523, %dma_start3A_524] : memref<2x7x32x128xf32, #tpu.memory_space<vmem>> -> memref<1x1x32x128xf32, #tpu.memory_space<vmem>>
        %dma_start3A_526 = tpu.memref_squeeze %dma_start3A_525 : memref<1x1x32x128xf32, #tpu.memory_space<vmem>> -> memref<32x128xf32, #tpu.memory_space<vmem>>
        %dma_start3A_527 = tpu.memref_slice %arg5[%dma_start3A_520, %multiple_of3A_471] : memref<7x512xi32, #tpu.memory_space<vmem>> -> memref<1x32xi32, #tpu.memory_space<vmem>>
        %dma_start3A_528 = tpu.memref_squeeze %dma_start3A_527 : memref<1x32xi32, #tpu.memory_space<vmem>> -> memref<32xi32, #tpu.memory_space<vmem>>
        %dma_start3A_529 = arith.constant 0 : i32
        %dma_start3A_530 = arith.constant 0 : i32
        %dma_start3A_531 = tpu.memref_slice %arg2[%dma_start3A_529, %dma_start3A_530] : memref<120000x128xf32, #tpu.memory_space<hbm>> -> memref<120000x128xf32, #tpu.memory_space<hbm>>
        tpu.enqueue_indirect_dma source(%dma_start3A_531 : memref<120000x128xf32, #tpu.memory_space<hbm>>) target(%dma_start3A_526 : memref<32x128xf32, #tpu.memory_space<vmem>>) offsets(%dma_start3A_528 : memref<32xi32, #tpu.memory_space<vmem>>) semaphore(%arg9 : memref<!tpu.dma_semaphore, #tpu.memory_space<semaphore_mem>>)
        %dma_start3A_532 = arith.constant 5 : i32
        %dma_start3A_533 = arith.constant 1 : i32
        %dma_start3A_534 = arith.constant 5 : i32
        %dma_start3A_535 = arith.constant 0 : i32
        %dma_start3A_536 = arith.constant 0 : i32
        %dma_start3A_537 = tpu.memref_slice %arg6[%dma_start3A_533, %dma_start3A_534, %dma_start3A_535, %dma_start3A_536] : memref<2x7x32x128xf32, #tpu.memory_space<vmem>> -> memref<1x1x32x128xf32, #tpu.memory_space<vmem>>
        %dma_start3A_538 = tpu.memref_squeeze %dma_start3A_537 : memref<1x1x32x128xf32, #tpu.memory_space<vmem>> -> memref<32x128xf32, #tpu.memory_space<vmem>>
        %dma_start3A_539 = tpu.memref_slice %arg5[%dma_start3A_532, %multiple_of3A_471] : memref<7x512xi32, #tpu.memory_space<vmem>> -> memref<1x32xi32, #tpu.memory_space<vmem>>
        %dma_start3A_540 = tpu.memref_squeeze %dma_start3A_539 : memref<1x32xi32, #tpu.memory_space<vmem>> -> memref<32xi32, #tpu.memory_space<vmem>>
        %dma_start3A_541 = arith.constant 0 : i32
        %dma_start3A_542 = arith.constant 0 : i32
        %dma_start3A_543 = tpu.memref_slice %arg2[%dma_start3A_541, %dma_start3A_542] : memref<120000x128xf32, #tpu.memory_space<hbm>> -> memref<120000x128xf32, #tpu.memory_space<hbm>>
        tpu.enqueue_indirect_dma source(%dma_start3A_543 : memref<120000x128xf32, #tpu.memory_space<hbm>>) target(%dma_start3A_538 : memref<32x128xf32, #tpu.memory_space<vmem>>) offsets(%dma_start3A_540 : memref<32xi32, #tpu.memory_space<vmem>>) semaphore(%arg9 : memref<!tpu.dma_semaphore, #tpu.memory_space<semaphore_mem>>)
        %dma_start3A_544 = arith.constant 6 : i32
        %dma_start3A_545 = arith.constant 1 : i32
        %dma_start3A_546 = arith.constant 6 : i32
        %dma_start3A_547 = arith.constant 0 : i32
        %dma_start3A_548 = arith.constant 0 : i32
        %dma_start3A_549 = tpu.memref_slice %arg6[%dma_start3A_545, %dma_start3A_546, %dma_start3A_547, %dma_start3A_548] : memref<2x7x32x128xf32, #tpu.memory_space<vmem>> -> memref<1x1x32x128xf32, #tpu.memory_space<vmem>>
        %dma_start3A_550 = tpu.memref_squeeze %dma_start3A_549 : memref<1x1x32x128xf32, #tpu.memory_space<vmem>> -> memref<32x128xf32, #tpu.memory_space<vmem>>
        %dma_start3A_551 = tpu.memref_slice %arg5[%dma_start3A_544, %multiple_of3A_471] : memref<7x512xi32, #tpu.memory_space<vmem>> -> memref<1x32xi32, #tpu.memory_space<vmem>>
        %dma_start3A_552 = tpu.memref_squeeze %dma_start3A_551 : memref<1x32xi32, #tpu.memory_space<vmem>> -> memref<32xi32, #tpu.memory_space<vmem>>
        %dma_start3A_553 = arith.constant 0 : i32
        %dma_start3A_554 = arith.constant 0 : i32
        %dma_start3A_555 = tpu.memref_slice %arg2[%dma_start3A_553, %dma_start3A_554] : memref<120000x128xf32, #tpu.memory_space<hbm>> -> memref<120000x128xf32, #tpu.memory_space<hbm>>
        tpu.enqueue_indirect_dma source(%dma_start3A_555 : memref<120000x128xf32, #tpu.memory_space<hbm>>) target(%dma_start3A_550 : memref<32x128xf32, #tpu.memory_space<vmem>>) offsets(%dma_start3A_552 : memref<32xi32, #tpu.memory_space<vmem>>) semaphore(%arg9 : memref<!tpu.dma_semaphore, #tpu.memory_space<semaphore_mem>>)
      } else {
      }
      %scan3A_466 = arith.constant 0 : i32
      scf.yield %scan3A_466 : i32
    }
    %scan3A_180 = arith.constant 8 : i32
    %dma_wait3A = arith.constant 0 : i32
    %dma_wait3A_181 = arith.constant 0 : i32
    %dma_wait3A_182 = arith.constant 0 : i32
    %dma_wait3A_183 = tpu.memref_slice %arg7[%dma_wait3A, %dma_wait3A_181, %dma_wait3A_182] : memref<2x32x64xf32, #tpu.memory_space<vmem>> -> memref<1x32x64xf32, #tpu.memory_space<vmem>>
    %dma_wait3A_184 = tpu.memref_squeeze %dma_wait3A_183 : memref<1x32x64xf32, #tpu.memory_space<vmem>> -> memref<32x64xf32, #tpu.memory_space<vmem>>
    %dma_wait3A_185 = arith.constant 0 : i32
    %dma_wait3A_186 = arith.constant 0 : i32
    %dma_wait3A_187 = tpu.memref_slice %arg4[%dma_wait3A_185, %dma_wait3A_186] : memref<16384x64xf32, #tpu.memory_space<hbm>> -> memref<32x64xf32, #tpu.memory_space<hbm>>
    %dma_wait3A_188 = arith.constant 0 : i32
    %dma_wait3A_189 = arith.constant 0 : i32
    %dma_wait3A_190 = tpu.memref_slice %arg4[%dma_wait3A_188, %dma_wait3A_189] : memref<16384x64xf32, #tpu.memory_space<hbm>> -> memref<32x64xf32, #tpu.memory_space<hbm>>
    %dma_wait3A_191 = arith.constant 0 : i32
    %dma_wait3A_192 = arith.constant 0 : i32
    %dma_wait3A_193 = tpu.memref_slice %arg7[%dma_wait3A, %dma_wait3A_191, %dma_wait3A_192] : memref<2x32x64xf32, #tpu.memory_space<vmem>> -> memref<1x32x64xf32, #tpu.memory_space<vmem>>
    %dma_wait3A_194 = tpu.memref_squeeze %dma_wait3A_193 : memref<1x32x64xf32, #tpu.memory_space<vmem>> -> memref<32x64xf32, #tpu.memory_space<vmem>>
    tpu.wait_dma2 semaphore(%arg10 : memref<!tpu.dma_semaphore, #tpu.memory_space<semaphore_mem>>) src(%dma_wait3A_194 : memref<32x64xf32, #tpu.memory_space<vmem>>) dst(%dma_wait3A_190 : memref<32x64xf32, #tpu.memory_space<hbm>>)
    %dma_wait3A_195 = arith.constant 1 : i32
    %dma_wait3A_196 = arith.constant 0 : i32
    %dma_wait3A_197 = arith.constant 0 : i32
    %dma_wait3A_198 = tpu.memref_slice %arg7[%dma_wait3A_195, %dma_wait3A_196, %dma_wait3A_197] : memref<2x32x64xf32, #tpu.memory_space<vmem>> -> memref<1x32x64xf32, #tpu.memory_space<vmem>>
    %dma_wait3A_199 = tpu.memref_squeeze %dma_wait3A_198 : memref<1x32x64xf32, #tpu.memory_space<vmem>> -> memref<32x64xf32, #tpu.memory_space<vmem>>
    %dma_wait3A_200 = arith.constant 0 : i32
    %dma_wait3A_201 = arith.constant 0 : i32
    %dma_wait3A_202 = tpu.memref_slice %arg4[%dma_wait3A_200, %dma_wait3A_201] : memref<16384x64xf32, #tpu.memory_space<hbm>> -> memref<32x64xf32, #tpu.memory_space<hbm>>
    %dma_wait3A_203 = arith.constant 0 : i32
    %dma_wait3A_204 = arith.constant 0 : i32
    %dma_wait3A_205 = tpu.memref_slice %arg4[%dma_wait3A_203, %dma_wait3A_204] : memref<16384x64xf32, #tpu.memory_space<hbm>> -> memref<32x64xf32, #tpu.memory_space<hbm>>
    %dma_wait3A_206 = arith.constant 0 : i32
    %dma_wait3A_207 = arith.constant 0 : i32
    %dma_wait3A_208 = tpu.memref_slice %arg7[%dma_wait3A_195, %dma_wait3A_206, %dma_wait3A_207] : memref<2x32x64xf32, #tpu.memory_space<vmem>> -> memref<1x32x64xf32, #tpu.memory_space<vmem>>
    %dma_wait3A_209 = tpu.memref_squeeze %dma_wait3A_208 : memref<1x32x64xf32, #tpu.memory_space<vmem>> -> memref<32x64xf32, #tpu.memory_space<vmem>>
    tpu.wait_dma2 semaphore(%arg11 : memref<!tpu.dma_semaphore, #tpu.memory_space<semaphore_mem>>) src(%dma_wait3A_209 : memref<32x64xf32, #tpu.memory_space<vmem>>) dst(%dma_wait3A_205 : memref<32x64xf32, #tpu.memory_space<hbm>>)
    return
  }
}

module attributes {stable_mosaic.version = 14 : i64} {
  func.func @_lsmooth_body(%arg0: i32, %arg1: memref<12x2000x128xf32, #tpu.memory_space<vmem>>, %arg2: memref<1x1xf32, #tpu.memory_space<vmem>>) attributes {dimension_semantics = [#tpu.dimension_semantics<arbitrary>], iteration_bounds = array<i64: 5>, scalar_prefetch = 0 : i64, scratch_operands = 0 : i64, tpu.core_type = #tpu.core_type<tc>, window_params = [{transform_indices = @transform_0, window_bounds = array<i64: 12, 2000, 128>}, {pipeline_mode = #tpu.pipeline_mode<synchronous>, transform_indices = @transform_1, window_bounds = array<i64: 1, 1>}]} {
    %get3A = arith.constant 1 : index
    %get3A_0 = arith.constant 0 : index
    %get3A_1 = arith.constant 0 : index
    %get3A_2 = vector.load %arg1[%get3A, %get3A_0, %get3A_1] : memref<12x2000x128xf32, #tpu.memory_space<vmem>>, vector<11x2000x128xf32>
    %get3A_3 = arith.constant 0 : index
    %get3A_4 = arith.constant 0 : index
    %get3A_5 = arith.constant 0 : index
    %get3A_6 = vector.load %arg1[%get3A_3, %get3A_4, %get3A_5] : memref<12x2000x128xf32, #tpu.memory_space<vmem>>, vector<11x2000x128xf32>
    %sub3A = arith.subf %get3A_2, %get3A_6 : vector<11x2000x128xf32>
    %mul3A = arith.mulf %sub3A, %sub3A : vector<11x2000x128xf32>
    %reduce_sum3A = vector.shape_cast %mul3A : vector<11x2000x128xf32> to vector<1x11x2000x128xf32>
    %reduce_sum3A_7 = arith.constant dense<0.000000e+00> : vector<1xf32>
    %reduce_sum3A_8 = vector.multi_reduction <add>, %reduce_sum3A, %reduce_sum3A_7 [1, 2, 3] : vector<1x11x2000x128xf32> to vector<1xf32>
    %reduce_sum3A_9 = vector.shape_cast %reduce_sum3A_8 : vector<1xf32> to vector<1x1x1x1xf32>
    %reduce_sum3A_10 = vector.extract %reduce_sum3A_9[0, 0, 0, 0] : f32 from vector<1x1x1x1xf32>
    %eq3A = arith.constant 0 : i32
    %eq3A_11 = arith.cmpi eq, %arg0, %eq3A : i32
    %convert_element_type3A = arith.extui %eq3A_11 : i1 to i32
    %cond3A = arith.constant 0 : i32
    %cond3A_12 = arith.cmpi ne, %convert_element_type3A, %cond3A : i32
    scf.if %cond3A_12 {
      %broadcast_in_dim3A = arith.constant 0.000000e+00 : f32
      %broadcast_in_dim3A_18 = vector.broadcast %broadcast_in_dim3A : f32 to vector<1x1xf32>
      %swap3A_19 = arith.constant 0 : index
      %swap3A_20 = arith.constant 0 : index
      %swap3A_21 = vector.load %arg2[%swap3A_19, %swap3A_20] : memref<1x1xf32, #tpu.memory_space<vmem>>, vector<1x1xf32>
      tpu.vector_store %arg2[%swap3A_19, %swap3A_20], %broadcast_in_dim3A_18 {strides = array<i32>} : memref<1x1xf32, #tpu.memory_space<vmem>>, vector<1x1xf32>,
    } else {
    }
    %get3A_13 = arith.constant 0 : index
    %get3A_14 = arith.constant 0 : index
    %get3A_15 = vector.load %arg2[%get3A_13, %get3A_14] : memref<1x1xf32, #tpu.memory_space<vmem>>, vector<1x1xf32>
    %reshape3A = vector.broadcast %reduce_sum3A_10 : f32 to vector<1x1xf32>
    %add3A = arith.addf %get3A_15, %reshape3A : vector<1x1xf32>
    %swap3A = arith.constant 0 : index
    %swap3A_16 = arith.constant 0 : index
    %swap3A_17 = vector.load %arg2[%swap3A, %swap3A_16] : memref<1x1xf32, #tpu.memory_space<vmem>>, vector<1x1xf32>
    tpu.vector_store %arg2[%swap3A, %swap3A_16], %add3A {strides = array<i32>} : memref<1x1xf32, #tpu.memory_space<vmem>>, vector<1x1xf32>,
    return
  }
  func.func @transform_0(%arg0: i32) -> (i32, i32, i32) {
    %c0_i32 = arith.constant 0 : i32
    %c0_i32_0 = arith.constant 0 : i32
    %c0_i32_1 = arith.constant 0 : i32
    return %c0_i32, %arg0, %c0_i32_0 : i32, i32, i32
  }
  func.func @transform_1(%arg0: i32) -> (i32, i32) {
    %c0_i32 = arith.constant 0 : i32
    %c0_i32_0 = arith.constant 0 : i32
    %c0_i32_1 = arith.constant 0 : i32
    return %c0_i32, %c0_i32_0 : i32, i32
  }
}

module attributes {stable_mosaic.version = 14 : i64} {
  func.func @_combine_body(%arg0: i32, %arg1: memref<1x8192x64xf32, #tpu.memory_space<vmem>>, %arg2: memref<1x1x8192xf32, #tpu.memory_space<vmem>>, %arg3: memref<1x1x8192xf32, #tpu.memory_space<vmem>>, %arg4: memref<1x1x8192xf32, #tpu.memory_space<vmem>>, %arg5: memref<1x1x8192xf32, #tpu.memory_space<vmem>>, %arg6: memref<128x1xf32, #tpu.memory_space<vmem>>, %arg7: memref<1x1xf32, #tpu.memory_space<vmem>>, %arg8: memref<1x1xf32, #tpu.memory_space<vmem>>, %arg9: memref<1x1xf32, #tpu.memory_space<vmem>>) attributes {dimension_semantics = [#tpu.dimension_semantics<arbitrary>], iteration_bounds = array<i64: 2>, scalar_prefetch = 0 : i64, scratch_operands = 0 : i64, tpu.core_type = #tpu.core_type<tc>, window_params = [{transform_indices = @transform_0, window_bounds = array<i64: 1, 8192, 64>}, {transform_indices = @transform_1, window_bounds = array<i64: 1, 1, 8192>}, {transform_indices = @transform_2, window_bounds = array<i64: 1, 1, 8192>}, {transform_indices = @transform_3, window_bounds = array<i64: 1, 1, 8192>}, {transform_indices = @transform_4, window_bounds = array<i64: 1, 1, 8192>}, {pipeline_mode = #tpu.pipeline_mode<synchronous>, transform_indices = @transform_5, window_bounds = array<i64: 128, 1>}, {pipeline_mode = #tpu.pipeline_mode<synchronous>, transform_indices = @transform_6, window_bounds = array<i64: 1, 1>}, {pipeline_mode = #tpu.pipeline_mode<synchronous>, transform_indices = @transform_7, window_bounds = array<i64: 1, 1>}, {pipeline_mode = #tpu.pipeline_mode<synchronous>, transform_indices = @transform_8, window_bounds = array<i64: 1, 1>}]} {
    %get3A = arith.constant 0 : index
    %get3A_0 = arith.constant 0 : index
    %get3A_1 = arith.constant 0 : index
    %get3A_2 = vector.load %arg1[%get3A, %get3A_0, %get3A_1] : memref<1x8192x64xf32, #tpu.memory_space<vmem>>, vector<1x8192x64xf32>
    %get3A_3 = vector.shape_cast %get3A_2 : vector<1x8192x64xf32> to vector<8192x64xf32>
    %iota3A = tpu.iota {dimensions = array<i32: 0>} : vector<4x64xi32>
    %iota3A_4 = tpu.iota {dimensions = array<i32: 1>} : vector<4x64xi32>
    %jit3A = arith.constant 16 : i32
    %div3A = vector.broadcast %jit3A : i32 to vector<4x64xi32>
    %div3A_5 = arith.divsi %iota3A_4, %div3A : vector<4x64xi32>
    %sign3A = arith.constant 0 : i32
    %sign3A_6 = vector.broadcast %sign3A : i32 to vector<4x64xi32>
    %sign3A_7 = arith.cmpi sgt, %iota3A_4, %sign3A_6 : vector<4x64xi32>
    %sign3A_8 = arith.extui %sign3A_7 : vector<4x64xi1> to vector<4x64xi32>
    %sign3A_9 = arith.constant 0 : i32
    %sign3A_10 = vector.broadcast %sign3A_9 : i32 to vector<4x64xi32>
    %sign3A_11 = arith.cmpi slt, %iota3A_4, %sign3A_10 : vector<4x64xi32>
    %sign3A_12 = arith.extui %sign3A_11 : vector<4x64xi1> to vector<4x64xi32>
    %sign3A_13 = arith.subi %sign3A_8, %sign3A_12 : vector<4x64xi32>
    %sign3A_14 = arith.constant 0 : i32
    %sign3A_15 = arith.cmpi sgt, %jit3A, %sign3A_14 : i32
    %sign3A_16 = arith.extui %sign3A_15 : i1 to i32
    %sign3A_17 = arith.constant 0 : i32
    %sign3A_18 = arith.cmpi slt, %jit3A, %sign3A_17 : i32
    %sign3A_19 = arith.extui %sign3A_18 : i1 to i32
    %sign3A_20 = arith.subi %sign3A_16, %sign3A_19 : i32
    %ne3A = vector.broadcast %sign3A_20 : i32 to vector<4x64xi32>
    %ne3A_21 = arith.cmpi ne, %sign3A_13, %ne3A : vector<4x64xi32>
    %rem3A = vector.broadcast %jit3A : i32 to vector<4x64xi32>
    %rem3A_22 = arith.remsi %iota3A_4, %rem3A : vector<4x64xi32>
    %ne3A_23 = arith.constant 0 : i32
    %ne3A_24 = vector.broadcast %ne3A_23 : i32 to vector<4x64xi32>
    %ne3A_25 = arith.cmpi ne, %rem3A_22, %ne3A_24 : vector<4x64xi32>
    %and3A = arith.andi %ne3A_21, %ne3A_25 : vector<4x64xi1>
    %sub3A = arith.constant 1 : i32
    %sub3A_26 = vector.broadcast %sub3A : i32 to vector<4x64xi32>
    %sub3A_27 = arith.subi %div3A_5, %sub3A_26 : vector<4x64xi32>
    %select_n3A = arith.select %and3A, %sub3A_27, %div3A_5 : vector<4x64xi1>, vector<4x64xi32>
    %eq3A = arith.cmpi eq, %select_n3A, %iota3A : vector<4x64xi32>
    %jit3A_28 = arith.constant 1.000000e+00 : f32
    %jit3A_29 = arith.constant 0.000000e+00 : f32
    %broadcast_in_dim3A = vector.broadcast %jit3A_28 : f32 to vector<4x64xf32>
    %broadcast_in_dim3A_30 = vector.broadcast %jit3A_29 : f32 to vector<4x64xf32>
    %select_n3A_31 = arith.select %eq3A, %broadcast_in_dim3A, %broadcast_in_dim3A_30 : vector<4x64xi1>, vector<4x64xf32>
    %dot_general3A = arith.constant dense<0.000000e+00> : vector<4x8192xf32>
    %dot_general3A_32 = tpu.matmul %select_n3A_31, %get3A_3, %dot_general3A {dimension_numbers = #tpu.dot_dimension_numbers<[1], [1], [0], [0], [0, 0, 1, 0], [], []>, transpose_lhs_hint = false} : vector<4x64xf32>, vector<8192x64xf32>, vector<4x8192xf32> -> vector<4x8192xf32>
    %slice3A = vector.extract_strided_slice %dot_general3A_32 {offsets = [0, 0], sizes = [1, 8192], strides = [1, 1]} : vector<4x8192xf32> to vector<1x8192xf32>
    %squeeze3A = vector.shape_cast %slice3A : vector<1x8192xf32> to vector<8192xf32>
    %slice3A_33 = vector.extract_strided_slice %dot_general3A_32 {offsets = [1, 0], sizes = [1, 8192], strides = [1, 1]} : vector<4x8192xf32> to vector<1x8192xf32>
    %squeeze3A_34 = vector.shape_cast %slice3A_33 : vector<1x8192xf32> to vector<8192xf32>
    %slice3A_35 = vector.extract_strided_slice %dot_general3A_32 {offsets = [2, 0], sizes = [1, 8192], strides = [1, 1]} : vector<4x8192xf32> to vector<1x8192xf32>
    %squeeze3A_36 = vector.shape_cast %slice3A_35 : vector<1x8192xf32> to vector<8192xf32>
    %slice3A_37 = vector.extract_strided_slice %dot_general3A_32 {offsets = [3, 0], sizes = [1, 8192], strides = [1, 1]} : vector<4x8192xf32> to vector<1x8192xf32>
    %squeeze3A_38 = vector.shape_cast %slice3A_37 : vector<1x8192xf32> to vector<8192xf32>
    %sub3A_39 = arith.subf %squeeze3A, %squeeze3A_34 : vector<8192xf32>
    %add3A = arith.constant 1.000000e+00 : f32
    %add3A_40 = vector.broadcast %add3A : f32 to vector<8192xf32>
    %add3A_41 = arith.addf %sub3A_39, %add3A_40 : vector<8192xf32>
    %max3A = arith.constant 0.000000e+00 : f32
    %max3A_42 = vector.broadcast %max3A : f32 to vector<8192xf32>
    %max3A_43 = arith.maximumf %add3A_41, %max3A_42 : vector<8192xf32>
    %get3A_44 = arith.constant 0 : index
    %get3A_45 = arith.constant 0 : index
    %get3A_46 = arith.constant 0 : index
    %get3A_47 = vector.load %arg2[%get3A_44, %get3A_45, %get3A_46] : memref<1x1x8192xf32, #tpu.memory_space<vmem>>, vector<1x1x8192xf32>
    %get3A_48 = vector.shape_cast %get3A_47 : vector<1x1x8192xf32> to vector<8192xf32>
    %mul3A = arith.mulf %max3A_43, %get3A_48 : vector<8192xf32>
    %reduce_sum3A = vector.shape_cast %mul3A : vector<8192xf32> to vector<1x8192xf32>
    %reduce_sum3A_49 = arith.constant dense<0.000000e+00> : vector<1xf32>
    %reduce_sum3A_50 = vector.multi_reduction <add>, %reduce_sum3A, %reduce_sum3A_49 [1] : vector<1x8192xf32> to vector<1xf32>
    %reduce_sum3A_51 = vector.shape_cast %reduce_sum3A_50 : vector<1xf32> to vector<1x1xf32>
    %reduce_sum3A_52 = vector.extract %reduce_sum3A_51[0, 0] : f32 from vector<1x1xf32>
    %get3A_53 = arith.constant 0 : index
    %get3A_54 = arith.constant 0 : index
    %get3A_55 = arith.constant 0 : index
    %get3A_56 = vector.load %arg4[%get3A_53, %get3A_54, %get3A_55] : memref<1x1x8192xf32, #tpu.memory_space<vmem>>, vector<1x1x8192xf32>
    %get3A_57 = vector.shape_cast %get3A_56 : vector<1x1x8192xf32> to vector<8192xf32>
    %mul3A_58 = arith.mulf %get3A_57, %squeeze3A_36 : vector<8192xf32>
    %get3A_59 = arith.constant 0 : index
    %get3A_60 = arith.constant 0 : index
    %get3A_61 = arith.constant 0 : index
    %get3A_62 = vector.load %arg5[%get3A_59, %get3A_60, %get3A_61] : memref<1x1x8192xf32, #tpu.memory_space<vmem>>, vector<1x1x8192xf32>
    %get3A_63 = vector.shape_cast %get3A_62 : vector<1x1x8192xf32> to vector<8192xf32>
    %mul3A_64 = arith.mulf %get3A_63, %squeeze3A_38 : vector<8192xf32>
    %add3A_65 = arith.addf %mul3A_58, %mul3A_64 : vector<8192xf32>
    %get3A_66 = arith.constant 0 : index
    %get3A_67 = arith.constant 0 : index
    %get3A_68 = vector.load %arg6[%get3A_66, %get3A_67] : memref<128x1xf32, #tpu.memory_space<vmem>>, vector<128x1xf32>
    %broadcast_in_dim3A_69 = vector.shape_cast %add3A_65 : vector<8192xf32> to vector<1x8192xf32>
    %mul3A_70 = vector.broadcast %get3A_68 : vector<128x1xf32> to vector<128x8192xf32>
    %mul3A_71 = vector.broadcast %broadcast_in_dim3A_69 : vector<1x8192xf32> to vector<128x8192xf32>
    %mul3A_72 = arith.mulf %mul3A_70, %mul3A_71 : vector<128x8192xf32>
    %get3A_73 = arith.constant 0 : index
    %get3A_74 = arith.constant 0 : index
    %get3A_75 = vector.load %arg7[%get3A_73, %get3A_74] : memref<1x1xf32, #tpu.memory_space<vmem>>, vector<1x1xf32>
    %get3A_76 = vector.extract %get3A_75[0, 0] : f32 from vector<1x1xf32>
    %add3A_77 = vector.broadcast %get3A_76 : f32 to vector<128x8192xf32>
    %add3A_78 = arith.addf %mul3A_72, %add3A_77 : vector<128x8192xf32>
    %jit3A_79 = arith.constant -5.000000e+01 : f32
    %jit3A_80 = arith.constant 5.000000e+01 : f32
    %max3A_81 = vector.broadcast %jit3A_79 : f32 to vector<128x8192xf32>
    %max3A_82 = arith.maximumf %max3A_81, %add3A_78 : vector<128x8192xf32>
    %min3A = vector.broadcast %jit3A_80 : f32 to vector<128x8192xf32>
    %min3A_83 = arith.minimumf %min3A, %max3A_82 : vector<128x8192xf32>
    %neg3A = arith.constant 0.000000e+00 : f32
    %neg3A_84 = vector.broadcast %neg3A : f32 to vector<128x8192xf32>
    %neg3A_85 = arith.subf %neg3A_84, %min3A_83 : vector<128x8192xf32>
    %exp3A = math.exp %neg3A_85 : vector<128x8192xf32>
    %add3A_86 = arith.constant 1.000000e+00 : f32
    %add3A_87 = vector.broadcast %add3A_86 : f32 to vector<128x8192xf32>
    %add3A_88 = arith.addf %add3A_87, %exp3A : vector<128x8192xf32>
    %log3A = math.log %add3A_88 : vector<128x8192xf32>
    %get3A_89 = arith.constant 0 : index
    %get3A_90 = arith.constant 0 : index
    %get3A_91 = arith.constant 0 : index
    %get3A_92 = vector.load %arg3[%get3A_89, %get3A_90, %get3A_91] : memref<1x1x8192xf32, #tpu.memory_space<vmem>>, vector<1x1x8192xf32>
    %get3A_93 = vector.shape_cast %get3A_92 : vector<1x1x8192xf32> to vector<8192xf32>
    %broadcast_in_dim3A_94 = vector.shape_cast %get3A_93 : vector<8192xf32> to vector<1x8192xf32>
    %mul3A_95 = vector.broadcast %broadcast_in_dim3A_94 : vector<1x8192xf32> to vector<128x8192xf32>
    %mul3A_96 = arith.mulf %mul3A_95, %min3A_83 : vector<128x8192xf32>
    %add3A_97 = arith.addf %mul3A_96, %log3A : vector<128x8192xf32>
    %reduce_sum3A_98 = vector.shape_cast %add3A_97 : vector<128x8192xf32> to vector<1x128x8192xf32>
    %reduce_sum3A_99 = arith.constant dense<0.000000e+00> : vector<1xf32>
    %reduce_sum3A_100 = vector.multi_reduction <add>, %reduce_sum3A_98, %reduce_sum3A_99 [1, 2] : vector<1x128x8192xf32> to vector<1xf32>
    %reduce_sum3A_101 = vector.shape_cast %reduce_sum3A_100 : vector<1xf32> to vector<1x1x1xf32>
    %reduce_sum3A_102 = vector.extract %reduce_sum3A_101[0, 0, 0] : f32 from vector<1x1x1xf32>
    %eq3A_103 = arith.constant 0 : i32
    %eq3A_104 = arith.cmpi eq, %arg0, %eq3A_103 : i32
    %convert_element_type3A = arith.extui %eq3A_104 : i1 to i32
    %cond3A = arith.constant 0 : i32
    %cond3A_105 = arith.cmpi ne, %convert_element_type3A, %cond3A : i32
    scf.if %cond3A_105 {
      %get3A_117 = arith.constant 0 : index
      %get3A_118 = arith.constant 0 : index
      %get3A_119 = vector.load %arg8[%get3A_117, %get3A_118] : memref<1x1xf32, #tpu.memory_space<vmem>>, vector<1x1xf32>
      %div3A_120 = arith.constant 1.100000e+05 : f32
      %div3A_121 = vector.broadcast %div3A_120 : f32 to vector<1x1xf32>
      %div3A_122 = arith.divf %get3A_119, %div3A_121 : vector<1x1xf32>
      %swap3A_123 = arith.constant 0 : index
      %swap3A_124 = arith.constant 0 : index
      %swap3A_125 = vector.load %arg9[%swap3A_123, %swap3A_124] : memref<1x1xf32, #tpu.memory_space<vmem>>, vector<1x1xf32>
      tpu.vector_store %arg9[%swap3A_123, %swap3A_124], %div3A_122 {strides = array<i32>} : memref<1x1xf32, #tpu.memory_space<vmem>>, vector<1x1xf32>,
    } else {
    }
    %get3A_106 = arith.constant 0 : index
    %get3A_107 = arith.constant 0 : index
    %get3A_108 = vector.load %arg9[%get3A_106, %get3A_107] : memref<1x1xf32, #tpu.memory_space<vmem>>, vector<1x1xf32>
    %div3A_109 = arith.constant 1.638400e+04 : f32
    %div3A_110 = arith.divf %reduce_sum3A_52, %div3A_109 : f32
    %div3A_111 = arith.constant 0x4A000000 : f32
    %div3A_112 = arith.divf %reduce_sum3A_102, %div3A_111 : f32
    %add3A_113 = arith.addf %div3A_110, %div3A_112 : f32
    %reshape3A = vector.broadcast %add3A_113 : f32 to vector<1x1xf32>
    %add3A_114 = arith.addf %get3A_108, %reshape3A : vector<1x1xf32>
    %swap3A = arith.constant 0 : index
    %swap3A_115 = arith.constant 0 : index
    %swap3A_116 = vector.load %arg9[%swap3A, %swap3A_115] : memref<1x1xf32, #tpu.memory_space<vmem>>, vector<1x1xf32>
    tpu.vector_store %arg9[%swap3A, %swap3A_115], %add3A_114 {strides = array<i32>} : memref<1x1xf32, #tpu.memory_space<vmem>>, vector<1x1xf32>,
    return
  }
  func.func @transform_0(%arg0: i32) -> (i32, i32, i32) {
    %c0_i32 = arith.constant 0 : i32
    %c0_i32_0 = arith.constant 0 : i32
    %c0_i32_1 = arith.constant 0 : i32
    return %arg0, %c0_i32, %c0_i32_0 : i32, i32, i32
  }
  func.func @transform_1(%arg0: i32) -> (i32, i32, i32) {
    %c0_i32 = arith.constant 0 : i32
    %c0_i32_0 = arith.constant 0 : i32
    %c0_i32_1 = arith.constant 0 : i32
    return %arg0, %c0_i32, %c0_i32_0 : i32, i32, i32
  }
  func.func @transform_2(%arg0: i32) -> (i32, i32, i32) {
    %c0_i32 = arith.constant 0 : i32
    %c0_i32_0 = arith.constant 0 : i32
    %c0_i32_1 = arith.constant 0 : i32
    return %arg0, %c0_i32, %c0_i32_0 : i32, i32, i32
  }
  func.func @transform_3(%arg0: i32) -> (i32, i32, i32) {
    %c0_i32 = arith.constant 0 : i32
    %c0_i32_0 = arith.constant 0 : i32
    %c0_i32_1 = arith.constant 0 : i32
    return %arg0, %c0_i32, %c0_i32_0 : i32, i32, i32
  }
  func.func @transform_4(%arg0: i32) -> (i32, i32, i32) {
    %c0_i32 = arith.constant 0 : i32
    %c0_i32_0 = arith.constant 0 : i32
    %c0_i32_1 = arith.constant 0 : i32
    return %arg0, %c0_i32, %c0_i32_0 : i32, i32, i32
  }
  func.func @transform_5(%arg0: i32) -> (i32, i32) {
    %c0_i32 = arith.constant 0 : i32
    %c0_i32_0 = arith.constant 0 : i32
    %c0_i32_1 = arith.constant 0 : i32
    return %c0_i32, %c0_i32_0 : i32, i32
  }
  func.func @transform_6(%arg0: i32) -> (i32, i32) {
    %c0_i32 = arith.constant 0 : i32
    %c0_i32_0 = arith.constant 0 : i32
    %c0_i32_1 = arith.constant 0 : i32
    return %c0_i32, %c0_i32_0 : i32, i32
  }
  func.func @transform_7(%arg0: i32) -> (i32, i32) {
    %c0_i32 = arith.constant 0 : i32
    %c0_i32_0 = arith.constant 0 : i32
    %c0_i32_1 = arith.constant 0 : i32
    return %c0_i32, %c0_i32_0 : i32, i32
  }
  func.func @transform_8(%arg0: i32) -> (i32, i32) {
    %c0_i32 = arith.constant 0 : i32
    %c0_i32_0 = arith.constant 0 : i32
    %c0_i32_1 = arith.constant 0 : i32
    return %c0_i32, %c0_i32_0 : i32, i32
  }
}

</mosaic_0001>

<sc_bundles>
// kernel: kernel.5.cloned.1.call-start
scs
__scs_entry_jumppad:
0x0: {  	(pc) =	sbr.rel $0x88, $3  }
0x1: {  	(tag) =	ssettag $0x0;
	lr =	simm.s32 $0x1  }
0x2: {  	[smem:$0x3F9A] =	sst lr;
	_ =	strace $0xD0000000  }
0x3: {  	_ = 	snop  }
0x4: {  	_ = 	snop  }
0x5: {  	_ = 	snop  }
0x6: {  	_ = 	snop  }
0x7: {  	_ = 	snop  }
__scs_overlays_trampoline_lowered:
0x8: {  	[smem:$0x3FA9] =	sst s0  }
0x9: {  	[smem:$0x3FAA] =	sst s1  }
0xa: {  	[smem:$0x3FAB] =	sst s2  }
0xb: {  	[smem:$0x3FAC] =	sst s3  }
0xc: {  	[smem:$0x3FAD] =	sst s4  }
0xd: {  	[smem:$0x3FAE] =	sst s5  }
0xe: {  	[smem:$0x3FAF] =	sst s6  }
0xf: {  	[smem:$0x3FB0] =	sst s7  }
0x10: {  	[smem:$0x3FB1] =	sst s8  }
0x11: {  	[smem:$0x3FB2] =	sst s9;
	s0 =	simm.s32 @!p0 $0x0  }
0x12: {  	s1 =	sld [smem:$0x3F98];
	s0 =	simm.s32 @p0 $0x1  }
0x13: {  	[smem:$0x3FB3] =	sst s0;
	s0 =	simm.s32 @!p1 $0x0  }
0x14: {  	s2 =	sld [smem:$0x3F97];
	s0 =	simm.s32 @p1 $0x1  }
0x15: {  	[smem:$0x3FB4] =	sst s0;
	s0 =	simm.s32 @!p2 $0x0  }
0x16: {  	s3 =	sld [smem:$0x3FDB];
	s0 =	simm.s32 @p2 $0x1  }
0x17: {  	s4 =	simm.s32 $0x1BF5;
	[smem:$0x3FB6] =	sst s0  }
0x18: {  	s0 =	sld [smem:$0x3F99];
	_ =	swait.ge [sflag:s4], $0x0  }
0x19: {  	s7 =	sld [smem:$0x3F9A]  }
0x1a: {  	s8 =	sadd.s32 $0xFFFFE003, lr  }
0x1b: {  	s9 =	sadd.s32 $0xFFFFFEF7, lr;
	s5 =	simm.s32 $0xFFFFFFFF;
	p2 =	slt.u32 s8, $0xFFFFF086  }
0x1c: {  	p1 =	slt.u32 s9, $0xF7A;
	s5 =	simm.s32 @!p2 $0x0  }
0x1d: {  	s5 =	simm.s32 @p1 $0x1;
	p0 =	seq.s32 s7, s2  }
0x1e: {  	s7 =	smul.u32 @!p0 $0xF7A, s2;
	p2 =	seq.s32 @!p0 s5, $0x0  }
0x1f: {  	s9 =	smul.u32 $0xF7A, s1;
	s8 =	simm.s32 @!p0 $0x1BF5;
	p2 =	por !p2, p0  }
0x20: {  	[sflag:s8] =	ssyncset.s32 @!p0 $0xFFFFF086;
	s6 =	sadd.s32 @!p0 s3, s7;
	s7 =	simm.s32 @!p0 $0x108  }
0x21: {  	s3 =	sadd.s32 s3, s9;
	s6 =	sadd.s32 @!p0 $0x88, s6;
	s7 =	simm.s32 @p2 $0x1082  }
0x22: {  	[simem:s7], [sflag:s8] =	dma.local @!p0 [hbm:s6], $0xF7A  }
0x23: {  	s9 =	sor.u32 $0xD0000000, s2;
	s6 =	simm.s32 $0x108;
	_ =	swait.ge @!p0 [sflag:s8], $0x0  }
0x24: {  	s3 =	sadd.s32 $0x88, s3;
	s6 =	simm.s32 @!p1 $0x1082;
	[sflag:s4] =	ssyncset.s32 $0xFFFFF086  }
0x25: {  	[simem:s6], [sflag:s4] =	dma.local [hbm:s3], $0xF7A  }
0x26: {  	[smem:$0x3F9A] =	sst s1;
	(tag) =	ssettag s2;
	_ =	strace s9  }
0x27: {  	s1 =	sld [smem:$0x3FAA]  }
0x28: {  	s2 =	sld [smem:$0x3FAB]  }
0x29: {  	s4 =	sld [smem:$0x3FAD]  }
0x2a: {  	p0 =	seq.s32 s5, $0x0;
	s5 =	sld [smem:$0x3FAE]  }
0x2b: {  	s6 =	sld [smem:$0x3FAF]  }
0x2c: {  	s7 =	sld [smem:$0x3FB0]  }
0x2d: {  	s3 =	simm.s32 $0x108;
	s8 =	sld [smem:$0x3FB1]  }
0x2e: {  	s3 =	simm.s32 @!p0 $0x1082;
	s9 =	sld [smem:$0x3FB2]  }
0x2f: {  	lr =	sadd.s32 s0, s3;
	s0 =	sld [smem:$0x3FA9]  }
0x30: {  	s3 =	sld [smem:$0x3FAC]  }
0x31: {  	[smem:$0x3FB5] =	sst s10  }
0x32: {  	s10 =	sld [smem:$0x3FB3];
	_ =	sdelay $0x3  }
0x33: {  	p0 =	seq.s32 s10, $0x1;
	s10 =	sld [smem:$0x3FB5];
	_ =	sdelay $0x3  }
0x34: {  	[smem:$0x3FB5] =	sst s10  }
0x35: {  	s10 =	sld [smem:$0x3FB4];
	_ =	sdelay $0x3  }
0x36: {  	p1 =	seq.s32 s10, $0x1;
	s10 =	sld [smem:$0x3FB5];
	_ =	sdelay $0x3  }
0x37: {  	[smem:$0x3FB5] =	sst s10  }
0x38: {  	s10 =	sld [smem:$0x3FB6]  }
0x39: {  	_ = 	snop;
	(pc) =	sbr.ind lr, $3  }
0x3a: {  	_ = 	snop  }
0x3b: {  	_ = 	snop  }
0x3c: {  	p2 =	seq.s32 s10, $0x1;
	s10 =	sld [smem:$0x3FB5]  }
0x3d: {  	_ =	shalt  }
0x3e: {  	_ =	shalt  }
0x3f: {  	_ =	shalt  }
0x40: {  	_ =	shalt  }
0x41: {  	_ =	shalt  }
0x42: {  	_ =	shalt  }
0x43: {  	_ =	shalt  }
0x44: {  	_ =	shalt  }
0x45: {  	_ =	shalt  }
0x46: {  	_ =	shalt  }
0x47: {  	_ =	shalt  }
0x48: {  	_ =	shalt  }
0x49: {  	_ =	shalt  }
0x4a: {  	_ =	shalt  }
0x4b: {  	_ =	shalt  }
0x4c: {  	_ =	shalt  }
0x4d: {  	_ =	shalt  }
0x4e: {  	_ =	shalt  }
0x4f: {  	_ =	shalt  }
0x50: {  	_ =	shalt  }
0x51: {  	_ =	shalt  }
0x52: {  	_ =	shalt  }
0x53: {  	_ =	shalt  }
0x54: {  	_ =	shalt  }
0x55: {  	_ =	shalt  }
0x56: {  	_ =	shalt  }
0x57: {  	_ =	shalt  }
0x58: {  	_ =	shalt  }
0x59: {  	_ =	shalt  }
0x5a: {  	_ =	shalt  }
0x5b: {  	_ =	shalt  }
0x5c: {  	_ =	shalt  }
0x5d: {  	_ =	shalt  }
0x5e: {  	_ =	shalt  }
0x5f: {  	_ =	shalt  }
0x60: {  	_ =	shalt  }
0x61: {  	_ =	shalt  }
0x62: {  	_ =	shalt  }
0x63: {  	_ =	shalt  }
0x64: {  	_ =	shalt  }
0x65: {  	_ =	shalt  }
0x66: {  	_ =	shalt  }
0x67: {  	_ =	shalt  }
0x68: {  	_ =	shalt  }
0x69: {  	_ =	shalt  }
0x6a: {  	_ =	shalt  }
0x6b: {  	_ =	shalt  }
0x6c: {  	_ =	shalt  }
0x6d: {  	_ =	shalt  }
0x6e: {  	_ =	shalt  }
0x6f: {  	_ =	shalt  }
0x70: {  	_ =	shalt  }
0x71: {  	_ =	shalt  }
0x72: {  	_ =	shalt  }
0x73: {  	_ =	shalt  }
0x74: {  	_ =	shalt  }
0x75: {  	_ =	shalt  }
0x76: {  	_ =	shalt  }
0x77: {  	_ =	shalt  }
0x78: {  	_ =	shalt  }
0x79: {  	_ =	shalt  }
0x7a: {  	_ =	shalt  }
0x7b: {  	_ =	shalt  }
0x7c: {  	_ =	shalt  }
0x7d: {  	_ =	shalt  }
0x7e: {  	_ =	shalt  }
0x7f: {  	_ =	shalt  }
0x80: {  	_ =	shalt  }
0x81: {  	_ =	shalt  }
0x82: {  	_ =	shalt  }
0x83: {  	_ =	shalt  }
0x84: {  	_ =	shalt  }
0x85: {  	_ =	shalt  }
0x86: {  	_ =	shalt  }
0x87: {  	_ =	shalt  }
.Lfunc_end0:
.L_simem_size_0:
called_computation_lowered:
.L_overlay_start_0:
0x88: {  	s2 =	sld [smem:$0x3FD9]  }
0x89: {  	s3 =	sld [smem:$0x3FFE];
	_ =	sdelay $0x1  }
0x8a: {  	s1 =	srdreg.scid  }
0x8b: {  	s0 =	sand.u32 $0x1, s1  }
0x8c: {  	s17 =	sshll.u32 s0, $0xA;
	s2 =	sadd.s32 s3, s2  }
0x8d: {  	s2 =	sadd.s32 s2, s17  }
0x8e: {  	[smem:$0x3FC1] =	sst s2  }
0x8f: {  	_ = 	snop  }
0x90: {  	s2 =	sld [smem:$0x3FC5];
	(tm) =	ssettm $0x1  }
0x91: {  	s18 =	sld [smem:$0x3FFB];
	_ =	sdelay $0x3  }
0x92: {  	_ =	strace s18  }
0x93: {  	s3 =	sld [smem:$0x3FFC];
	_ =	sdelay $0x3  }
0x94: {  	_ =	strace s3  }
0x95: {  	s3 =	sld [smem:$0x3FFD];
	_ =	sdelay $0x3  }
0x96: {  	_ =	strace s3  }
0x97: {  	_ =	strace $0x8FFFFFFF  }
0x98: {  	s19 =	sld [smem:$0x3FDB];
	_ =	sdelay $0x1  }
0x99: {  	s4 =	simm.s32 $_scs_section_size  }
0x9a: {  	s5 =	simm.s32 $_size__tile_overlayer_lowered;
	s6 =	simm.s32 $_tile_overlayer_lowered  }
0x9b: {  	s22 =	simm.s32 $0x1BFF;
	s21 =	sshll.u32 s6, $0x1;
	s3 =	sadd.s32 s4, s19  }
0x9c: {  	s7 =	simm.s32 $0x0;
	s20 =	sshll.u32 s5, $0x1;
	s5 =	sadd.s32 s21, s3  }
0x9d: {  	[timem:s7], [sflag:s22] =	dma.local [hbm:s5], s20  }
0x9e: {  	_ =	swait.ge [sflag:s22], s20  }
0x9f: {  	s4 =	ssub.s32 $0x0, s20;
	[sflag:s22] =	ssyncset.done $0x0  }
0xa0: {  	[sflag:s22] =	ssyncadd.s32 s4;
	_ =	sdelay $0x1  }
0xa1: {  	s23 =	simm.s32 $0x1B8B  }
0xa2: {  	_ =	swait.ge [sflag:s23], $0x1  }
0xa3: {  	[sflag:s23] =	ssyncset.done $0x0  }
0xa4: {  	s25 =	simm.s32 $0x1B8E;
	s24 =	sld [smem:$0x3FFE];
	[sflag:s23] =	ssyncadd.s32 $0xFFFFFFFF  }
0xa5: {  	s26 =	simm.s32 $execute0_lowered;
	[smem:$0x3FD2] =	sst s25  }
0xa6: {  	s5 =	sshll.u32 s26, $0x1;
	_ =	strace $0x80000046;
	[dreg:$0x1] =	wrdreg $0xFFFFFFFF  }
0xa7: {  	s28 =	simm.s32 $_size_execute0_lowered;
	s3 =	sadd.s32 s3, s5;
	[dreg:$0x0] =	wrdreg $0x0  }
0xa8: {  	s5 =	sshll.u32 s28, $0x1;
	[dreg:$0x2] =	wrdreg s3  }
0xa9: {  	[dreg:$0x3] =	wrdreg s5  }
0xaa: {  	[dreg:$0x4] =	wrdreg $0xC0  }
0xab: {  	_ =	task [dreg:s7], $0x5FFFF  }
0xac: {  	[dreg:$0x1] =	wrdreg $0xFFFFFFFF  }
0xad: {  	[dreg:$0x0] =	wrdreg $0x60  }
0xae: {  	[dreg:$0x2] =	wrdreg s2  }
0xaf: {  	[dreg:$0x3] =	wrdreg s24  }
0xb0: {  	[dreg:$0x4] =	wrdreg $0x9  }
0xb1: {  	_ =	task.clear_ibuf [dreg:s7], $0x5FFFF;
	_ =	strace $0x90000046  }
0xb2: {  	s29 =	simm.s32 $0x9;
	_ =	strace $0x80000048  }
0xb3: {  	_ =	swait.ge [sflag:s29], $0x1  }
0xb4: {  	[sflag:s29] =	ssyncadd.s32 $0xFFFFFFFF  }
0xb5: {  	_ =	strace $0x90000048  }
0xb6: {  	_ =	sfence  }
0xb7: {  	s30 =	sld [smem:$0x0];
	_ =	sdelay $0x2  }
0xb8: {  	s31 =	sshll.u32 s1, $0xD;
	s1 =	sshrl.u32 s1, $0x2  }
0xb9: {  	s3 =	sand.u32 $0x4000, s31;
	s1 =	sadd.s32 s1, s30  }
0xba: {  	s0 =	sor.u32 s3, s0;
	s1 =	sshll.u32 s1, $0x11  }
0xbb: {  	s0 =	sor.u32 s1, s0  }
0xbc: {  	s0 =	sadd.s32 $0x8F2B, s0  }
0xbd: {  	[sflag:s0] =	ssyncadd.remote.s32 $0x1  }
0xbe: {  	_ =	sfence.sel $0xFFFF  }
0xbf: {  	[dreg:$0x0] =	wrdreg $0xFFFFFFFF;
	(pc) =	sbr.abs _section_cstart, $3  }
0xc0: {  	[dreg:$0x1] =	wrdreg $0xFFFFFFFF  }
0xc1: {  	_ =	task.clear_ibuf [dreg:s7], $0x2FFFF;
	_ =	strace $0x9FFFFFFF  }
0xc2: {  	(tm) =	ssettm $0x7FFFFFFF  }
0xc3: {  	_ =	shalt  }
tec
execute0_lowered:
.L_overlay_start_1:
0x0: {  	(tag) =	ssettag $0x1  }
0x1: {  	s2 =	rddreg [dreg:$0x0]  }
0x2: {  	s0 =	rddreg [dreg:$0x1]  }
0x3: {  	s1 =	srdreg.scid;
	s4 =	stileid.u32;
	s3 =	simm.s32 $0x0  }
0x4: {  	s9 =	simm.s32 $0x5;
	s10 =	simm.s32 $0x20;
	s24 =	simm.s32 $0x8000  }
0x5: {  	s26 =	simm.s32 $0x9000;
	s29 =	simm.s32 $0xA000;
	s31 =	simm.s32 $0xB000  }
0x6: {  	s12 =	simm.s32 $0xD000;
	s13 =	simm.s32 $0x320;
	s14 =	simm.s32 $0xE000  }
0x7: {  	s15 =	simm.s32 $0x1;
	s16 =	simm.s32 $0xF000;
	s17 =	simm.s32 $0x2  }
0x8: {  	s18 =	simm.s32 $0x10000;
	s19 =	simm.s32 $0x3;
	s20 =	simm.s32 $0x4  }
0x9: {  	s21 =	simm.s32 $0x0;
	s1 =	sand.u32 $0x1, s1;
	s4 =	sshll.u32 s4, $0xA  }
.Ltmp0:
0xa: {  	[smem:$0x7FF] =	sst s3;
	s5 =	sshll.u32 s1, $0x9;
	(pc) =	sbr.rel .LBB2_1-.Ltmp0, $4  }
0xb: {  	_ =	strace $0x80000047;
	s1 =	ssub.s32 $0x2, s1;
	s4 =	sor.u32 s5, s4  }
0xc: {  	s5 =	sadd.s32 $0x5000, s0;
	s30 =	sshrl.u32 s1, $0x1;
	s6 =	sadd.s32 s4, s0  }
0xd: {  	s7 =	sshll.u32 s4, $0x4;
	s0 =	ssub.s32 s1, s30;
	s1 =	simm.s32 $0xC000  }
0xe: {  	s6 =	sadd.s32 $0x1000, s6;
	s7 =	sadd.s32 s5, s7;
	s8 =	smax.u32 s0, $0x1  }
.LBB2_8:
0xf: {  	s21 =	sadd.s32 $0x1, s21  }
0x10: {  	_ =	swait.ge [sflag:s19], $0x1000;
	p0 =	sne.s32 s21, s8  }
.Ltmp1:
0x11: {  	[sflag:s19] =	ssyncset.done $0x0;
	(pc) =	sbr.rel @!p0 .LBB2_9-.Ltmp1, $4  }
0x12: {  	[sflag:s19] =	ssyncadd.s32 $0xFFFFF000  }
0x13: {  	_ =	swait.ge [sflag:s20], $0x1000  }
0x14: {  	[sflag:s20] =	ssyncset.done $0x0  }
0x15: {  	[sflag:s20] =	ssyncadd.s32 $0xFFFFF000  }
.LBB2_1:
0x16: {  	[tilespmem:s3], [sflag:$0x5] =	stream.linear.gather [hbm4b:s6+s3], $0x1000, $0x38;
	[tilespmem:$0x11000] =	vst v63  }
0x17: {  	_ =	swait.ge [sflag:s9], $0x1000  }
0x18: {  	[sflag:s9] =	ssyncset.done $0x0  }
0x19: {  	s0 =	simm.s32 $0x1000;
	[sflag:s9] =	ssyncadd.s32 $0xFFFFF000  }
0x1a: {  	[tilespmem:s0], [sflag:$0x1] =	stream.indirect.gather [hbm4b:s2+s10], $0x80, s3, s10, $0xb8;
	[tilespmem:$0x11000] =	vst v63  }
0x1b: {  	s22 =	simm.s32 $0x80;
	s11 =	simm.s32 $0x2000  }
0x1c: {  	[tilespmem:s11], [sflag:$0x1] =	stream.indirect.gather [hbm4b:s2+s10], $0x80, s22, s10, $0xb8;
	[tilespmem:$0x11000] =	vst v63  }
0x1d: {  	s23 =	simm.s32 $0x100;
	s25 =	simm.s32 $0x3000  }
0x1e: {  	[tilespmem:s25], [sflag:$0x1] =	stream.indirect.gather [hbm4b:s2+s10], $0x80, s23, s10, $0xb8;
	[tilespmem:$0x11000] =	vst v63  }
0x1f: {  	s28 =	simm.s32 $0x180;
	s30 =	simm.s32 $0x4000  }
0x20: {  	[tilespmem:s30], [sflag:$0x1] =	stream.indirect.gather [hbm4b:s2+s10], $0x80, s28, s10, $0xb8;
	[tilespmem:$0x11000] =	vst v63  }
0x21: {  	s11 =	simm.s32 $0x200;
	s22 =	simm.s32 $0x5000  }
0x22: {  	[tilespmem:s22], [sflag:$0x1] =	stream.indirect.gather [hbm4b:s2+s10], $0x80, s11, s10, $0xb8;
	[tilespmem:$0x11000] =	vst v63  }
0x23: {  	s23 =	simm.s32 $0x280;
	s25 =	simm.s32 $0x6000  }
0x24: {  	[tilespmem:s25], [sflag:$0x1] =	stream.indirect.gather [hbm4b:s2+s10], $0x80, s23, s10, $0xb8;
	[tilespmem:$0x11000] =	vst v63  }
0x25: {  	s28 =	simm.s32 $0x300;
	s30 =	simm.s32 $0x7000  }
0x26: {  	[tilespmem:s30], [sflag:$0x1] =	stream.indirect.gather [hbm4b:s2+s10], $0x80, s28, s10, $0xb8;
	[tilespmem:$0x11000] =	vst v63  }
0x27: {  	_ = 	snop  }
0x28: {  	[tilespmem:s24], [sflag:$0x2] =	stream.indirect.gather [hbm4b:s2+s10], $0x80, s10, s10, $0xb8;
	[tilespmem:$0x11000] =	vst v63  }
0x29: {  	s22 =	simm.s32 $0xA0  }
0x2a: {  	[tilespmem:s26], [sflag:$0x2] =	stream.indirect.gather [hbm4b:s2+s10], $0x80, s22, s10, $0xb8;
	[tilespmem:$0x11000] =	vst v63  }
0x2b: {  	s23 =	simm.s32 $0x120  }
0x2c: {  	[tilespmem:s29], [sflag:$0x2] =	stream.indirect.gather [hbm4b:s2+s10], $0x80, s23, s10, $0xb8;
	[tilespmem:$0x11000] =	vst v63  }
0x2d: {  	s25 =	simm.s32 $0x1A0  }
0x2e: {  	[tilespmem:s31], [sflag:$0x2] =	stream.indirect.gather [hbm4b:s2+s10], $0x80, s25, s10, $0xb8;
	[tilespmem:$0x11000] =	vst v63  }
0x2f: {  	s28 =	simm.s32 $0x220  }
0x30: {  	[tilespmem:s1], [sflag:$0x2] =	stream.indirect.gather [hbm4b:s2+s10], $0x80, s28, s10, $0xb8;
	[tilespmem:$0x11000] =	vst v63  }
0x31: {  	s30 =	simm.s32 $0x2A0  }
0x32: {  	[tilespmem:s12], [sflag:$0x2] =	stream.indirect.gather [hbm4b:s2+s10], $0x80, s30, s10, $0xb8;
	[tilespmem:$0x11000] =	vst v63  }
0x33: {  	s22 =	simm.s32 $0x0  }
0x34: {  	[tilespmem:s14], [sflag:$0x2] =	stream.indirect.gather [hbm4b:s2+s10], $0x80, s13, s10, $0xb8;
	[tilespmem:$0x11000] =	vst v63  }
.LBB2_2:
0x35: {  	_ =	swait.ge [sflag:s15], $0x1000  }
0x36: {  	[sflag:s15] =	ssyncset.done $0x0  }
0x37: {  	[sflag:s15] =	ssyncadd.s32 $0xFFFFF000  }
0x38: {  	_ =	swait.ge [sflag:s15], $0x1000  }
0x39: {  	[sflag:s15] =	ssyncset.done $0x0  }
0x3a: {  	[sflag:s15] =	ssyncadd.s32 $0xFFFFF000  }
0x3b: {  	_ =	swait.ge [sflag:s15], $0x1000  }
0x3c: {  	[sflag:s15] =	ssyncset.done $0x0  }
0x3d: {  	[sflag:s15] =	ssyncadd.s32 $0xFFFFF000  }
0x3e: {  	_ =	swait.ge [sflag:s15], $0x1000  }
0x3f: {  	[sflag:s15] =	ssyncset.done $0x0  }
0x40: {  	[sflag:s15] =	ssyncadd.s32 $0xFFFFF000  }
0x41: {  	_ =	swait.ge [sflag:s15], $0x1000  }
0x42: {  	[sflag:s15] =	ssyncset.done $0x0  }
0x43: {  	[sflag:s15] =	ssyncadd.s32 $0xFFFFF000  }
0x44: {  	_ =	swait.ge [sflag:s15], $0x1000  }
0x45: {  	[sflag:s15] =	ssyncset.done $0x0  }
0x46: {  	[sflag:s15] =	ssyncadd.s32 $0xFFFFF000  }
0x47: {  	_ =	swait.ge [sflag:s15], $0x1000  }
0x48: {  	p0 =	seq.s32 s22, $0x0;
	[sflag:s15] =	ssyncset.done $0x0  }
0x49: {  	s23 =	simm.s32 @!p0 $0x3;
	[sflag:s15] =	ssyncadd.s32 $0xFFFFF000  }
0x4a: {  	_ =	swait.ge @!p0 [sflag:s23], $0x1000  }
0x4b: {  	[sflag:s23] =	ssyncset.done @!p0 $0x0  }
0x4c: {  	[sflag:s23] =	ssyncadd.s32 @!p0 $0xFFFFF000;
	s23 =	simm.s32 $0x0  }
0x4d: {  	v1 =	vld [tilespmem:s23+$0x5000]  }
0x4e: {  	v0 =	vld [tilespmem:s23+$0x7000]  }
0x4f: {  	v2 =	vld [tilespmem:s23+$0x5010]  }
0x50: {  	v3 =	vld [tilespmem:s23+$0x7010]  }
0x51: {  	v4 =	vld [tilespmem:s23+$0x5020]  }
0x52: {  	v5 =	vld [tilespmem:s23+$0x7020]  }
0x53: {  	v6 =	vld [tilespmem:s23+$0x5030]  }
0x54: {  	v7 =	vld [tilespmem:s23+$0x7030]  }
0x55: {  	v8 =	vld [tilespmem:s23+$0x5040]  }
0x56: {  	v9 =	vld [tilespmem:s23+$0x7040]  }
0x57: {  	v10 =	vld [tilespmem:s23+$0x5050]  }
0x58: {  	v11 =	vld [tilespmem:s23+$0x5060]  }
0x59: {  	v12 =	vld [tilespmem:s23+$0x7060]  }
0x5a: {  	v13 =	vld [tilespmem:s23+$0x1000]  }
0x5b: {  	v14 =	vld [tilespmem:s23+$0x3000]  }
0x5c: {  	v44 =	vld [tilespmem:s23+$0x4000]  }
0x5d: {  	v15 =	vld [tilespmem:s23+$0x6000]  }
0x5e: {  	v16 =	vld [tilespmem:s23+$0x2010]  }
0x5f: {  	v17 =	vld [tilespmem:s23+$0x4010]  }
0x60: {  	v18 =	vld [tilespmem:s23+$0x1020];
	v0 =	vsub.f32 v1, v0  }
0x61: {  	v19 =	vld [tilespmem:s23+$0x2020]  }
0x62: {  	v20 =	vld [tilespmem:s23+$0x3020];
	v3 =	vsub.f32 v2, v3;
	v0 =	vadd.f32 $0.0e+00, v0  }
0x63: {  	v21 =	vld [tilespmem:s23+$0x4020]  }
0x64: {  	v22 =	vld [tilespmem:s23+$0x6020];
	v0 =	vadd.f32 v3, v0;
	v3 =	vsub.f32 v4, v5  }
0x65: {  	v5 =	vld [tilespmem:s23+$0x7050]  }
0x66: {  	v23 =	vld [tilespmem:s23+$0x1030];
	v7 =	vsub.f32 v6, v7;
	v3 =	vadd.f32 v3, v0  }
0x67: {  	v24 =	vld [tilespmem:s23+$0x2030]  }
0x68: {  	v0 =	vld [tilespmem:s23+$0x5070];
	v3 =	vadd.f32 v7, v3;
	v7 =	vsub.f32 v8, v9  }
0x69: {  	v9 =	vld [tilespmem:s23+$0x7070]  }
0x6a: {  	v25 =	vld [tilespmem:s23+$0x3030];
	v5 =	vsub.f32 v10, v5;
	v3 =	vadd.f32 v7, v3  }
0x6b: {  	v26 =	vld [tilespmem:s23+$0x4030]  }
0x6c: {  	v27 =	vld [tilespmem:s23+$0x6030];
	v3 =	vadd.f32 v5, v3;
	v5 =	vsub.f32 v11, v12  }
0x6d: {  	v28 =	vld [tilespmem:s23+$0x1040]  }
0x6e: {  	v7 =	vld [tilespmem:s23+$0x2000];
	v3 =	vadd.f32 v5, v3;
	v5 =	vsub.f32 v0, v9  }
0x6f: {  	v9 =	vld [tilespmem:s23+$0x1010]  }
0x70: {  	v45 =	vld [tilespmem:s23+$0x2040];
	v3 =	vadd.f32 v5, v3  }
0x71: {  	v5 =	vld [tilespmem:s23+$0x3010]  }
0x72: {  	v1 =	vsub.f32 v1, v15;
	[tilespmem:s23+$0xF030] =	vst v3;
	v3 =	vld [tilespmem:s23+$0x6010]  }
0x73: {  	v46 =	vld [tilespmem:s23+$0x3040];
	v48 =	vsub.f32 v18, v19;
	v52 =	vsub.f32 v23, v24  }
0x74: {  	v47 =	vld [tilespmem:s23+$0x4040];
	v7 =	vsub.f32 v13, v7;
	v9 =	vsub.f32 v9, v16  }
0x75: {  	v49 =	vld [tilespmem:s23+$0x1050];
	v54 =	vsub.f32 v25, v26;
	v12 =	vsub.f32 v14, v44  }
0x76: {  	v51 =	vld [tilespmem:s23+$0x3050];
	v7 =	vmul.f32 v7, v7;
	v5 =	vsub.f32 v5, v17;
	v9 =	vmul.f32 v9, v9  }
0x77: {  	v53 =	vld [tilespmem:s23+$0x4050];
	v1 =	vadd.f32 $0.0e+00, v1;
	v12 =	vmul.f32 v12, v12;
	v2 =	vsub.f32 v2, v3  }
0x78: {  	v55 =	vld [tilespmem:s23+$0x6050];
	v5 =	vmul.f32 v5, v5;
	v7 =	vadd.f32 v9, v7;
	v9 =	vsub.f32 v20, v21  }
0x79: {  	v50 =	vmul.f32 v48, v48;
	v4 =	vsub.f32 v4, v22;
	v3 =	vld [tilespmem:s23+$0x6040];
	v1 =	vadd.f32 v2, v1  }
0x7a: {  	v6 =	vsub.f32 v6, v27;
	v2 =	vld [tilespmem:s23+$0x2050];
	v5 =	vadd.f32 v5, v12;
	v9 =	vmul.f32 v9, v9  }
0x7b: {  	v56 =	vld [tilespmem:s23+$0x1060];
	v7 =	vadd.f32 v50, v7;
	v1 =	vadd.f32 v4, v1;
	v4 =	vmul.f32 v52, v52  }
0x7c: {  	v58 =	vld [tilespmem:s23+$0x2060];
	v57 =	vsub.f32 v28, v45;
	v5 =	vadd.f32 v9, v5;
	v9 =	vmul.f32 v54, v54  }
0x7d: {  	v59 =	vld [tilespmem:s23+$0x4060];
	v4 =	vadd.f32 v4, v7;
	v1 =	vadd.f32 v6, v1  }
0x7e: {  	v7 =	vld [tilespmem:s23+$0x3060];
	v5 =	vadd.f32 v9, v5;
	v6 =	vsub.f32 v46, v47;
	v9 =	vmul.f32 v57, v57  }
0x7f: {  	v60 =	vld [tilespmem:s23+$0x6060];
	v8 =	vsub.f32 v8, v3;
	v2 =	vsub.f32 v49, v2  }
0x80: {  	v61 =	vsub.f32 v51, v53;
	v3 =	vld [tilespmem:s23+$0x1070];
	v9 =	vadd.f32 v9, v4;
	v4 =	vmul.f32 v6, v6  }
0x81: {  	v1 =	vadd.f32 v8, v1;
	v8 =	vsub.f32 v56, v58;
	v6 =	vld [tilespmem:s23+$0x2070];
	v2 =	vmul.f32 v2, v2  }
0x82: {  	v62 =	vmul.f32 v61, v61;
	v10 =	vsub.f32 v10, v55;
	v5 =	vadd.f32 v4, v5;
	v4 =	vld [tilespmem:s23+$0x3070]  }
0x83: {  	v63 =	vmul.f32 v8, v8;
	v8 =	vld [tilespmem:s23+$0x4070];
	v9 =	vadd.f32 v2, v9;
	v12 =	vsub.f32 v7, v59  }
0x84: {  	s25 =	simm.s32 $0x80;
	v11 =	vsub.f32 v11, v60;
	v7 =	vadd.f32 v10, v1;
	v2 =	vld [tilespmem:s23+$0x6070]  }
0x85: {  	s28 =	simm.s32 $0x400;
	v1 =	vld [tilespmem:s25+$0x5000];
	v5 =	vadd.f32 v62, v5;
	v9 =	vadd.f32 v63, v9;
	v10 =	vmul.f32 v12, v12  }
.LBB2_3:
0x86: {  	p1 =	sne.s32 s28, $0x3E00;
	v12 =	vld [tilespmem:s25+$0x7000];
	v7 =	vadd.f32 v11, v7;
	v3 =	vsub.f32 v3, v6  }
0x87: {  	v6 =	vld [tilespmem:s25+$0x5010];
	v5 =	vadd.f32 v10, v5  }
0x88: {  	v10 =	vld [tilespmem:s25+$0x7010];
	v4 =	vsub.f32 v4, v8;
	v3 =	vmul.f32 v3, v3  }
0x89: {  	v8 =	vld [tilespmem:s25+$0x5020];
	v0 =	vsub.f32 v0, v2  }
0x8a: {  	v2 =	vld [tilespmem:s25+$0x7020];
	v3 =	vadd.f32 v3, v9;
	v4 =	vmul.f32 v4, v4  }
0x8b: {  	v9 =	vsub.f32 v1, v12;
	v11 =	vld [tilespmem:s25+$0x5030];
	v0 =	vadd.f32 v0, v7  }
0x8c: {  	v7 =	vld [tilespmem:s25+$0x7030];
	v4 =	vadd.f32 v4, v5;
	[tilespmem:s23+$0xF000] =	vst v3  }
0x8d: {  	v3 =	vadd.f32 $0.0e+00, v9;
	v5 =	vsub.f32 v6, v10;
	v9 =	vld [tilespmem:s25+$0x5040];
	[tilespmem:s23+$0xF020] =	vst v0  }
0x8e: {  	v0 =	vld [tilespmem:s25+$0x7040];
	[tilespmem:s23+$0xF010] =	vst v4;
	s23 =	smov.u32 s25  }
0x8f: {  	v4 =	vadd.f32 v5, v3;
	v2 =	vsub.f32 v8, v2;
	v3 =	vld [tilespmem:s23+$0x5050]  }
0x90: {  	v5 =	vld [tilespmem:s23+$0x7050]  }
0x91: {  	v4 =	vadd.f32 v2, v4;
	v7 =	vsub.f32 v11, v7;
	v2 =	vld [tilespmem:s23+$0x5060]  }
0x92: {  	v10 =	vld [tilespmem:s23+$0x7060]  }
0x93: {  	v4 =	vadd.f32 v7, v4;
	v7 =	vsub.f32 v9, v0;
	v0 =	vld [tilespmem:s23+$0x5070]  }
0x94: {  	v12 =	vld [tilespmem:s23+$0x7070]  }
0x95: {  	v13 =	vld [tilespmem:s23+$0x1000];
	v4 =	vadd.f32 v7, v4;
	v5 =	vsub.f32 v3, v5  }
0x96: {  	v7 =	vld [tilespmem:s23+$0x2000]  }
0x97: {  	v14 =	vld [tilespmem:s23+$0x3000];
	v4 =	vadd.f32 v5, v4;
	v5 =	vsub.f32 v2, v10  }
0x98: {  	v10 =	vld [tilespmem:s23+$0x4000]  }
0x99: {  	v15 =	vld [tilespmem:s23+$0x6000];
	v4 =	vadd.f32 v5, v4;
	v5 =	vsub.f32 v0, v12  }
0x9a: {  	v12 =	vld [tilespmem:s23+$0x1010]  }
0x9b: {  	v7 =	vsub.f32 v13, v7;
	v13 =	vld [tilespmem:s23+$0x2010];
	v4 =	vadd.f32 v5, v4  }
0x9c: {  	v5 =	vld [tilespmem:s23+$0x3010]  }
0x9d: {  	v10 =	vsub.f32 v14, v10;
	v7 =	vmul.f32 v7, v7;
	v14 =	vld [tilespmem:s23+$0x4010];
	[tilespmem:s23+$0xF030] =	vst v4  }
0x9e: {  	v1 =	vsub.f32 v1, v15;
	v4 =	vld [tilespmem:s23+$0x6010]  }
0x9f: {  	v10 =	vmul.f32 v10, v10;
	v15 =	vld [tilespmem:s23+$0x1020]  }
0xa0: {  	v1 =	vadd.f32 $0.0e+00, v1;
	v12 =	vsub.f32 v12, v13;
	v13 =	vld [tilespmem:s23+$0x2020]  }
0xa1: {  	v16 =	vld [tilespmem:s23+$0x3020]  }
0xa2: {  	v5 =	vsub.f32 v5, v14;
	v12 =	vmul.f32 v12, v12;
	v14 =	vld [tilespmem:s23+$0x4020]  }
0xa3: {  	v4 =	vsub.f32 v6, v4;
	v6 =	vld [tilespmem:s23+$0x6020]  }
0xa4: {  	v7 =	vadd.f32 v12, v7;
	v5 =	vmul.f32 v5, v5;
	v12 =	vld [tilespmem:s23+$0x1030]  }
0xa5: {  	v1 =	vadd.f32 v4, v1;
	v4 =	vsub.f32 v15, v13;
	v13 =	vld [tilespmem:s23+$0x2030]  }
0xa6: {  	v5 =	vadd.f32 v5, v10;
	v10 =	vld [tilespmem:s23+$0x3030]  }
0xa7: {  	v14 =	vsub.f32 v16, v14;
	v4 =	vmul.f32 v4, v4;
	v15 =	vld [tilespmem:s23+$0x4030]  }
0xa8: {  	v6 =	vsub.f32 v8, v6;
	v8 =	vld [tilespmem:s23+$0x6030]  }
0xa9: {  	v4 =	vadd.f32 v4, v7;
	v7 =	vmul.f32 v14, v14;
	v14 =	vld [tilespmem:s23+$0x1040]  }
0xaa: {  	v1 =	vadd.f32 v6, v1;
	v6 =	vsub.f32 v12, v13;
	v12 =	vld [tilespmem:s23+$0x2040]  }
0xab: {  	v5 =	vadd.f32 v7, v5;
	v7 =	vld [tilespmem:s23+$0x3040]  }
0xac: {  	v10 =	vsub.f32 v10, v15;
	v6 =	vmul.f32 v6, v6;
	v13 =	vld [tilespmem:s23+$0x4040]  }
0xad: {  	v8 =	vsub.f32 v11, v8;
	v11 =	vld [tilespmem:s23+$0x6040]  }
0xae: {  	v4 =	vadd.f32 v6, v4;
	v6 =	vmul.f32 v10, v10;
	v10 =	vld [tilespmem:s23+$0x1050]  }
0xaf: {  	v1 =	vadd.f32 v8, v1;
	v8 =	vsub.f32 v14, v12;
	v12 =	vld [tilespmem:s23+$0x2050]  }
0xb0: {  	v5 =	vadd.f32 v6, v5;
	v6 =	vld [tilespmem:s23+$0x3050]  }
0xb1: {  	v7 =	vsub.f32 v7, v13;
	v8 =	vmul.f32 v8, v8;
	v13 =	vld [tilespmem:s23+$0x4050]  }
0xb2: {  	v9 =	vsub.f32 v9, v11;
	v11 =	vld [tilespmem:s23+$0x6050]  }
0xb3: {  	v4 =	vadd.f32 v8, v4;
	v7 =	vmul.f32 v7, v7;
	v8 =	vld [tilespmem:s23+$0x1060]  }
0xb4: {  	v1 =	vadd.f32 v9, v1;
	v9 =	vsub.f32 v10, v12;
	v10 =	vld [tilespmem:s23+$0x2060]  }
0xb5: {  	v5 =	vadd.f32 v7, v5;
	v12 =	vld [tilespmem:s23+$0x3060]  }
0xb6: {  	v6 =	vsub.f32 v6, v13;
	v7 =	vmul.f32 v9, v9;
	v9 =	vld [tilespmem:s23+$0x4060]  }
0xb7: {  	v11 =	vsub.f32 v3, v11;
	v13 =	vld [tilespmem:s23+$0x6060]  }
0xb8: {  	v14 =	vadd.f32 v7, v4;
	v4 =	vmul.f32 v6, v6;
	v3 =	vld [tilespmem:s23+$0x1070]  }
.Ltmp2:
0xb9: {  	v7 =	vadd.f32 v11, v1;
	v1 =	vsub.f32 v8, v10;
	v6 =	vld [tilespmem:s23+$0x2070];
	(pc) =	sbr.rel @p1 .LBB2_3-.Ltmp2, $4  }
0xba: {  	v5 =	vadd.f32 v4, v5;
	v4 =	vld [tilespmem:s23+$0x3070]  }
0xbb: {  	v10 =	vsub.f32 v12, v9;
	v9 =	vmul.f32 v1, v1;
	v8 =	vld [tilespmem:s23+$0x4070]  }
0xbc: {  	s25 =	sshra.s32 s28, $0x2;
	v11 =	vsub.f32 v2, v13;
	v2 =	vld [tilespmem:s23+$0x6070]  }
0xbd: {  	s28 =	sadd.s32 $0x200, s28;
	v1 =	vld [tilespmem:s25+$0x5000];
	v9 =	vadd.f32 v9, v14;
	v10 =	vmul.f32 v10, v10  }
0xbe: {  	v12 =	vld [tilespmem:s25+$0x7000];
	v3 =	vsub.f32 v3, v6  }
0xbf: {  	v6 =	vld [tilespmem:s25+$0x5010]  }
0xc0: {  	v13 =	vld [tilespmem:s25+$0x7010];
	v3 =	vmul.f32 v3, v3;
	v4 =	vsub.f32 v4, v8  }
0xc1: {  	v14 =	vld [tilespmem:s25+$0x5020];
	v7 =	vadd.f32 v11, v7;
	v0 =	vsub.f32 v0, v2  }
0xc2: {  	v5 =	vadd.f32 v10, v5;
	v8 =	vld [tilespmem:s25+$0x7020];
	v2 =	vadd.f32 v3, v9;
	v4 =	vmul.f32 v4, v4  }
0xc3: {  	v3 =	vld [tilespmem:s25+$0x5030];
	v0 =	vadd.f32 v0, v7  }
0xc4: {  	v9 =	vld [tilespmem:s25+$0x7030];
	v7 =	vsub.f32 v1, v12;
	[tilespmem:s23+$0xF000] =	vst v2;
	v4 =	vadd.f32 v4, v5  }
0xc5: {  	v2 =	vld [tilespmem:s25+$0x5040];
	[tilespmem:s23+$0xF020] =	vst v0  }
0xc6: {  	v5 =	vadd.f32 $0.0e+00, v7;
	v7 =	vsub.f32 v6, v13;
	v0 =	vld [tilespmem:s25+$0x7040];
	[tilespmem:s23+$0xF010] =	vst v4  }
0xc7: {  	v4 =	vld [tilespmem:s25+$0x5050]  }
0xc8: {  	v5 =	vadd.f32 v7, v5;
	v7 =	vsub.f32 v14, v8;
	v8 =	vld [tilespmem:s25+$0x7050]  }
0xc9: {  	v10 =	vld [tilespmem:s25+$0x5060]  }
0xca: {  	v11 =	vld [tilespmem:s25+$0x5070]  }
0xcb: {  	v42 =	vld [tilespmem:s25+$0x1000]  }
0xcc: {  	v43 =	vld [tilespmem:s25+$0x3000]  }
0xcd: {  	v15 =	vld [tilespmem:s25+$0x6000]  }
0xce: {  	v16 =	vld [tilespmem:s25+$0x2010]  }
0xcf: {  	v17 =	vld [tilespmem:s25+$0x4010]  }
0xd0: {  	v18 =	vld [tilespmem:s25+$0x1020]  }
0xd1: {  	v19 =	vld [tilespmem:s25+$0x2020]  }
0xd2: {  	v20 =	vld [tilespmem:s25+$0x3020]  }
0xd3: {  	v21 =	vld [tilespmem:s25+$0x4020]  }
0xd4: {  	v22 =	vld [tilespmem:s25+$0x6020]  }
0xd5: {  	v23 =	vld [tilespmem:s25+$0x1030]  }
0xd6: {  	v24 =	vld [tilespmem:s25+$0x2030];
	v5 =	vadd.f32 v7, v5;
	v7 =	vsub.f32 v3, v9  }
0xd7: {  	v9 =	vld [tilespmem:s25+$0x7060]  }
0xd8: {  	v25 =	vld [tilespmem:s25+$0x3030];
	v5 =	vadd.f32 v7, v5;
	v0 =	vsub.f32 v2, v0  }
0xd9: {  	v7 =	vld [tilespmem:s25+$0x7070]  }
0xda: {  	v26 =	vld [tilespmem:s25+$0x4030];
	v0 =	vadd.f32 v0, v5;
	v5 =	vsub.f32 v4, v8  }
0xdb: {  	v27 =	vld [tilespmem:s25+$0x6030]  }
0xdc: {  	v28 =	vld [tilespmem:s25+$0x1040];
	v0 =	vadd.f32 v5, v0;
	v5 =	vsub.f32 v10, v9  }
0xdd: {  	v8 =	vld [tilespmem:s25+$0x2000]  }
0xde: {  	v9 =	vld [tilespmem:s25+$0x4000];
	v0 =	vadd.f32 v5, v0;
	v5 =	vsub.f32 v11, v7  }
0xdf: {  	v7 =	vld [tilespmem:s25+$0x1010]  }
0xe0: {  	v0 =	vadd.f32 v5, v0;
	v5 =	vld [tilespmem:s25+$0x3010]  }
0xe1: {  	v29 =	vld [tilespmem:s25+$0x2040]  }
0xe2: {  	[tilespmem:s25+$0xF030] =	vst v0;
	v0 =	vld [tilespmem:s25+$0x6010]  }
0xe3: {  	v44 =	vld [tilespmem:s25+$0x3040];
	v1 =	vsub.f32 v1, v15;
	v8 =	vsub.f32 v42, v8  }
0xe4: {  	v45 =	vld [tilespmem:s25+$0x4040];
	v9 =	vsub.f32 v43, v9;
	v7 =	vsub.f32 v7, v16  }
0xe5: {  	v46 =	vld [tilespmem:s25+$0x6040];
	v8 =	vmul.f32 v8, v8;
	v5 =	vsub.f32 v5, v17  }
0xe6: {  	v47 =	vld [tilespmem:s25+$0x1050];
	v1 =	vadd.f32 $0.0e+00, v1;
	v9 =	vmul.f32 v9, v9;
	v7 =	vmul.f32 v7, v7  }
0xe7: {  	v48 =	vld [tilespmem:s25+$0x2050];
	v0 =	vsub.f32 v6, v0;
	v5 =	vmul.f32 v5, v5;
	v6 =	vsub.f32 v18, v19  }
0xe8: {  	v49 =	vld [tilespmem:s25+$0x3050];
	v7 =	vadd.f32 v7, v8;
	v8 =	vsub.f32 v20, v21  }
0xe9: {  	v51 =	vld [tilespmem:s25+$0x6050];
	v0 =	vadd.f32 v0, v1;
	v1 =	vadd.f32 v5, v9;
	v5 =	vmul.f32 v6, v6  }
0xea: {  	v52 =	vld [tilespmem:s25+$0x1060];
	v50 =	vsub.f32 v23, v24;
	v3 =	vsub.f32 v3, v27;
	v8 =	vmul.f32 v8, v8  }
0xeb: {  	v54 =	vld [tilespmem:s25+$0x3060];
	v9 =	vsub.f32 v14, v22;
	v5 =	vadd.f32 v5, v7  }
0xec: {  	v6 =	vld [tilespmem:s25+$0x4050];
	v7 =	vsub.f32 v25, v26;
	v1 =	vadd.f32 v8, v1;
	v8 =	vmul.f32 v50, v50  }
0xed: {  	v55 =	vld [tilespmem:s25+$0x4060];
	v53 =	vsub.f32 v28, v29;
	v0 =	vadd.f32 v9, v0  }
0xee: {  	v2 =	vsub.f32 v2, v46;
	v9 =	vld [tilespmem:s25+$0x2060];
	v7 =	vmul.f32 v7, v7;
	v5 =	vadd.f32 v8, v5  }
0xef: {  	v57 =	vld [tilespmem:s25+$0x1070];
	v8 =	vsub.f32 v44, v45;
	v0 =	vadd.f32 v3, v0;
	v3 =	vmul.f32 v53, v53  }
0xf0: {  	v58 =	vld [tilespmem:s25+$0x4070];
	v56 =	vsub.f32 v47, v48;
	v1 =	vadd.f32 v7, v1  }
0xf1: {  	v8 =	vmul.f32 v8, v8;
	v3 =	vadd.f32 v3, v5;
	v5 =	vsub.f32 v49, v6;
	v6 =	vld [tilespmem:s25+$0x2070]  }
0xf2: {  	v4 =	vsub.f32 v4, v51;
	v7 =	vld [tilespmem:s25+$0x6060];
	v0 =	vadd.f32 v2, v0;
	v2 =	vmul.f32 v56, v56  }
0xf3: {  	v9 =	vsub.f32 v52, v9;
	v1 =	vadd.f32 v8, v1;
	v8 =	vld [tilespmem:s25+$0x3070];
	v5 =	vmul.f32 v5, v5  }
0xf4: {  	v2 =	vadd.f32 v2, v3;
	v3 =	vld [tilespmem:s25+$0x6070]  }
0xf5: {  	v0 =	vadd.f32 v4, v0;
	v4 =	vmul.f32 v9, v9;
	v1 =	vadd.f32 v5, v1  }
0xf6: {  	v5 =	vsub.f32 v54, v55;
	v6 =	vsub.f32 v57, v6  }
0xf7: {  	v7 =	vsub.f32 v10, v7;
	v2 =	vadd.f32 v4, v2  }
0xf8: {  	v4 =	vmul.f32 v5, v5;
	v5 =	vsub.f32 v8, v58;
	v6 =	vmul.f32 v6, v6  }
0xf9: {  	v0 =	vadd.f32 v7, v0;
	v3 =	vsub.f32 v11, v3  }
0xfa: {  	v1 =	vadd.f32 v4, v1;
	v2 =	vadd.f32 v6, v2;
	v4 =	vmul.f32 v5, v5  }
0xfb: {  	v0 =	vadd.f32 v3, v0  }
0xfc: {  	v1 =	vadd.f32 v4, v1;
	[tilespmem:s25+$0xF000] =	vst v2  }
0xfd: {  	s30 =	sshll.u32 s22, $0xA;
	[tilespmem:s25+$0xF020] =	vst v0  }
0xfe: {  	p1 =	seq.s32 s22, $0x7;
	s23 =	sadd.s32 s30, s7;
	[tilespmem:s25+$0xF010] =	vst v1  }
0xff: {  	[hbm4b:s23+s3] =	stream.linear.scatter [tilespmem:s16], [sflag:$0x3], $0x1000, $0x38;
	[tilespmem:$0x11000] =	vst v63  }
0x100: {  	s23 =	sshll.u32 @!p1 s22, $0x6  }
0x101: {  	s23 =	sadd.s32 @!p1 $0x40, s23  }
0x102: {  	s25 =	sshll.u32 @!p1 s23, $0x3  }
0x103: {  	s23 =	sand.u32 @!p1 $0x40, s23;
	s28 =	sand.u32 @!p1 $0x1C00, s25  }
0x104: {  	s0 =	simm.s32 @!p1 $0x1000;
	s30 =	simm.s32 @!p1 $0x20;
	s28 =	sor.u32 @!p1 s23, s28  }
0x105: {  	[tilespmem:s0], [sflag:$0x1] =	stream.indirect.gather @!p1 [hbm4b:s2+s30], $0x80, s28, s30, $0xb8;
	[tilespmem:$0x11000] =	vst v63  }
0x106: {  	s11 =	simm.s32 @!p1 $0x2000;
	s0 =	sor.u32 @!p1 $0x80, s28  }
0x107: {  	[tilespmem:s11], [sflag:$0x1] =	stream.indirect.gather @!p1 [hbm4b:s2+s30], $0x80, s0, s30, $0xb8;
	[tilespmem:$0x11000] =	vst v63  }
0x108: {  	s0 =	sor.u32 @!p1 $0x100, s28;
	s11 =	simm.s32 @!p1 $0x3000  }
0x109: {  	[tilespmem:s11], [sflag:$0x1] =	stream.indirect.gather @!p1 [hbm4b:s2+s30], $0x80, s0, s30, $0xb8;
	[tilespmem:$0x11000] =	vst v63  }
0x10a: {  	s0 =	sor.u32 @!p1 $0x180, s28;
	s11 =	simm.s32 @!p1 $0x4000  }
0x10b: {  	[tilespmem:s11], [sflag:$0x1] =	stream.indirect.gather @!p1 [hbm4b:s2+s30], $0x80, s0, s30, $0xb8;
	[tilespmem:$0x11000] =	vst v63  }
0x10c: {  	s0 =	sor.u32 @!p1 s23, s25  }
0x10d: {  	s23 =	simm.s32 @!p1 $0x5000;
	s11 =	sor.u32 @!p1 $0x200, s0  }
0x10e: {  	[tilespmem:s23], [sflag:$0x1] =	stream.indirect.gather @!p1 [hbm4b:s2+s30], $0x80, s11, s30, $0xb8;
	[tilespmem:$0x11000] =	vst v63  }
0x10f: {  	s11 =	sor.u32 @!p1 $0x280, s0;
	s23 =	simm.s32 @!p1 $0x6000  }
0x110: {  	[tilespmem:s23], [sflag:$0x1] =	stream.indirect.gather @!p1 [hbm4b:s2+s30], $0x80, s11, s30, $0xb8;
	[tilespmem:$0x11000] =	vst v63  }
0x111: {  	s0 =	sor.u32 @!p1 $0x300, s0;
	s11 =	simm.s32 @!p1 $0x7000  }
0x112: {  	[tilespmem:s11], [sflag:$0x1] =	stream.indirect.gather @!p1 [hbm4b:s2+s30], $0x80, s0, s30, $0xb8;
	[tilespmem:$0x11000] =	vst v63  }
0x113: {  	_ =	swait.ge [sflag:s17], $0x1000  }
0x114: {  	[sflag:s17] =	ssyncset.done $0x0  }
0x115: {  	[sflag:s17] =	ssyncadd.s32 $0xFFFFF000  }
0x116: {  	_ =	swait.ge [sflag:s17], $0x1000  }
0x117: {  	[sflag:s17] =	ssyncset.done $0x0  }
0x118: {  	[sflag:s17] =	ssyncadd.s32 $0xFFFFF000  }
0x119: {  	_ =	swait.ge [sflag:s17], $0x1000  }
0x11a: {  	[sflag:s17] =	ssyncset.done $0x0  }
0x11b: {  	[sflag:s17] =	ssyncadd.s32 $0xFFFFF000  }
0x11c: {  	_ =	swait.ge [sflag:s17], $0x1000  }
0x11d: {  	[sflag:s17] =	ssyncset.done $0x0  }
0x11e: {  	[sflag:s17] =	ssyncadd.s32 $0xFFFFF000  }
0x11f: {  	_ =	swait.ge [sflag:s17], $0x1000  }
0x120: {  	[sflag:s17] =	ssyncset.done $0x0  }
0x121: {  	[sflag:s17] =	ssyncadd.s32 $0xFFFFF000  }
0x122: {  	_ =	swait.ge [sflag:s17], $0x1000  }
0x123: {  	[sflag:s17] =	ssyncset.done $0x0  }
0x124: {  	[sflag:s17] =	ssyncadd.s32 $0xFFFFF000  }
0x125: {  	_ =	swait.ge [sflag:s17], $0x1000  }
0x126: {  	[sflag:s17] =	ssyncset.done $0x0  }
0x127: {  	s0 =	simm.s32 @!p0 $0x4;
	[sflag:s17] =	ssyncadd.s32 $0xFFFFF000  }
0x128: {  	_ =	swait.ge @!p0 [sflag:s0], $0x1000  }
0x129: {  	[sflag:s0] =	ssyncset.done @!p0 $0x0  }
0x12a: {  	s23 =	simm.s32 $0x0;
	[sflag:s0] =	ssyncadd.s32 @!p0 $0xFFFFF000  }
0x12b: {  	v1 =	vld [tilespmem:s23+$0xC000]  }
0x12c: {  	v0 =	vld [tilespmem:s23+$0xE000]  }
0x12d: {  	v2 =	vld [tilespmem:s23+$0xC010]  }
0x12e: {  	v3 =	vld [tilespmem:s23+$0xE010]  }
0x12f: {  	v4 =	vld [tilespmem:s23+$0xC020]  }
0x130: {  	v5 =	vld [tilespmem:s23+$0xE020]  }
0x131: {  	v6 =	vld [tilespmem:s23+$0xC030]  }
0x132: {  	v7 =	vld [tilespmem:s23+$0xE030]  }
0x133: {  	v8 =	vld [tilespmem:s23+$0xC040]  }
0x134: {  	v9 =	vld [tilespmem:s23+$0xE040]  }
0x135: {  	v10 =	vld [tilespmem:s23+$0xC050]  }
0x136: {  	v11 =	vld [tilespmem:s23+$0xC060]  }
0x137: {  	v59 =	vld [tilespmem:s23+$0xE060]  }
0x138: {  	v60 =	vld [tilespmem:s23+$0x8000]  }
0x139: {  	v61 =	vld [tilespmem:s23+$0xA000]  }
0x13a: {  	v62 =	vld [tilespmem:s23+$0xB000]  }
0x13b: {  	v63 =	vld [tilespmem:s23+$0xD000]  }
0x13c: {  	v32 =	vld [tilespmem:s23+$0x9010]  }
0x13d: {  	v33 =	vld [tilespmem:s23+$0xB010]  }
0x13e: {  	v34 =	vld [tilespmem:s23+$0x8020];
	v0 =	vsub.f32 v1, v0  }
0x13f: {  	v35 =	vld [tilespmem:s23+$0x9020]  }
0x140: {  	v36 =	vld [tilespmem:s23+$0xA020];
	v3 =	vsub.f32 v2, v3;
	v0 =	vadd.f32 $0.0e+00, v0  }
0x141: {  	v37 =	vld [tilespmem:s23+$0xB020]  }
0x142: {  	v38 =	vld [tilespmem:s23+$0xD020];
	v0 =	vadd.f32 v3, v0;
	v3 =	vsub.f32 v4, v5  }
0x143: {  	v5 =	vld [tilespmem:s23+$0xE050]  }
0x144: {  	v39 =	vld [tilespmem:s23+$0x8030];
	v7 =	vsub.f32 v6, v7;
	v3 =	vadd.f32 v3, v0  }
0x145: {  	v40 =	vld [tilespmem:s23+$0x9030]  }
0x146: {  	v0 =	vld [tilespmem:s23+$0xC070];
	v3 =	vadd.f32 v7, v3;
	v7 =	vsub.f32 v8, v9  }
0x147: {  	v9 =	vld [tilespmem:s23+$0xE070]  }
0x148: {  	v41 =	vld [tilespmem:s23+$0xA030];
	v5 =	vsub.f32 v10, v5;
	v3 =	vadd.f32 v7, v3  }
0x149: {  	v42 =	vld [tilespmem:s23+$0xB030]  }
0x14a: {  	v43 =	vld [tilespmem:s23+$0xD030];
	v3 =	vadd.f32 v5, v3;
	v5 =	vsub.f32 v11, v59  }
0x14b: {  	v44 =	vld [tilespmem:s23+$0x8040]  }
0x14c: {  	v7 =	vld [tilespmem:s23+$0x9000];
	v3 =	vadd.f32 v5, v3;
	v5 =	vsub.f32 v0, v9  }
0x14d: {  	v9 =	vld [tilespmem:s23+$0x8010]  }
0x14e: {  	v45 =	vld [tilespmem:s23+$0x9040];
	v3 =	vadd.f32 v5, v3  }
0x14f: {  	v5 =	vld [tilespmem:s23+$0xA010]  }
0x150: {  	v1 =	vsub.f32 v1, v63;
	[tilespmem:s23+$0x10030] =	vst v3;
	v3 =	vld [tilespmem:s23+$0xD010]  }
0x151: {  	v46 =	vld [tilespmem:s23+$0xA040];
	v12 =	vsub.f32 v61, v62;
	v48 =	vsub.f32 v34, v35  }
0x152: {  	v47 =	vld [tilespmem:s23+$0xB040];
	v7 =	vsub.f32 v60, v7;
	v9 =	vsub.f32 v9, v32  }
0x153: {  	v49 =	vld [tilespmem:s23+$0x8050];
	v52 =	vsub.f32 v39, v40;
	v54 =	vsub.f32 v41, v42  }
0x154: {  	v51 =	vld [tilespmem:s23+$0xA050];
	v7 =	vmul.f32 v7, v7;
	v5 =	vsub.f32 v5, v33;
	v9 =	vmul.f32 v9, v9  }
0x155: {  	v53 =	vld [tilespmem:s23+$0xB050];
	v1 =	vadd.f32 $0.0e+00, v1;
	v12 =	vmul.f32 v12, v12;
	v2 =	vsub.f32 v2, v3  }
0x156: {  	v55 =	vld [tilespmem:s23+$0xD050];
	v5 =	vmul.f32 v5, v5;
	v7 =	vadd.f32 v9, v7;
	v9 =	vsub.f32 v36, v37  }
0x157: {  	v50 =	vmul.f32 v48, v48;
	v4 =	vsub.f32 v4, v38;
	v3 =	vld [tilespmem:s23+$0xD040];
	v1 =	vadd.f32 v2, v1  }
0x158: {  	v6 =	vsub.f32 v6, v43;
	v2 =	vld [tilespmem:s23+$0x9050];
	v5 =	vadd.f32 v5, v12;
	v9 =	vmul.f32 v9, v9  }
0x159: {  	v56 =	vld [tilespmem:s23+$0x8060];
	v7 =	vadd.f32 v50, v7;
	v1 =	vadd.f32 v4, v1;
	v4 =	vmul.f32 v52, v52  }
0x15a: {  	v58 =	vld [tilespmem:s23+$0x9060];
	v57 =	vsub.f32 v44, v45;
	v5 =	vadd.f32 v9, v5;
	v9 =	vmul.f32 v54, v54  }
0x15b: {  	v59 =	vld [tilespmem:s23+$0xB060];
	v4 =	vadd.f32 v4, v7;
	v1 =	vadd.f32 v6, v1  }
0x15c: {  	v7 =	vld [tilespmem:s23+$0xA060];
	v5 =	vadd.f32 v9, v5;
	v6 =	vsub.f32 v46, v47;
	v9 =	vmul.f32 v57, v57  }
0x15d: {  	v60 =	vld [tilespmem:s23+$0xD060];
	v8 =	vsub.f32 v8, v3;
	v2 =	vsub.f32 v49, v2  }
0x15e: {  	v61 =	vsub.f32 v51, v53;
	v3 =	vld [tilespmem:s23+$0x8070];
	v9 =	vadd.f32 v9, v4;
	v4 =	vmul.f32 v6, v6  }
0x15f: {  	v1 =	vadd.f32 v8, v1;
	v8 =	vsub.f32 v56, v58;
	v6 =	vld [tilespmem:s23+$0x9070];
	v2 =	vmul.f32 v2, v2  }
0x160: {  	v62 =	vmul.f32 v61, v61;
	v10 =	vsub.f32 v10, v55;
	v5 =	vadd.f32 v4, v5;
	v4 =	vld [tilespmem:s23+$0xA070]  }
0x161: {  	v63 =	vmul.f32 v8, v8;
	v8 =	vld [tilespmem:s23+$0xB070];
	v9 =	vadd.f32 v2, v9;
	v12 =	vsub.f32 v7, v59  }
0x162: {  	s25 =	simm.s32 $0x80;
	v11 =	vsub.f32 v11, v60;
	v7 =	vadd.f32 v10, v1;
	v2 =	vld [tilespmem:s23+$0xD070]  }
0x163: {  	s28 =	simm.s32 $0x400;
	v1 =	vld [tilespmem:s25+$0xC000];
	v5 =	vadd.f32 v62, v5;
	v9 =	vadd.f32 v63, v9;
	v10 =	vmul.f32 v12, v12  }
.LBB2_5:
0x164: {  	p0 =	sne.s32 s28, $0x3E00;
	v12 =	vld [tilespmem:s25+$0xE000];
	v7 =	vadd.f32 v11, v7;
	v3 =	vsub.f32 v3, v6  }
0x165: {  	v6 =	vld [tilespmem:s25+$0xC010];
	v5 =	vadd.f32 v10, v5  }
0x166: {  	v10 =	vld [tilespmem:s25+$0xE010];
	v4 =	vsub.f32 v4, v8;
	v3 =	vmul.f32 v3, v3  }
0x167: {  	v8 =	vld [tilespmem:s25+$0xC020];
	v0 =	vsub.f32 v0, v2  }
0x168: {  	v2 =	vld [tilespmem:s25+$0xE020];
	v3 =	vadd.f32 v3, v9;
	v4 =	vmul.f32 v4, v4  }
0x169: {  	v9 =	vsub.f32 v1, v12;
	v11 =	vld [tilespmem:s25+$0xC030];
	v0 =	vadd.f32 v0, v7  }
0x16a: {  	v7 =	vld [tilespmem:s25+$0xE030];
	v4 =	vadd.f32 v4, v5;
	[tilespmem:s23+$0x10000] =	vst v3  }
0x16b: {  	v3 =	vadd.f32 $0.0e+00, v9;
	v5 =	vsub.f32 v6, v10;
	v9 =	vld [tilespmem:s25+$0xC040];
	[tilespmem:s23+$0x10020] =	vst v0  }
0x16c: {  	v0 =	vld [tilespmem:s25+$0xE040];
	[tilespmem:s23+$0x10010] =	vst v4;
	s23 =	smov.u32 s25  }
0x16d: {  	v4 =	vadd.f32 v5, v3;
	v2 =	vsub.f32 v8, v2;
	v3 =	vld [tilespmem:s23+$0xC050]  }
0x16e: {  	v5 =	vld [tilespmem:s23+$0xE050]  }
0x16f: {  	v4 =	vadd.f32 v2, v4;
	v7 =	vsub.f32 v11, v7;
	v2 =	vld [tilespmem:s23+$0xC060]  }
0x170: {  	v10 =	vld [tilespmem:s23+$0xE060]  }
0x171: {  	v4 =	vadd.f32 v7, v4;
	v7 =	vsub.f32 v9, v0;
	v0 =	vld [tilespmem:s23+$0xC070]  }
0x172: {  	v12 =	vld [tilespmem:s23+$0xE070]  }
0x173: {  	v13 =	vld [tilespmem:s23+$0x8000];
	v4 =	vadd.f32 v7, v4;
	v5 =	vsub.f32 v3, v5  }
0x174: {  	v7 =	vld [tilespmem:s23+$0x9000]  }
0x175: {  	v14 =	vld [tilespmem:s23+$0xA000];
	v4 =	vadd.f32 v5, v4;
	v5 =	vsub.f32 v2, v10  }
0x176: {  	v10 =	vld [tilespmem:s23+$0xB000]  }
0x177: {  	v15 =	vld [tilespmem:s23+$0xD000];
	v4 =	vadd.f32 v5, v4;
	v5 =	vsub.f32 v0, v12  }
0x178: {  	v12 =	vld [tilespmem:s23+$0x8010]  }
0x179: {  	v7 =	vsub.f32 v13, v7;
	v13 =	vld [tilespmem:s23+$0x9010];
	v4 =	vadd.f32 v5, v4  }
0x17a: {  	v5 =	vld [tilespmem:s23+$0xA010]  }
0x17b: {  	v10 =	vsub.f32 v14, v10;
	v7 =	vmul.f32 v7, v7;
	v14 =	vld [tilespmem:s23+$0xB010];
	[tilespmem:s23+$0x10030] =	vst v4  }
0x17c: {  	v1 =	vsub.f32 v1, v15;
	v4 =	vld [tilespmem:s23+$0xD010]  }
0x17d: {  	v10 =	vmul.f32 v10, v10;
	v15 =	vld [tilespmem:s23+$0x8020]  }
0x17e: {  	v1 =	vadd.f32 $0.0e+00, v1;
	v12 =	vsub.f32 v12, v13;
	v13 =	vld [tilespmem:s23+$0x9020]  }
0x17f: {  	v16 =	vld [tilespmem:s23+$0xA020]  }
0x180: {  	v5 =	vsub.f32 v5, v14;
	v12 =	vmul.f32 v12, v12;
	v14 =	vld [tilespmem:s23+$0xB020]  }
0x181: {  	v4 =	vsub.f32 v6, v4;
	v6 =	vld [tilespmem:s23+$0xD020]  }
0x182: {  	v7 =	vadd.f32 v12, v7;
	v5 =	vmul.f32 v5, v5;
	v12 =	vld [tilespmem:s23+$0x8030]  }
0x183: {  	v1 =	vadd.f32 v4, v1;
	v4 =	vsub.f32 v15, v13;
	v13 =	vld [tilespmem:s23+$0x9030]  }
0x184: {  	v5 =	vadd.f32 v5, v10;
	v10 =	vld [tilespmem:s23+$0xA030]  }
0x185: {  	v14 =	vsub.f32 v16, v14;
	v4 =	vmul.f32 v4, v4;
	v15 =	vld [tilespmem:s23+$0xB030]  }
0x186: {  	v6 =	vsub.f32 v8, v6;
	v8 =	vld [tilespmem:s23+$0xD030]  }
0x187: {  	v4 =	vadd.f32 v4, v7;
	v7 =	vmul.f32 v14, v14;
	v14 =	vld [tilespmem:s23+$0x8040]  }
0x188: {  	v1 =	vadd.f32 v6, v1;
	v6 =	vsub.f32 v12, v13;
	v12 =	vld [tilespmem:s23+$0x9040]  }
0x189: {  	v5 =	vadd.f32 v7, v5;
	v7 =	vld [tilespmem:s23+$0xA040]  }
0x18a: {  	v10 =	vsub.f32 v10, v15;
	v6 =	vmul.f32 v6, v6;
	v13 =	vld [tilespmem:s23+$0xB040]  }
0x18b: {  	v8 =	vsub.f32 v11, v8;
	v11 =	vld [tilespmem:s23+$0xD040]  }
0x18c: {  	v4 =	vadd.f32 v6, v4;
	v6 =	vmul.f32 v10, v10;
	v10 =	vld [tilespmem:s23+$0x8050]  }
0x18d: {  	v1 =	vadd.f32 v8, v1;
	v8 =	vsub.f32 v14, v12;
	v12 =	vld [tilespmem:s23+$0x9050]  }
0x18e: {  	v5 =	vadd.f32 v6, v5;
	v6 =	vld [tilespmem:s23+$0xA050]  }
0x18f: {  	v7 =	vsub.f32 v7, v13;
	v8 =	vmul.f32 v8, v8;
	v13 =	vld [tilespmem:s23+$0xB050]  }
0x190: {  	v9 =	vsub.f32 v9, v11;
	v11 =	vld [tilespmem:s23+$0xD050]  }
0x191: {  	v4 =	vadd.f32 v8, v4;
	v7 =	vmul.f32 v7, v7;
	v8 =	vld [tilespmem:s23+$0x8060]  }
0x192: {  	v1 =	vadd.f32 v9, v1;
	v9 =	vsub.f32 v10, v12;
	v10 =	vld [tilespmem:s23+$0x9060]  }
0x193: {  	v5 =	vadd.f32 v7, v5;
	v12 =	vld [tilespmem:s23+$0xA060]  }
0x194: {  	v6 =	vsub.f32 v6, v13;
	v7 =	vmul.f32 v9, v9;
	v9 =	vld [tilespmem:s23+$0xB060]  }
0x195: {  	v11 =	vsub.f32 v3, v11;
	v13 =	vld [tilespmem:s23+$0xD060]  }
0x196: {  	v14 =	vadd.f32 v7, v4;
	v4 =	vmul.f32 v6, v6;
	v3 =	vld [tilespmem:s23+$0x8070]  }
.Ltmp3:
0x197: {  	v7 =	vadd.f32 v11, v1;
	v1 =	vsub.f32 v8, v10;
	v6 =	vld [tilespmem:s23+$0x9070];
	(pc) =	sbr.rel @p0 .LBB2_5-.Ltmp3, $4  }
0x198: {  	v5 =	vadd.f32 v4, v5;
	v4 =	vld [tilespmem:s23+$0xA070]  }
0x199: {  	v10 =	vsub.f32 v12, v9;
	v9 =	vmul.f32 v1, v1;
	v8 =	vld [tilespmem:s23+$0xB070]  }
0x19a: {  	s25 =	sshra.s32 s28, $0x2;
	v11 =	vsub.f32 v2, v13;
	v2 =	vld [tilespmem:s23+$0xD070]  }
0x19b: {  	s28 =	sadd.s32 $0x200, s28;
	v1 =	vld [tilespmem:s25+$0xC000];
	v9 =	vadd.f32 v9, v14;
	v10 =	vmul.f32 v10, v10  }
0x19c: {  	v12 =	vld [tilespmem:s25+$0xE000];
	v3 =	vsub.f32 v3, v6  }
0x19d: {  	v37 =	vld [tilespmem:s25+$0xC010]  }
0x19e: {  	v13 =	vld [tilespmem:s25+$0xE010];
	v3 =	vmul.f32 v3, v3;
	v4 =	vsub.f32 v4, v8  }
0x19f: {  	v14 =	vld [tilespmem:s25+$0xC020];
	v7 =	vadd.f32 v11, v7;
	v0 =	vsub.f32 v0, v2  }
0x1a0: {  	v38 =	vld [tilespmem:s25+$0xE020];
	v5 =	vadd.f32 v10, v5;
	v39 =	vadd.f32 v3, v9;
	v4 =	vmul.f32 v4, v4  }
0x1a1: {  	v40 =	vld [tilespmem:s25+$0xE030];
	v0 =	vadd.f32 v0, v7  }
0x1a2: {  	v3 =	vld [tilespmem:s25+$0xC030];
	[tilespmem:s23+$0x10000] =	vst v39;
	v4 =	vadd.f32 v4, v5  }
0x1a3: {  	v2 =	vld [tilespmem:s25+$0xC040];
	[tilespmem:s23+$0x10020] =	vst v0  }
0x1a4: {  	v0 =	vld [tilespmem:s25+$0xE040];
	[tilespmem:s23+$0x10010] =	vst v4  }
0x1a5: {  	v4 =	vld [tilespmem:s25+$0xC050]  }
0x1a6: {  	v45 =	vld [tilespmem:s25+$0xE050]  }
0x1a7: {  	v10 =	vld [tilespmem:s25+$0xC060]  }
0x1a8: {  	v47 =	vld [tilespmem:s25+$0xE060]  }
0x1a9: {  	v11 =	vld [tilespmem:s25+$0xC070]  }
0x1aa: {  	v48 =	vld [tilespmem:s25+$0xE070]  }
0x1ab: {  	v49 =	vld [tilespmem:s25+$0x8000]  }
0x1ac: {  	v51 =	vld [tilespmem:s25+$0x9000]  }
0x1ad: {  	v52 =	vld [tilespmem:s25+$0xA000]  }
0x1ae: {  	v54 =	vld [tilespmem:s25+$0xB000]  }
0x1af: {  	v15 =	vld [tilespmem:s25+$0xD000]  }
0x1b0: {  	v56 =	vld [tilespmem:s25+$0x8010]  }
0x1b1: {  	v16 =	vld [tilespmem:s25+$0x9010]  }
0x1b2: {  	v57 =	vld [tilespmem:s25+$0xA010]  }
0x1b3: {  	v17 =	vld [tilespmem:s25+$0xB010]  }
0x1b4: {  	v58 =	vld [tilespmem:s25+$0xD010]  }
0x1b5: {  	v18 =	vld [tilespmem:s25+$0x8020]  }
0x1b6: {  	v19 =	vld [tilespmem:s25+$0x9020]  }
0x1b7: {  	v20 =	vld [tilespmem:s25+$0xA020]  }
0x1b8: {  	v41 =	vsub.f32 v1, v12;
	v21 =	vld [tilespmem:s25+$0xB020]  }
0x1b9: {  	v22 =	vld [tilespmem:s25+$0xD020]  }
0x1ba: {  	v43 =	vsub.f32 v37, v13;
	v42 =	vadd.f32 $0.0e+00, v41;
	v23 =	vld [tilespmem:s25+$0x8030]  }
0x1bb: {  	v25 =	vld [tilespmem:s25+$0xA030]  }
0x1bc: {  	v44 =	vsub.f32 v14, v38;
	v5 =	vadd.f32 v43, v42;
	v26 =	vld [tilespmem:s25+$0xB030]  }
0x1bd: {  	v27 =	vld [tilespmem:s25+$0xD030]  }
0x1be: {  	v46 =	vsub.f32 v3, v40;
	v28 =	vld [tilespmem:s25+$0x8040];
	v5 =	vadd.f32 v44, v5  }
0x1bf: {  	v29 =	vld [tilespmem:s25+$0x9040]  }
0x1c0: {  	v59 =	vld [tilespmem:s25+$0xA040];
	v5 =	vadd.f32 v46, v5;
	v0 =	vsub.f32 v2, v0  }
0x1c1: {  	v60 =	vld [tilespmem:s25+$0xB040];
	v50 =	vsub.f32 v4, v45;
	v53 =	vsub.f32 v10, v47  }
0x1c2: {  	v62 =	vld [tilespmem:s25+$0xD040];
	v55 =	vsub.f32 v11, v48;
	v8 =	vsub.f32 v49, v51  }
0x1c3: {  	v63 =	vld [tilespmem:s25+$0x8050];
	v9 =	vsub.f32 v52, v54;
	v7 =	vsub.f32 v56, v16  }
0x1c4: {  	v31 =	vld [tilespmem:s25+$0x9050];
	v61 =	vsub.f32 v1, v15;
	v30 =	vsub.f32 v18, v19  }
0x1c5: {  	v38 =	vld [tilespmem:s25+$0xD050];
	v32 =	vsub.f32 v20, v21;
	v14 =	vsub.f32 v14, v22  }
0x1c6: {  	v40 =	vld [tilespmem:s25+$0x8060];
	v39 =	vsub.f32 v25, v26;
	v0 =	vadd.f32 v0, v5  }
0x1c7: {  	v42 =	vld [tilespmem:s25+$0x9060];
	v3 =	vsub.f32 v3, v27;
	v43 =	vsub.f32 v28, v29  }
0x1c8: {  	v24 =	vld [tilespmem:s25+$0x9030];
	v45 =	vsub.f32 v59, v60;
	v0 =	vadd.f32 v50, v0  }
0x1c9: {  	v33 =	vld [tilespmem:s25+$0xA050];
	v2 =	vsub.f32 v2, v62;
	v6 =	vsub.f32 v63, v31  }
0x1ca: {  	v36 =	vld [tilespmem:s25+$0xB050];
	v4 =	vsub.f32 v4, v38;
	v0 =	vadd.f32 v53, v0  }
0x1cb: {  	v49 =	vld [tilespmem:s25+$0x8070];
	v5 =	vsub.f32 v57, v17;
	v8 =	vmul.f32 v8, v8;
	v7 =	vmul.f32 v7, v7  }
0x1cc: {  	v51 =	vld [tilespmem:s25+$0x9070];
	v54 =	vsub.f32 v40, v42;
	v9 =	vmul.f32 v9, v9;
	v0 =	vadd.f32 v55, v0  }
0x1cd: {  	v44 =	vld [tilespmem:s25+$0xA060];
	v1 =	vadd.f32 $0.0e+00, v61;
	v5 =	vmul.f32 v5, v5;
	v7 =	vadd.f32 v7, v8  }
0x1ce: {  	v46 =	vld [tilespmem:s25+$0xB060];
	v35 =	vmul.f32 v30, v30;
	[tilespmem:s25+$0x10030] =	vst v0;
	v0 =	vsub.f32 v37, v58;
	v37 =	vsub.f32 v23, v24  }
0x1cf: {  	v50 =	vsub.f32 v33, v36;
	v8 =	vmul.f32 v32, v32;
	v34 =	vadd.f32 v5, v9;
	v53 =	vld [tilespmem:s25+$0xA070]  }
0x1d0: {  	v5 =	vadd.f32 v35, v7;
	v55 =	vld [tilespmem:s25+$0xB070];
	v0 =	vadd.f32 v0, v1;
	v41 =	vmul.f32 v37, v37  }
0x1d1: {  	v59 =	vsub.f32 v49, v51;
	v7 =	vmul.f32 v39, v39;
	v1 =	vadd.f32 v8, v34  }
0x1d2: {  	v48 =	vld [tilespmem:s25+$0xD060];
	v47 =	vmul.f32 v43, v43;
	v0 =	vadd.f32 v14, v0;
	v5 =	vadd.f32 v41, v5  }
0x1d3: {  	v58 =	vsub.f32 v44, v46;
	v8 =	vmul.f32 v45, v45;
	v1 =	vadd.f32 v7, v1  }
0x1d4: {  	v56 =	vld [tilespmem:s25+$0xD070];
	v52 =	vmul.f32 v6, v6;
	v0 =	vadd.f32 v3, v0;
	v3 =	vadd.f32 v47, v5  }
0x1d5: {  	v61 =	vsub.f32 v53, v55;
	v1 =	vadd.f32 v8, v1;
	v5 =	vmul.f32 v50, v50  }
0x1d6: {  	v57 =	vmul.f32 v54, v54;
	v0 =	vadd.f32 v2, v0;
	v2 =	vadd.f32 v52, v3  }
0x1d7: {  	v60 =	vmul.f32 v58, v58;
	v7 =	vsub.f32 v10, v48;
	v1 =	vadd.f32 v5, v1  }
0x1d8: {  	v62 =	vmul.f32 v59, v59;
	v0 =	vadd.f32 v4, v0;
	v2 =	vadd.f32 v57, v2  }
0x1d9: {  	v63 =	vmul.f32 v61, v61;
	v3 =	vsub.f32 v11, v56;
	v1 =	vadd.f32 v60, v1  }
0x1da: {  	s23 =	sshll.u32 s22, $0x6;
	v0 =	vadd.f32 v7, v0;
	v2 =	vadd.f32 v62, v2  }
.Ltmp4:
0x1db: {  	s0 =	sadd.s32 s23, s4;
	v1 =	vadd.f32 v63, v1;
	(pc) =	sbr.rel @p1 .LBB2_8-.Ltmp4, $4  }
0x1dc: {  	s0 =	sshll.u32 s0, $0x4;
	v0 =	vadd.f32 v3, v0;
	[tilespmem:s25+$0x10000] =	vst v2  }
0x1dd: {  	s0 =	sadd.s32 s5, s0;
	[tilespmem:s25+$0x10010] =	vst v1  }
0x1de: {  	s0 =	sadd.s32 $0x200, s0;
	[tilespmem:s25+$0x10020] =	vst v0  }
0x1df: {  	[hbm4b:s0+s3] =	stream.linear.scatter [tilespmem:s18], [sflag:$0x4], $0x1000, $0x38;
	[tilespmem:$0x11000] =	vst v63  }
0x1e0: {  	s0 =	sadd.s32 $0x60, s23  }
0x1e1: {  	s11 =	sshll.u32 s0, $0x3  }
0x1e2: {  	s0 =	sand.u32 $0x60, s0;
	s28 =	sand.u32 $0x1C00, s11  }
0x1e3: {  	s23 =	sor.u32 s0, s28  }
0x1e4: {  	[tilespmem:s24], [sflag:$0x2] =	stream.indirect.gather [hbm4b:s2+s10], $0x80, s23, s10, $0xb8;
	[tilespmem:$0x11000] =	vst v63  }
0x1e5: {  	s25 =	sor.u32 $0x80, s23  }
0x1e6: {  	[tilespmem:s26], [sflag:$0x2] =	stream.indirect.gather [hbm4b:s2+s10], $0x80, s25, s10, $0xb8;
	[tilespmem:$0x11000] =	vst v63  }
0x1e7: {  	s30 =	sor.u32 $0x100, s23  }
0x1e8: {  	[tilespmem:s29], [sflag:$0x2] =	stream.indirect.gather [hbm4b:s2+s10], $0x80, s30, s10, $0xb8;
	[tilespmem:$0x11000] =	vst v63  }
0x1e9: {  	s28 =	sor.u32 $0x180, s23  }
0x1ea: {  	[tilespmem:s31], [sflag:$0x2] =	stream.indirect.gather [hbm4b:s2+s10], $0x80, s28, s10, $0xb8;
	[tilespmem:$0x11000] =	vst v63  }
0x1eb: {  	s30 =	sor.u32 $0x200, s23  }
0x1ec: {  	[tilespmem:s1], [sflag:$0x2] =	stream.indirect.gather [hbm4b:s2+s10], $0x80, s30, s10, $0xb8;
	[tilespmem:$0x11000] =	vst v63  }
.Ltmp5:
0x1ed: {  	_ = 	snop;
	(pc) =	sbr.rel .LBB2_2-.Ltmp5, $4  }
0x1ee: {  	s0 =	sor.u32 s11, s0;
	s23 =	sor.u32 $0x280, s23  }
0x1ef: {  	[tilespmem:s12], [sflag:$0x2] =	stream.indirect.gather [hbm4b:s2+s10], $0x80, s23, s10, $0xb8;
	[tilespmem:$0x11000] =	vst v63  }
0x1f0: {  	s22 =	sadd.s32 $0x1, s22;
	s0 =	sor.u32 $0x200, s0  }
0x1f1: {  	[tilespmem:s14], [sflag:$0x2] =	stream.indirect.gather [hbm4b:s2+s10], $0x80, s0, s10, $0xb8;
	[tilespmem:$0x11000] =	vst v63  }
.LBB2_9:
0x1f2: {  	_ =	sfence.sel $0x180000  }
0x1f3: {  	[bflag:$0x0] =	sbarrier.arrive $0xFFFF  }
0x1f4: {  	_ =	strace $0x90000047  }
0x1f5: {  	s0 =	stileid.u32;
	[bflag:$0x2] =	sbarrier.arrive $0xFFFF  }
0x1f6: {  	p0 =	sne.s32 s0, $0x0;
	s0 =	rddreg [dreg:$0x2]  }
0x1f7: {  	s0 =	sadd.s32 @!p0 $0x100000, s0  }
0x1f8: {  	[sflag:s0] =	ssyncadd.tile.s32 @!p0 $0x1;
	_ =	shalt  }
.Lfunc_end2:
_tile_overlayer_lowered:
.L_overlay_start_2:
0x1f9: {  	(tag) =	ssettag $0x2  }
0x1fa: {  	s0 =	rddreg [dreg:$0x0];
	s2 =	stileid.u32  }
0x1fb: {  	s1 =	rddreg [dreg:$0x1];
	p0 =	sne.s32 s2, $0x0  }
0x1fc: {  	s3 =	rddreg [dreg:$0x2];
	[bflag:$0x3] =	sbarrier.arrive $0xFFFF;
	s2 =	simm.s32 @!p0 $0x1C05  }
0x1fd: {  	[timem:s3], [sflag:s2] =	dma.local @!p0 [hbm:s0], s1  }
0x1fe: {  	s0 =	simm.s32 @!p0 $0x5  }
0x1ff: {  	_ =	swait.ge @!p0 [sflag:s0], s1  }
0x200: {  	s1 =	ssub.s32 @!p0 $0x0, s1;
	[sflag:s0] =	ssyncset.done @!p0 $0x0  }
0x201: {  	[sflag:s0] =	ssyncadd.s32 @!p0 s1  }
0x202: {  	[bflag:$0x3] =	sbarrier.arrive $0xFFFF  }
0x203: {  	_ =	shalt  }

</sc_bundles>
